<compile_context>
chip_gen: v7x
topology: tpu7x:2x2x1
jax: 0.10.2.dev20260603
libtpu: 0.0.44.dev20260713+nightly
codegen_flags: <defaults>
</compile_context>

<pallas_src>
import functools

import jax
import jax.numpy as jnp
from jax import lax
from jax.experimental import pallas as pl
from jax.experimental.pallas import tpu as pltpu
from jax.experimental.pallas import tpu_sc as plsc

BATCH = 16384
K = 16
LANE = 128
NUM_CORES = 2
NUM_SUBCORES = 16
NW = NUM_CORES * NUM_SUBCORES
BPW = BATCH // NW
NGRP = BPW // K


def _mf_body(user_hbm, item_hbm, wt_hbm, ht_hbm, out_hbm,
             uidx_v, iidx_v, win_v, urt_v, vrt_v, out_v, sem):
    c = lax.axis_index("c")
    s = lax.axis_index("s")
    wid = s * NUM_CORES + c

    pltpu.sync_copy(user_hbm.at[wid], uidx_v)
    pltpu.sync_copy(item_hbm.at[wid], iidx_v)

    iota = lax.iota(jnp.int32, K)

    def gather_pass(idx_v, tab_hbm, rt_v):
        def fire(g, b):
            vv = idx_v[pl.ds(g * K, K)] & jnp.int32(~(LANE - 1))
            for r in range(K):
                off = pl.multiple_of(vv[r], LANE)
                pltpu.async_copy(tab_hbm.at[:, pl.ds(off, LANE)],
                                 win_v.at[b, r], sem)

        fire(0, 0)

        def group_step(g, _):
            b = lax.rem(g, 2)

            @pl.when(g + 1 < NGRP)
            def _fire_next():
                fire(g + 1, lax.rem(g + 1, 2))

            for r in range(K):
                pltpu.make_async_copy(tab_hbm.at[:, pl.ds(0, LANE)],
                                      win_v.at[b, r], sem).wait()

            rem = idx_v[pl.ds(g * K, K)] & jnp.int32(LANE - 1)
            bvec = jnp.full((K,), b, jnp.int32)
            for j in range(K):
                cols = jnp.full((K,), j, jnp.int32)
                vals = plsc.load_gather(win_v, [bvec, iota, cols, rem])
                rt_v[j, pl.ds(g * K, K)] = vals
            return _

        lax.fori_loop(0, NGRP, group_step, 0)

    gather_pass(uidx_v, wt_hbm, urt_v)
    gather_pass(iidx_v, ht_hbm, vrt_v)

    def dot_step(g, _):
        acc = jnp.zeros((K,), jnp.float32)
        for j in range(K):
            acc = acc + urt_v[j, pl.ds(g * K, K)] * vrt_v[j, pl.ds(g * K, K)]
        out_v[pl.ds(g * K, K)] = acc
        return _

    lax.fori_loop(0, NGRP, dot_step, 0)
    pltpu.sync_copy(out_v, out_hbm.at[wid])


@functools.partial(jax.jit, static_argnums=())
def _mf(user, item, wt, ht):
    mesh = plsc.VectorSubcoreMesh(core_axis_name="c", subcore_axis_name="s")
    f = pl.kernel(
        _mf_body,
        out_type=jax.ShapeDtypeStruct((NW, BPW), jnp.float32),
        mesh=mesh,
        scratch_types=[
            pltpu.VMEM((BPW,), jnp.int32),
            pltpu.VMEM((BPW,), jnp.int32),
            pltpu.VMEM((2, K, K, LANE), jnp.float32),
            pltpu.VMEM((K, BPW), jnp.float32),
            pltpu.VMEM((K, BPW), jnp.float32),
            pltpu.VMEM((BPW,), jnp.float32),
            pltpu.SemaphoreType.DMA,
        ],
        compiler_params=pltpu.CompilerParams(
            needs_layout_passes=False, use_tc_tiling_on_sc=True),
    )
    return f(user, item, wt, ht)


def kernel(x, W, H):
    xi = x.astype(jnp.int32)
    user = xi[:, 0].reshape(NW, BPW)
    item = xi[:, 1].reshape(NW, BPW)
    out = _mf(user, item, W.T, H.T)
    return out.reshape(BATCH)

# --- scband reference (transcript-rebuilt; emitter-appended) ---
"""Pipeline reference for scband-mf-77455440216510 (READ-ONLY COPY).

The authoritative reference and input builder live on the scoring server;
editing this copy changes nothing except your own understanding.
"""

import jax, jax.numpy as jnp
import numpy as np

NUM_USERS = 1000000
NUM_ITEMS = 1000000
EMBED_K = 16
BATCH = 16384


def setup_inputs(seed: int = 0) -> dict:
    key = jax.random.key(seed)
    k_x, k_w, k_h = jax.random.split(key, 3)
    x = jax.random.randint(k_x, (BATCH, 2), 0, NUM_USERS, dtype=jnp.int64) if jax.config.jax_enable_x64 else jax.random.randint(k_x, (BATCH, 2), 0, NUM_USERS, dtype=jnp.int32)
    W = jax.random.normal(k_w, (NUM_USERS, EMBED_K), dtype=jnp.float32)
    H = jax.random.normal(k_h, (NUM_ITEMS, EMBED_K), dtype=jnp.float32)
    return {"x": x, "W": W, "H": H}


def reference(x, W, H):
    # Faithful translation of MF.forward (is_training=False)
    user_idx = x[:, 0]
    item_idx = x[:, 1]
    U_emb = jnp.take(W, user_idx, axis=0)
    V_emb = jnp.take(H, item_idx, axis=0)
    out = jnp.sum(U_emb * V_emb, axis=1)
    return out

if __name__ == "__main__":
    import jax
    _d = setup_inputs()
    print(jax.jit(kernel)(*tuple(_d.values())))

</pallas_src>

<mosaic_0001>
#map = affine_map<(d0, d1) -> (0, 0)>
module attributes {stable_mosaic.version = 14 : i64} {
  func.func @_mf_body(%arg0: i32, %arg1: i32, %arg2: memref<32x512xi32, #tpu.memory_space<hbm>>, %arg3: memref<32x512xi32, #tpu.memory_space<hbm>>, %arg4: memref<16x1000000xf32, #tpu.memory_space<hbm>>, %arg5: memref<16x1000000xf32, #tpu.memory_space<hbm>>, %arg6: memref<32x512xf32, #tpu.memory_space<hbm>>, %arg7: memref<512xi32, #tpu.memory_space<vmem>>, %arg8: memref<512xi32, #tpu.memory_space<vmem>>, %arg9: memref<2x16x16x128xf32, #tpu.memory_space<vmem>>, %arg10: memref<16x512xf32, #tpu.memory_space<vmem>>, %arg11: memref<16x512xf32, #tpu.memory_space<vmem>>, %arg12: memref<512xf32, #tpu.memory_space<vmem>>, %arg13: memref<!tpu.dma_semaphore, #tpu.memory_space<semaphore_mem>>) attributes {dimension_semantics = [#tpu.dimension_semantics<core_parallel>, #tpu.dimension_semantics<subcore_parallel>], iteration_bounds = array<i64: 2, 16>, scalar_prefetch = 0 : i64, scratch_operands = 7 : i64, tpu.core_type = #tpu.core_type<sc_vector_subcore>, window_params = [{transform_indices = #map}, {transform_indices = #map}, {transform_indices = #map}, {transform_indices = #map}, {transform_indices = #map}]} {
    %mul3A = arith.constant 2 : i32
    %mul3A_0 = arith.muli %arg1, %mul3A : i32
    %add3A = arith.addi %mul3A_0, %arg0 : i32
    "tpu.region"() ({
      %run_scoped3A = tpu.sem_alloc : memref<!tpu.dma_semaphore, #tpu.memory_space<semaphore_mem>>
      %dma_start3A_566 = arith.constant 0 : i32
      %dma_start3A_567 = tpu.memref_slice %arg2[%add3A, %dma_start3A_566] : memref<32x512xi32, #tpu.memory_space<hbm>> -> memref<1x512xi32, #tpu.memory_space<hbm>>
      %dma_start3A_568 = tpu.memref_squeeze %dma_start3A_567 : memref<1x512xi32, #tpu.memory_space<hbm>> -> memref<512xi32, #tpu.memory_space<hbm>>
      %dma_start3A_569 = arith.constant 0 : i32
      %dma_start3A_570 = tpu.memref_slice %arg2[%add3A, %dma_start3A_569] : memref<32x512xi32, #tpu.memory_space<hbm>> -> memref<1x512xi32, #tpu.memory_space<hbm>>
      %dma_start3A_571 = tpu.memref_squeeze %dma_start3A_570 : memref<1x512xi32, #tpu.memory_space<hbm>> -> memref<512xi32, #tpu.memory_space<hbm>>
      tpu.enqueue_dma source(%dma_start3A_571 : memref<512xi32, #tpu.memory_space<hbm>>) target(%arg7 : memref<512xi32, #tpu.memory_space<vmem>>) target_semaphore(%run_scoped3A : memref<!tpu.dma_semaphore, #tpu.memory_space<semaphore_mem>>)
      %dma_wait3A = arith.constant 0 : i32
      %dma_wait3A_572 = tpu.memref_slice %arg2[%add3A, %dma_wait3A] : memref<32x512xi32, #tpu.memory_space<hbm>> -> memref<1x512xi32, #tpu.memory_space<hbm>>
      %dma_wait3A_573 = tpu.memref_squeeze %dma_wait3A_572 : memref<1x512xi32, #tpu.memory_space<hbm>> -> memref<512xi32, #tpu.memory_space<hbm>>
      %dma_wait3A_574 = arith.constant 0 : i32
      %dma_wait3A_575 = tpu.memref_slice %arg2[%add3A, %dma_wait3A_574] : memref<32x512xi32, #tpu.memory_space<hbm>> -> memref<1x512xi32, #tpu.memory_space<hbm>>
      %dma_wait3A_576 = tpu.memref_squeeze %dma_wait3A_575 : memref<1x512xi32, #tpu.memory_space<hbm>> -> memref<512xi32, #tpu.memory_space<hbm>>
      tpu.wait_dma2 semaphore(%run_scoped3A : memref<!tpu.dma_semaphore, #tpu.memory_space<semaphore_mem>>) src(%dma_wait3A_576 : memref<512xi32, #tpu.memory_space<hbm>>) dst(%arg7 : memref<512xi32, #tpu.memory_space<vmem>>)
      tpu.yield
    }) : () -> ()
    "tpu.region"() ({
      %run_scoped3A = tpu.sem_alloc : memref<!tpu.dma_semaphore, #tpu.memory_space<semaphore_mem>>
      %dma_start3A_566 = arith.constant 0 : i32
      %dma_start3A_567 = tpu.memref_slice %arg3[%add3A, %dma_start3A_566] : memref<32x512xi32, #tpu.memory_space<hbm>> -> memref<1x512xi32, #tpu.memory_space<hbm>>
      %dma_start3A_568 = tpu.memref_squeeze %dma_start3A_567 : memref<1x512xi32, #tpu.memory_space<hbm>> -> memref<512xi32, #tpu.memory_space<hbm>>
      %dma_start3A_569 = arith.constant 0 : i32
      %dma_start3A_570 = tpu.memref_slice %arg3[%add3A, %dma_start3A_569] : memref<32x512xi32, #tpu.memory_space<hbm>> -> memref<1x512xi32, #tpu.memory_space<hbm>>
      %dma_start3A_571 = tpu.memref_squeeze %dma_start3A_570 : memref<1x512xi32, #tpu.memory_space<hbm>> -> memref<512xi32, #tpu.memory_space<hbm>>
      tpu.enqueue_dma source(%dma_start3A_571 : memref<512xi32, #tpu.memory_space<hbm>>) target(%arg8 : memref<512xi32, #tpu.memory_space<vmem>>) target_semaphore(%run_scoped3A : memref<!tpu.dma_semaphore, #tpu.memory_space<semaphore_mem>>)
      %dma_wait3A = arith.constant 0 : i32
      %dma_wait3A_572 = tpu.memref_slice %arg3[%add3A, %dma_wait3A] : memref<32x512xi32, #tpu.memory_space<hbm>> -> memref<1x512xi32, #tpu.memory_space<hbm>>
      %dma_wait3A_573 = tpu.memref_squeeze %dma_wait3A_572 : memref<1x512xi32, #tpu.memory_space<hbm>> -> memref<512xi32, #tpu.memory_space<hbm>>
      %dma_wait3A_574 = arith.constant 0 : i32
      %dma_wait3A_575 = tpu.memref_slice %arg3[%add3A, %dma_wait3A_574] : memref<32x512xi32, #tpu.memory_space<hbm>> -> memref<1x512xi32, #tpu.memory_space<hbm>>
      %dma_wait3A_576 = tpu.memref_squeeze %dma_wait3A_575 : memref<1x512xi32, #tpu.memory_space<hbm>> -> memref<512xi32, #tpu.memory_space<hbm>>
      tpu.wait_dma2 semaphore(%run_scoped3A : memref<!tpu.dma_semaphore, #tpu.memory_space<semaphore_mem>>) src(%dma_wait3A_576 : memref<512xi32, #tpu.memory_space<hbm>>) dst(%arg8 : memref<512xi32, #tpu.memory_space<vmem>>)
      tpu.yield
    }) : () -> ()
    %iota3A = tpu.iota {dimensions = array<i32: 0>} : vector<16xi32>
    %get3A = arith.constant 0 : index
    %get3A_1 = tpu.vector_load %arg7[%get3A] {strides = array<i32>} : memref<512xi32, #tpu.memory_space<vmem>>, vector<16xi32>,
    %and3A = arith.constant -128 : i32
    %and3A_2 = vector.broadcast %and3A : i32 to vector<16xi32>
    %and3A_3 = arith.andi %get3A_1, %and3A_2 : vector<16xi32>
    %slice3A = vector.extract_strided_slice %and3A_3 {offsets = [0], sizes = [1], strides = [1]} : vector<16xi32> to vector<1xi32>
    %squeeze3A = vector.extract %slice3A[0] : i32 from vector<1xi32>
    %multiple_of3A = tpu.assume_multiple %squeeze3A, 128 : i32
    %dma_start3A = arith.constant 0 : i32
    %dma_start3A_4 = arith.constant 0 : i32
    %dma_start3A_5 = arith.constant 0 : i32
    %dma_start3A_6 = arith.constant 0 : i32
    %dma_start3A_7 = tpu.memref_slice %arg9[%dma_start3A, %dma_start3A_4, %dma_start3A_5, %dma_start3A_6] : memref<2x16x16x128xf32, #tpu.memory_space<vmem>> -> memref<1x1x16x128xf32, #tpu.memory_space<vmem>>
    %dma_start3A_8 = tpu.memref_squeeze %dma_start3A_7 : memref<1x1x16x128xf32, #tpu.memory_space<vmem>> -> memref<16x128xf32, #tpu.memory_space<vmem>>
    %dma_start3A_9 = arith.constant 0 : i32
    %dma_start3A_10 = tpu.memref_slice %arg4[%dma_start3A_9, %multiple_of3A] : memref<16x1000000xf32, #tpu.memory_space<hbm>> -> memref<16x128xf32, #tpu.memory_space<hbm>>
    %dma_start3A_11 = arith.constant 0 : i32
    %dma_start3A_12 = arith.constant 0 : i32
    %dma_start3A_13 = tpu.memref_slice %arg9[%dma_start3A, %dma_start3A_4, %dma_start3A_11, %dma_start3A_12] : memref<2x16x16x128xf32, #tpu.memory_space<vmem>> -> memref<1x1x16x128xf32, #tpu.memory_space<vmem>>
    %dma_start3A_14 = tpu.memref_squeeze %dma_start3A_13 : memref<1x1x16x128xf32, #tpu.memory_space<vmem>> -> memref<16x128xf32, #tpu.memory_space<vmem>>
    %dma_start3A_15 = arith.constant 0 : i32
    %dma_start3A_16 = tpu.memref_slice %arg4[%dma_start3A_15, %multiple_of3A] : memref<16x1000000xf32, #tpu.memory_space<hbm>> -> memref<16x128xf32, #tpu.memory_space<hbm>>
    tpu.enqueue_dma source(%dma_start3A_16 : memref<16x128xf32, #tpu.memory_space<hbm>>) target(%dma_start3A_14 : memref<16x128xf32, #tpu.memory_space<vmem>>) target_semaphore(%arg13 : memref<!tpu.dma_semaphore, #tpu.memory_space<semaphore_mem>>)
    %slice3A_17 = vector.extract_strided_slice %and3A_3 {offsets = [1], sizes = [1], strides = [1]} : vector<16xi32> to vector<1xi32>
    %squeeze3A_18 = vector.extract %slice3A_17[0] : i32 from vector<1xi32>
    %multiple_of3A_19 = tpu.assume_multiple %squeeze3A_18, 128 : i32
    %dma_start3A_20 = arith.constant 0 : i32
    %dma_start3A_21 = arith.constant 1 : i32
    %dma_start3A_22 = arith.constant 0 : i32
    %dma_start3A_23 = arith.constant 0 : i32
    %dma_start3A_24 = tpu.memref_slice %arg9[%dma_start3A_20, %dma_start3A_21, %dma_start3A_22, %dma_start3A_23] : memref<2x16x16x128xf32, #tpu.memory_space<vmem>> -> memref<1x1x16x128xf32, #tpu.memory_space<vmem>>
    %dma_start3A_25 = tpu.memref_squeeze %dma_start3A_24 : memref<1x1x16x128xf32, #tpu.memory_space<vmem>> -> memref<16x128xf32, #tpu.memory_space<vmem>>
    %dma_start3A_26 = arith.constant 0 : i32
    %dma_start3A_27 = tpu.memref_slice %arg4[%dma_start3A_26, %multiple_of3A_19] : memref<16x1000000xf32, #tpu.memory_space<hbm>> -> memref<16x128xf32, #tpu.memory_space<hbm>>
    %dma_start3A_28 = arith.constant 0 : i32
    %dma_start3A_29 = arith.constant 0 : i32
    %dma_start3A_30 = tpu.memref_slice %arg9[%dma_start3A_20, %dma_start3A_21, %dma_start3A_28, %dma_start3A_29] : memref<2x16x16x128xf32, #tpu.memory_space<vmem>> -> memref<1x1x16x128xf32, #tpu.memory_space<vmem>>
    %dma_start3A_31 = tpu.memref_squeeze %dma_start3A_30 : memref<1x1x16x128xf32, #tpu.memory_space<vmem>> -> memref<16x128xf32, #tpu.memory_space<vmem>>
    %dma_start3A_32 = arith.constant 0 : i32
    %dma_start3A_33 = tpu.memref_slice %arg4[%dma_start3A_32, %multiple_of3A_19] : memref<16x1000000xf32, #tpu.memory_space<hbm>> -> memref<16x128xf32, #tpu.memory_space<hbm>>
    tpu.enqueue_dma source(%dma_start3A_33 : memref<16x128xf32, #tpu.memory_space<hbm>>) target(%dma_start3A_31 : memref<16x128xf32, #tpu.memory_space<vmem>>) target_semaphore(%arg13 : memref<!tpu.dma_semaphore, #tpu.memory_space<semaphore_mem>>)
    %slice3A_34 = vector.extract_strided_slice %and3A_3 {offsets = [2], sizes = [1], strides = [1]} : vector<16xi32> to vector<1xi32>
    %squeeze3A_35 = vector.extract %slice3A_34[0] : i32 from vector<1xi32>
    %multiple_of3A_36 = tpu.assume_multiple %squeeze3A_35, 128 : i32
    %dma_start3A_37 = arith.constant 0 : i32
    %dma_start3A_38 = arith.constant 2 : i32
    %dma_start3A_39 = arith.constant 0 : i32
    %dma_start3A_40 = arith.constant 0 : i32
    %dma_start3A_41 = tpu.memref_slice %arg9[%dma_start3A_37, %dma_start3A_38, %dma_start3A_39, %dma_start3A_40] : memref<2x16x16x128xf32, #tpu.memory_space<vmem>> -> memref<1x1x16x128xf32, #tpu.memory_space<vmem>>
    %dma_start3A_42 = tpu.memref_squeeze %dma_start3A_41 : memref<1x1x16x128xf32, #tpu.memory_space<vmem>> -> memref<16x128xf32, #tpu.memory_space<vmem>>
    %dma_start3A_43 = arith.constant 0 : i32
    %dma_start3A_44 = tpu.memref_slice %arg4[%dma_start3A_43, %multiple_of3A_36] : memref<16x1000000xf32, #tpu.memory_space<hbm>> -> memref<16x128xf32, #tpu.memory_space<hbm>>
    %dma_start3A_45 = arith.constant 0 : i32
    %dma_start3A_46 = arith.constant 0 : i32
    %dma_start3A_47 = tpu.memref_slice %arg9[%dma_start3A_37, %dma_start3A_38, %dma_start3A_45, %dma_start3A_46] : memref<2x16x16x128xf32, #tpu.memory_space<vmem>> -> memref<1x1x16x128xf32, #tpu.memory_space<vmem>>
    %dma_start3A_48 = tpu.memref_squeeze %dma_start3A_47 : memref<1x1x16x128xf32, #tpu.memory_space<vmem>> -> memref<16x128xf32, #tpu.memory_space<vmem>>
    %dma_start3A_49 = arith.constant 0 : i32
    %dma_start3A_50 = tpu.memref_slice %arg4[%dma_start3A_49, %multiple_of3A_36] : memref<16x1000000xf32, #tpu.memory_space<hbm>> -> memref<16x128xf32, #tpu.memory_space<hbm>>
    tpu.enqueue_dma source(%dma_start3A_50 : memref<16x128xf32, #tpu.memory_space<hbm>>) target(%dma_start3A_48 : memref<16x128xf32, #tpu.memory_space<vmem>>) target_semaphore(%arg13 : memref<!tpu.dma_semaphore, #tpu.memory_space<semaphore_mem>>)
    %slice3A_51 = vector.extract_strided_slice %and3A_3 {offsets = [3], sizes = [1], strides = [1]} : vector<16xi32> to vector<1xi32>
    %squeeze3A_52 = vector.extract %slice3A_51[0] : i32 from vector<1xi32>
    %multiple_of3A_53 = tpu.assume_multiple %squeeze3A_52, 128 : i32
    %dma_start3A_54 = arith.constant 0 : i32
    %dma_start3A_55 = arith.constant 3 : i32
    %dma_start3A_56 = arith.constant 0 : i32
    %dma_start3A_57 = arith.constant 0 : i32
    %dma_start3A_58 = tpu.memref_slice %arg9[%dma_start3A_54, %dma_start3A_55, %dma_start3A_56, %dma_start3A_57] : memref<2x16x16x128xf32, #tpu.memory_space<vmem>> -> memref<1x1x16x128xf32, #tpu.memory_space<vmem>>
    %dma_start3A_59 = tpu.memref_squeeze %dma_start3A_58 : memref<1x1x16x128xf32, #tpu.memory_space<vmem>> -> memref<16x128xf32, #tpu.memory_space<vmem>>
    %dma_start3A_60 = arith.constant 0 : i32
    %dma_start3A_61 = tpu.memref_slice %arg4[%dma_start3A_60, %multiple_of3A_53] : memref<16x1000000xf32, #tpu.memory_space<hbm>> -> memref<16x128xf32, #tpu.memory_space<hbm>>
    %dma_start3A_62 = arith.constant 0 : i32
    %dma_start3A_63 = arith.constant 0 : i32
    %dma_start3A_64 = tpu.memref_slice %arg9[%dma_start3A_54, %dma_start3A_55, %dma_start3A_62, %dma_start3A_63] : memref<2x16x16x128xf32, #tpu.memory_space<vmem>> -> memref<1x1x16x128xf32, #tpu.memory_space<vmem>>
    %dma_start3A_65 = tpu.memref_squeeze %dma_start3A_64 : memref<1x1x16x128xf32, #tpu.memory_space<vmem>> -> memref<16x128xf32, #tpu.memory_space<vmem>>
    %dma_start3A_66 = arith.constant 0 : i32
    %dma_start3A_67 = tpu.memref_slice %arg4[%dma_start3A_66, %multiple_of3A_53] : memref<16x1000000xf32, #tpu.memory_space<hbm>> -> memref<16x128xf32, #tpu.memory_space<hbm>>
    tpu.enqueue_dma source(%dma_start3A_67 : memref<16x128xf32, #tpu.memory_space<hbm>>) target(%dma_start3A_65 : memref<16x128xf32, #tpu.memory_space<vmem>>) target_semaphore(%arg13 : memref<!tpu.dma_semaphore, #tpu.memory_space<semaphore_mem>>)
    %slice3A_68 = vector.extract_strided_slice %and3A_3 {offsets = [4], sizes = [1], strides = [1]} : vector<16xi32> to vector<1xi32>
    %squeeze3A_69 = vector.extract %slice3A_68[0] : i32 from vector<1xi32>
    %multiple_of3A_70 = tpu.assume_multiple %squeeze3A_69, 128 : i32
    %dma_start3A_71 = arith.constant 0 : i32
    %dma_start3A_72 = arith.constant 4 : i32
    %dma_start3A_73 = arith.constant 0 : i32
    %dma_start3A_74 = arith.constant 0 : i32
    %dma_start3A_75 = tpu.memref_slice %arg9[%dma_start3A_71, %dma_start3A_72, %dma_start3A_73, %dma_start3A_74] : memref<2x16x16x128xf32, #tpu.memory_space<vmem>> -> memref<1x1x16x128xf32, #tpu.memory_space<vmem>>
    %dma_start3A_76 = tpu.memref_squeeze %dma_start3A_75 : memref<1x1x16x128xf32, #tpu.memory_space<vmem>> -> memref<16x128xf32, #tpu.memory_space<vmem>>
    %dma_start3A_77 = arith.constant 0 : i32
    %dma_start3A_78 = tpu.memref_slice %arg4[%dma_start3A_77, %multiple_of3A_70] : memref<16x1000000xf32, #tpu.memory_space<hbm>> -> memref<16x128xf32, #tpu.memory_space<hbm>>
    %dma_start3A_79 = arith.constant 0 : i32
    %dma_start3A_80 = arith.constant 0 : i32
    %dma_start3A_81 = tpu.memref_slice %arg9[%dma_start3A_71, %dma_start3A_72, %dma_start3A_79, %dma_start3A_80] : memref<2x16x16x128xf32, #tpu.memory_space<vmem>> -> memref<1x1x16x128xf32, #tpu.memory_space<vmem>>
    %dma_start3A_82 = tpu.memref_squeeze %dma_start3A_81 : memref<1x1x16x128xf32, #tpu.memory_space<vmem>> -> memref<16x128xf32, #tpu.memory_space<vmem>>
    %dma_start3A_83 = arith.constant 0 : i32
    %dma_start3A_84 = tpu.memref_slice %arg4[%dma_start3A_83, %multiple_of3A_70] : memref<16x1000000xf32, #tpu.memory_space<hbm>> -> memref<16x128xf32, #tpu.memory_space<hbm>>
    tpu.enqueue_dma source(%dma_start3A_84 : memref<16x128xf32, #tpu.memory_space<hbm>>) target(%dma_start3A_82 : memref<16x128xf32, #tpu.memory_space<vmem>>) target_semaphore(%arg13 : memref<!tpu.dma_semaphore, #tpu.memory_space<semaphore_mem>>)
    %slice3A_85 = vector.extract_strided_slice %and3A_3 {offsets = [5], sizes = [1], strides = [1]} : vector<16xi32> to vector<1xi32>
    %squeeze3A_86 = vector.extract %slice3A_85[0] : i32 from vector<1xi32>
    %multiple_of3A_87 = tpu.assume_multiple %squeeze3A_86, 128 : i32
    %dma_start3A_88 = arith.constant 0 : i32
    %dma_start3A_89 = arith.constant 5 : i32
    %dma_start3A_90 = arith.constant 0 : i32
    %dma_start3A_91 = arith.constant 0 : i32
    %dma_start3A_92 = tpu.memref_slice %arg9[%dma_start3A_88, %dma_start3A_89, %dma_start3A_90, %dma_start3A_91] : memref<2x16x16x128xf32, #tpu.memory_space<vmem>> -> memref<1x1x16x128xf32, #tpu.memory_space<vmem>>
    %dma_start3A_93 = tpu.memref_squeeze %dma_start3A_92 : memref<1x1x16x128xf32, #tpu.memory_space<vmem>> -> memref<16x128xf32, #tpu.memory_space<vmem>>
    %dma_start3A_94 = arith.constant 0 : i32
    %dma_start3A_95 = tpu.memref_slice %arg4[%dma_start3A_94, %multiple_of3A_87] : memref<16x1000000xf32, #tpu.memory_space<hbm>> -> memref<16x128xf32, #tpu.memory_space<hbm>>
    %dma_start3A_96 = arith.constant 0 : i32
    %dma_start3A_97 = arith.constant 0 : i32
    %dma_start3A_98 = tpu.memref_slice %arg9[%dma_start3A_88, %dma_start3A_89, %dma_start3A_96, %dma_start3A_97] : memref<2x16x16x128xf32, #tpu.memory_space<vmem>> -> memref<1x1x16x128xf32, #tpu.memory_space<vmem>>
    %dma_start3A_99 = tpu.memref_squeeze %dma_start3A_98 : memref<1x1x16x128xf32, #tpu.memory_space<vmem>> -> memref<16x128xf32, #tpu.memory_space<vmem>>
    %dma_start3A_100 = arith.constant 0 : i32
    %dma_start3A_101 = tpu.memref_slice %arg4[%dma_start3A_100, %multiple_of3A_87] : memref<16x1000000xf32, #tpu.memory_space<hbm>> -> memref<16x128xf32, #tpu.memory_space<hbm>>
    tpu.enqueue_dma source(%dma_start3A_101 : memref<16x128xf32, #tpu.memory_space<hbm>>) target(%dma_start3A_99 : memref<16x128xf32, #tpu.memory_space<vmem>>) target_semaphore(%arg13 : memref<!tpu.dma_semaphore, #tpu.memory_space<semaphore_mem>>)
    %slice3A_102 = vector.extract_strided_slice %and3A_3 {offsets = [6], sizes = [1], strides = [1]} : vector<16xi32> to vector<1xi32>
    %squeeze3A_103 = vector.extract %slice3A_102[0] : i32 from vector<1xi32>
    %multiple_of3A_104 = tpu.assume_multiple %squeeze3A_103, 128 : i32
    %dma_start3A_105 = arith.constant 0 : i32
    %dma_start3A_106 = arith.constant 6 : i32
    %dma_start3A_107 = arith.constant 0 : i32
    %dma_start3A_108 = arith.constant 0 : i32
    %dma_start3A_109 = tpu.memref_slice %arg9[%dma_start3A_105, %dma_start3A_106, %dma_start3A_107, %dma_start3A_108] : memref<2x16x16x128xf32, #tpu.memory_space<vmem>> -> memref<1x1x16x128xf32, #tpu.memory_space<vmem>>
    %dma_start3A_110 = tpu.memref_squeeze %dma_start3A_109 : memref<1x1x16x128xf32, #tpu.memory_space<vmem>> -> memref<16x128xf32, #tpu.memory_space<vmem>>
    %dma_start3A_111 = arith.constant 0 : i32
    %dma_start3A_112 = tpu.memref_slice %arg4[%dma_start3A_111, %multiple_of3A_104] : memref<16x1000000xf32, #tpu.memory_space<hbm>> -> memref<16x128xf32, #tpu.memory_space<hbm>>
    %dma_start3A_113 = arith.constant 0 : i32
    %dma_start3A_114 = arith.constant 0 : i32
    %dma_start3A_115 = tpu.memref_slice %arg9[%dma_start3A_105, %dma_start3A_106, %dma_start3A_113, %dma_start3A_114] : memref<2x16x16x128xf32, #tpu.memory_space<vmem>> -> memref<1x1x16x128xf32, #tpu.memory_space<vmem>>
    %dma_start3A_116 = tpu.memref_squeeze %dma_start3A_115 : memref<1x1x16x128xf32, #tpu.memory_space<vmem>> -> memref<16x128xf32, #tpu.memory_space<vmem>>
    %dma_start3A_117 = arith.constant 0 : i32
    %dma_start3A_118 = tpu.memref_slice %arg4[%dma_start3A_117, %multiple_of3A_104] : memref<16x1000000xf32, #tpu.memory_space<hbm>> -> memref<16x128xf32, #tpu.memory_space<hbm>>
    tpu.enqueue_dma source(%dma_start3A_118 : memref<16x128xf32, #tpu.memory_space<hbm>>) target(%dma_start3A_116 : memref<16x128xf32, #tpu.memory_space<vmem>>) target_semaphore(%arg13 : memref<!tpu.dma_semaphore, #tpu.memory_space<semaphore_mem>>)
    %slice3A_119 = vector.extract_strided_slice %and3A_3 {offsets = [7], sizes = [1], strides = [1]} : vector<16xi32> to vector<1xi32>
    %squeeze3A_120 = vector.extract %slice3A_119[0] : i32 from vector<1xi32>
    %multiple_of3A_121 = tpu.assume_multiple %squeeze3A_120, 128 : i32
    %dma_start3A_122 = arith.constant 0 : i32
    %dma_start3A_123 = arith.constant 7 : i32
    %dma_start3A_124 = arith.constant 0 : i32
    %dma_start3A_125 = arith.constant 0 : i32
    %dma_start3A_126 = tpu.memref_slice %arg9[%dma_start3A_122, %dma_start3A_123, %dma_start3A_124, %dma_start3A_125] : memref<2x16x16x128xf32, #tpu.memory_space<vmem>> -> memref<1x1x16x128xf32, #tpu.memory_space<vmem>>
    %dma_start3A_127 = tpu.memref_squeeze %dma_start3A_126 : memref<1x1x16x128xf32, #tpu.memory_space<vmem>> -> memref<16x128xf32, #tpu.memory_space<vmem>>
    %dma_start3A_128 = arith.constant 0 : i32
    %dma_start3A_129 = tpu.memref_slice %arg4[%dma_start3A_128, %multiple_of3A_121] : memref<16x1000000xf32, #tpu.memory_space<hbm>> -> memref<16x128xf32, #tpu.memory_space<hbm>>
    %dma_start3A_130 = arith.constant 0 : i32
    %dma_start3A_131 = arith.constant 0 : i32
    %dma_start3A_132 = tpu.memref_slice %arg9[%dma_start3A_122, %dma_start3A_123, %dma_start3A_130, %dma_start3A_131] : memref<2x16x16x128xf32, #tpu.memory_space<vmem>> -> memref<1x1x16x128xf32, #tpu.memory_space<vmem>>
    %dma_start3A_133 = tpu.memref_squeeze %dma_start3A_132 : memref<1x1x16x128xf32, #tpu.memory_space<vmem>> -> memref<16x128xf32, #tpu.memory_space<vmem>>
    %dma_start3A_134 = arith.constant 0 : i32
    %dma_start3A_135 = tpu.memref_slice %arg4[%dma_start3A_134, %multiple_of3A_121] : memref<16x1000000xf32, #tpu.memory_space<hbm>> -> memref<16x128xf32, #tpu.memory_space<hbm>>
    tpu.enqueue_dma source(%dma_start3A_135 : memref<16x128xf32, #tpu.memory_space<hbm>>) target(%dma_start3A_133 : memref<16x128xf32, #tpu.memory_space<vmem>>) target_semaphore(%arg13 : memref<!tpu.dma_semaphore, #tpu.memory_space<semaphore_mem>>)
    %slice3A_136 = vector.extract_strided_slice %and3A_3 {offsets = [8], sizes = [1], strides = [1]} : vector<16xi32> to vector<1xi32>
    %squeeze3A_137 = vector.extract %slice3A_136[0] : i32 from vector<1xi32>
    %multiple_of3A_138 = tpu.assume_multiple %squeeze3A_137, 128 : i32
    %dma_start3A_139 = arith.constant 0 : i32
    %dma_start3A_140 = arith.constant 8 : i32
    %dma_start3A_141 = arith.constant 0 : i32
    %dma_start3A_142 = arith.constant 0 : i32
    %dma_start3A_143 = tpu.memref_slice %arg9[%dma_start3A_139, %dma_start3A_140, %dma_start3A_141, %dma_start3A_142] : memref<2x16x16x128xf32, #tpu.memory_space<vmem>> -> memref<1x1x16x128xf32, #tpu.memory_space<vmem>>
    %dma_start3A_144 = tpu.memref_squeeze %dma_start3A_143 : memref<1x1x16x128xf32, #tpu.memory_space<vmem>> -> memref<16x128xf32, #tpu.memory_space<vmem>>
    %dma_start3A_145 = arith.constant 0 : i32
    %dma_start3A_146 = tpu.memref_slice %arg4[%dma_start3A_145, %multiple_of3A_138] : memref<16x1000000xf32, #tpu.memory_space<hbm>> -> memref<16x128xf32, #tpu.memory_space<hbm>>
    %dma_start3A_147 = arith.constant 0 : i32
    %dma_start3A_148 = arith.constant 0 : i32
    %dma_start3A_149 = tpu.memref_slice %arg9[%dma_start3A_139, %dma_start3A_140, %dma_start3A_147, %dma_start3A_148] : memref<2x16x16x128xf32, #tpu.memory_space<vmem>> -> memref<1x1x16x128xf32, #tpu.memory_space<vmem>>
    %dma_start3A_150 = tpu.memref_squeeze %dma_start3A_149 : memref<1x1x16x128xf32, #tpu.memory_space<vmem>> -> memref<16x128xf32, #tpu.memory_space<vmem>>
    %dma_start3A_151 = arith.constant 0 : i32
    %dma_start3A_152 = tpu.memref_slice %arg4[%dma_start3A_151, %multiple_of3A_138] : memref<16x1000000xf32, #tpu.memory_space<hbm>> -> memref<16x128xf32, #tpu.memory_space<hbm>>
    tpu.enqueue_dma source(%dma_start3A_152 : memref<16x128xf32, #tpu.memory_space<hbm>>) target(%dma_start3A_150 : memref<16x128xf32, #tpu.memory_space<vmem>>) target_semaphore(%arg13 : memref<!tpu.dma_semaphore, #tpu.memory_space<semaphore_mem>>)
    %slice3A_153 = vector.extract_strided_slice %and3A_3 {offsets = [9], sizes = [1], strides = [1]} : vector<16xi32> to vector<1xi32>
    %squeeze3A_154 = vector.extract %slice3A_153[0] : i32 from vector<1xi32>
    %multiple_of3A_155 = tpu.assume_multiple %squeeze3A_154, 128 : i32
    %dma_start3A_156 = arith.constant 0 : i32
    %dma_start3A_157 = arith.constant 9 : i32
    %dma_start3A_158 = arith.constant 0 : i32
    %dma_start3A_159 = arith.constant 0 : i32
    %dma_start3A_160 = tpu.memref_slice %arg9[%dma_start3A_156, %dma_start3A_157, %dma_start3A_158, %dma_start3A_159] : memref<2x16x16x128xf32, #tpu.memory_space<vmem>> -> memref<1x1x16x128xf32, #tpu.memory_space<vmem>>
    %dma_start3A_161 = tpu.memref_squeeze %dma_start3A_160 : memref<1x1x16x128xf32, #tpu.memory_space<vmem>> -> memref<16x128xf32, #tpu.memory_space<vmem>>
    %dma_start3A_162 = arith.constant 0 : i32
    %dma_start3A_163 = tpu.memref_slice %arg4[%dma_start3A_162, %multiple_of3A_155] : memref<16x1000000xf32, #tpu.memory_space<hbm>> -> memref<16x128xf32, #tpu.memory_space<hbm>>
    %dma_start3A_164 = arith.constant 0 : i32
    %dma_start3A_165 = arith.constant 0 : i32
    %dma_start3A_166 = tpu.memref_slice %arg9[%dma_start3A_156, %dma_start3A_157, %dma_start3A_164, %dma_start3A_165] : memref<2x16x16x128xf32, #tpu.memory_space<vmem>> -> memref<1x1x16x128xf32, #tpu.memory_space<vmem>>
    %dma_start3A_167 = tpu.memref_squeeze %dma_start3A_166 : memref<1x1x16x128xf32, #tpu.memory_space<vmem>> -> memref<16x128xf32, #tpu.memory_space<vmem>>
    %dma_start3A_168 = arith.constant 0 : i32
    %dma_start3A_169 = tpu.memref_slice %arg4[%dma_start3A_168, %multiple_of3A_155] : memref<16x1000000xf32, #tpu.memory_space<hbm>> -> memref<16x128xf32, #tpu.memory_space<hbm>>
    tpu.enqueue_dma source(%dma_start3A_169 : memref<16x128xf32, #tpu.memory_space<hbm>>) target(%dma_start3A_167 : memref<16x128xf32, #tpu.memory_space<vmem>>) target_semaphore(%arg13 : memref<!tpu.dma_semaphore, #tpu.memory_space<semaphore_mem>>)
    %slice3A_170 = vector.extract_strided_slice %and3A_3 {offsets = [10], sizes = [1], strides = [1]} : vector<16xi32> to vector<1xi32>
    %squeeze3A_171 = vector.extract %slice3A_170[0] : i32 from vector<1xi32>
    %multiple_of3A_172 = tpu.assume_multiple %squeeze3A_171, 128 : i32
    %dma_start3A_173 = arith.constant 0 : i32
    %dma_start3A_174 = arith.constant 10 : i32
    %dma_start3A_175 = arith.constant 0 : i32
    %dma_start3A_176 = arith.constant 0 : i32
    %dma_start3A_177 = tpu.memref_slice %arg9[%dma_start3A_173, %dma_start3A_174, %dma_start3A_175, %dma_start3A_176] : memref<2x16x16x128xf32, #tpu.memory_space<vmem>> -> memref<1x1x16x128xf32, #tpu.memory_space<vmem>>
    %dma_start3A_178 = tpu.memref_squeeze %dma_start3A_177 : memref<1x1x16x128xf32, #tpu.memory_space<vmem>> -> memref<16x128xf32, #tpu.memory_space<vmem>>
    %dma_start3A_179 = arith.constant 0 : i32
    %dma_start3A_180 = tpu.memref_slice %arg4[%dma_start3A_179, %multiple_of3A_172] : memref<16x1000000xf32, #tpu.memory_space<hbm>> -> memref<16x128xf32, #tpu.memory_space<hbm>>
    %dma_start3A_181 = arith.constant 0 : i32
    %dma_start3A_182 = arith.constant 0 : i32
    %dma_start3A_183 = tpu.memref_slice %arg9[%dma_start3A_173, %dma_start3A_174, %dma_start3A_181, %dma_start3A_182] : memref<2x16x16x128xf32, #tpu.memory_space<vmem>> -> memref<1x1x16x128xf32, #tpu.memory_space<vmem>>
    %dma_start3A_184 = tpu.memref_squeeze %dma_start3A_183 : memref<1x1x16x128xf32, #tpu.memory_space<vmem>> -> memref<16x128xf32, #tpu.memory_space<vmem>>
    %dma_start3A_185 = arith.constant 0 : i32
    %dma_start3A_186 = tpu.memref_slice %arg4[%dma_start3A_185, %multiple_of3A_172] : memref<16x1000000xf32, #tpu.memory_space<hbm>> -> memref<16x128xf32, #tpu.memory_space<hbm>>
    tpu.enqueue_dma source(%dma_start3A_186 : memref<16x128xf32, #tpu.memory_space<hbm>>) target(%dma_start3A_184 : memref<16x128xf32, #tpu.memory_space<vmem>>) target_semaphore(%arg13 : memref<!tpu.dma_semaphore, #tpu.memory_space<semaphore_mem>>)
    %slice3A_187 = vector.extract_strided_slice %and3A_3 {offsets = [11], sizes = [1], strides = [1]} : vector<16xi32> to vector<1xi32>
    %squeeze3A_188 = vector.extract %slice3A_187[0] : i32 from vector<1xi32>
    %multiple_of3A_189 = tpu.assume_multiple %squeeze3A_188, 128 : i32
    %dma_start3A_190 = arith.constant 0 : i32
    %dma_start3A_191 = arith.constant 11 : i32
    %dma_start3A_192 = arith.constant 0 : i32
    %dma_start3A_193 = arith.constant 0 : i32
    %dma_start3A_194 = tpu.memref_slice %arg9[%dma_start3A_190, %dma_start3A_191, %dma_start3A_192, %dma_start3A_193] : memref<2x16x16x128xf32, #tpu.memory_space<vmem>> -> memref<1x1x16x128xf32, #tpu.memory_space<vmem>>
    %dma_start3A_195 = tpu.memref_squeeze %dma_start3A_194 : memref<1x1x16x128xf32, #tpu.memory_space<vmem>> -> memref<16x128xf32, #tpu.memory_space<vmem>>
    %dma_start3A_196 = arith.constant 0 : i32
    %dma_start3A_197 = tpu.memref_slice %arg4[%dma_start3A_196, %multiple_of3A_189] : memref<16x1000000xf32, #tpu.memory_space<hbm>> -> memref<16x128xf32, #tpu.memory_space<hbm>>
    %dma_start3A_198 = arith.constant 0 : i32
    %dma_start3A_199 = arith.constant 0 : i32
    %dma_start3A_200 = tpu.memref_slice %arg9[%dma_start3A_190, %dma_start3A_191, %dma_start3A_198, %dma_start3A_199] : memref<2x16x16x128xf32, #tpu.memory_space<vmem>> -> memref<1x1x16x128xf32, #tpu.memory_space<vmem>>
    %dma_start3A_201 = tpu.memref_squeeze %dma_start3A_200 : memref<1x1x16x128xf32, #tpu.memory_space<vmem>> -> memref<16x128xf32, #tpu.memory_space<vmem>>
    %dma_start3A_202 = arith.constant 0 : i32
    %dma_start3A_203 = tpu.memref_slice %arg4[%dma_start3A_202, %multiple_of3A_189] : memref<16x1000000xf32, #tpu.memory_space<hbm>> -> memref<16x128xf32, #tpu.memory_space<hbm>>
    tpu.enqueue_dma source(%dma_start3A_203 : memref<16x128xf32, #tpu.memory_space<hbm>>) target(%dma_start3A_201 : memref<16x128xf32, #tpu.memory_space<vmem>>) target_semaphore(%arg13 : memref<!tpu.dma_semaphore, #tpu.memory_space<semaphore_mem>>)
    %slice3A_204 = vector.extract_strided_slice %and3A_3 {offsets = [12], sizes = [1], strides = [1]} : vector<16xi32> to vector<1xi32>
    %squeeze3A_205 = vector.extract %slice3A_204[0] : i32 from vector<1xi32>
    %multiple_of3A_206 = tpu.assume_multiple %squeeze3A_205, 128 : i32
    %dma_start3A_207 = arith.constant 0 : i32
    %dma_start3A_208 = arith.constant 12 : i32
    %dma_start3A_209 = arith.constant 0 : i32
    %dma_start3A_210 = arith.constant 0 : i32
    %dma_start3A_211 = tpu.memref_slice %arg9[%dma_start3A_207, %dma_start3A_208, %dma_start3A_209, %dma_start3A_210] : memref<2x16x16x128xf32, #tpu.memory_space<vmem>> -> memref<1x1x16x128xf32, #tpu.memory_space<vmem>>
    %dma_start3A_212 = tpu.memref_squeeze %dma_start3A_211 : memref<1x1x16x128xf32, #tpu.memory_space<vmem>> -> memref<16x128xf32, #tpu.memory_space<vmem>>
    %dma_start3A_213 = arith.constant 0 : i32
    %dma_start3A_214 = tpu.memref_slice %arg4[%dma_start3A_213, %multiple_of3A_206] : memref<16x1000000xf32, #tpu.memory_space<hbm>> -> memref<16x128xf32, #tpu.memory_space<hbm>>
    %dma_start3A_215 = arith.constant 0 : i32
    %dma_start3A_216 = arith.constant 0 : i32
    %dma_start3A_217 = tpu.memref_slice %arg9[%dma_start3A_207, %dma_start3A_208, %dma_start3A_215, %dma_start3A_216] : memref<2x16x16x128xf32, #tpu.memory_space<vmem>> -> memref<1x1x16x128xf32, #tpu.memory_space<vmem>>
    %dma_start3A_218 = tpu.memref_squeeze %dma_start3A_217 : memref<1x1x16x128xf32, #tpu.memory_space<vmem>> -> memref<16x128xf32, #tpu.memory_space<vmem>>
    %dma_start3A_219 = arith.constant 0 : i32
    %dma_start3A_220 = tpu.memref_slice %arg4[%dma_start3A_219, %multiple_of3A_206] : memref<16x1000000xf32, #tpu.memory_space<hbm>> -> memref<16x128xf32, #tpu.memory_space<hbm>>
    tpu.enqueue_dma source(%dma_start3A_220 : memref<16x128xf32, #tpu.memory_space<hbm>>) target(%dma_start3A_218 : memref<16x128xf32, #tpu.memory_space<vmem>>) target_semaphore(%arg13 : memref<!tpu.dma_semaphore, #tpu.memory_space<semaphore_mem>>)
    %slice3A_221 = vector.extract_strided_slice %and3A_3 {offsets = [13], sizes = [1], strides = [1]} : vector<16xi32> to vector<1xi32>
    %squeeze3A_222 = vector.extract %slice3A_221[0] : i32 from vector<1xi32>
    %multiple_of3A_223 = tpu.assume_multiple %squeeze3A_222, 128 : i32
    %dma_start3A_224 = arith.constant 0 : i32
    %dma_start3A_225 = arith.constant 13 : i32
    %dma_start3A_226 = arith.constant 0 : i32
    %dma_start3A_227 = arith.constant 0 : i32
    %dma_start3A_228 = tpu.memref_slice %arg9[%dma_start3A_224, %dma_start3A_225, %dma_start3A_226, %dma_start3A_227] : memref<2x16x16x128xf32, #tpu.memory_space<vmem>> -> memref<1x1x16x128xf32, #tpu.memory_space<vmem>>
    %dma_start3A_229 = tpu.memref_squeeze %dma_start3A_228 : memref<1x1x16x128xf32, #tpu.memory_space<vmem>> -> memref<16x128xf32, #tpu.memory_space<vmem>>
    %dma_start3A_230 = arith.constant 0 : i32
    %dma_start3A_231 = tpu.memref_slice %arg4[%dma_start3A_230, %multiple_of3A_223] : memref<16x1000000xf32, #tpu.memory_space<hbm>> -> memref<16x128xf32, #tpu.memory_space<hbm>>
    %dma_start3A_232 = arith.constant 0 : i32
    %dma_start3A_233 = arith.constant 0 : i32
    %dma_start3A_234 = tpu.memref_slice %arg9[%dma_start3A_224, %dma_start3A_225, %dma_start3A_232, %dma_start3A_233] : memref<2x16x16x128xf32, #tpu.memory_space<vmem>> -> memref<1x1x16x128xf32, #tpu.memory_space<vmem>>
    %dma_start3A_235 = tpu.memref_squeeze %dma_start3A_234 : memref<1x1x16x128xf32, #tpu.memory_space<vmem>> -> memref<16x128xf32, #tpu.memory_space<vmem>>
    %dma_start3A_236 = arith.constant 0 : i32
    %dma_start3A_237 = tpu.memref_slice %arg4[%dma_start3A_236, %multiple_of3A_223] : memref<16x1000000xf32, #tpu.memory_space<hbm>> -> memref<16x128xf32, #tpu.memory_space<hbm>>
    tpu.enqueue_dma source(%dma_start3A_237 : memref<16x128xf32, #tpu.memory_space<hbm>>) target(%dma_start3A_235 : memref<16x128xf32, #tpu.memory_space<vmem>>) target_semaphore(%arg13 : memref<!tpu.dma_semaphore, #tpu.memory_space<semaphore_mem>>)
    %slice3A_238 = vector.extract_strided_slice %and3A_3 {offsets = [14], sizes = [1], strides = [1]} : vector<16xi32> to vector<1xi32>
    %squeeze3A_239 = vector.extract %slice3A_238[0] : i32 from vector<1xi32>
    %multiple_of3A_240 = tpu.assume_multiple %squeeze3A_239, 128 : i32
    %dma_start3A_241 = arith.constant 0 : i32
    %dma_start3A_242 = arith.constant 14 : i32
    %dma_start3A_243 = arith.constant 0 : i32
    %dma_start3A_244 = arith.constant 0 : i32
    %dma_start3A_245 = tpu.memref_slice %arg9[%dma_start3A_241, %dma_start3A_242, %dma_start3A_243, %dma_start3A_244] : memref<2x16x16x128xf32, #tpu.memory_space<vmem>> -> memref<1x1x16x128xf32, #tpu.memory_space<vmem>>
    %dma_start3A_246 = tpu.memref_squeeze %dma_start3A_245 : memref<1x1x16x128xf32, #tpu.memory_space<vmem>> -> memref<16x128xf32, #tpu.memory_space<vmem>>
    %dma_start3A_247 = arith.constant 0 : i32
    %dma_start3A_248 = tpu.memref_slice %arg4[%dma_start3A_247, %multiple_of3A_240] : memref<16x1000000xf32, #tpu.memory_space<hbm>> -> memref<16x128xf32, #tpu.memory_space<hbm>>
    %dma_start3A_249 = arith.constant 0 : i32
    %dma_start3A_250 = arith.constant 0 : i32
    %dma_start3A_251 = tpu.memref_slice %arg9[%dma_start3A_241, %dma_start3A_242, %dma_start3A_249, %dma_start3A_250] : memref<2x16x16x128xf32, #tpu.memory_space<vmem>> -> memref<1x1x16x128xf32, #tpu.memory_space<vmem>>
    %dma_start3A_252 = tpu.memref_squeeze %dma_start3A_251 : memref<1x1x16x128xf32, #tpu.memory_space<vmem>> -> memref<16x128xf32, #tpu.memory_space<vmem>>
    %dma_start3A_253 = arith.constant 0 : i32
    %dma_start3A_254 = tpu.memref_slice %arg4[%dma_start3A_253, %multiple_of3A_240] : memref<16x1000000xf32, #tpu.memory_space<hbm>> -> memref<16x128xf32, #tpu.memory_space<hbm>>
    tpu.enqueue_dma source(%dma_start3A_254 : memref<16x128xf32, #tpu.memory_space<hbm>>) target(%dma_start3A_252 : memref<16x128xf32, #tpu.memory_space<vmem>>) target_semaphore(%arg13 : memref<!tpu.dma_semaphore, #tpu.memory_space<semaphore_mem>>)
    %slice3A_255 = vector.extract_strided_slice %and3A_3 {offsets = [15], sizes = [1], strides = [1]} : vector<16xi32> to vector<1xi32>
    %squeeze3A_256 = vector.extract %slice3A_255[0] : i32 from vector<1xi32>
    %multiple_of3A_257 = tpu.assume_multiple %squeeze3A_256, 128 : i32
    %dma_start3A_258 = arith.constant 0 : i32
    %dma_start3A_259 = arith.constant 15 : i32
    %dma_start3A_260 = arith.constant 0 : i32
    %dma_start3A_261 = arith.constant 0 : i32
    %dma_start3A_262 = tpu.memref_slice %arg9[%dma_start3A_258, %dma_start3A_259, %dma_start3A_260, %dma_start3A_261] : memref<2x16x16x128xf32, #tpu.memory_space<vmem>> -> memref<1x1x16x128xf32, #tpu.memory_space<vmem>>
    %dma_start3A_263 = tpu.memref_squeeze %dma_start3A_262 : memref<1x1x16x128xf32, #tpu.memory_space<vmem>> -> memref<16x128xf32, #tpu.memory_space<vmem>>
    %dma_start3A_264 = arith.constant 0 : i32
    %dma_start3A_265 = tpu.memref_slice %arg4[%dma_start3A_264, %multiple_of3A_257] : memref<16x1000000xf32, #tpu.memory_space<hbm>> -> memref<16x128xf32, #tpu.memory_space<hbm>>
    %dma_start3A_266 = arith.constant 0 : i32
    %dma_start3A_267 = arith.constant 0 : i32
    %dma_start3A_268 = tpu.memref_slice %arg9[%dma_start3A_258, %dma_start3A_259, %dma_start3A_266, %dma_start3A_267] : memref<2x16x16x128xf32, #tpu.memory_space<vmem>> -> memref<1x1x16x128xf32, #tpu.memory_space<vmem>>
    %dma_start3A_269 = tpu.memref_squeeze %dma_start3A_268 : memref<1x1x16x128xf32, #tpu.memory_space<vmem>> -> memref<16x128xf32, #tpu.memory_space<vmem>>
    %dma_start3A_270 = arith.constant 0 : i32
    %dma_start3A_271 = tpu.memref_slice %arg4[%dma_start3A_270, %multiple_of3A_257] : memref<16x1000000xf32, #tpu.memory_space<hbm>> -> memref<16x128xf32, #tpu.memory_space<hbm>>
    tpu.enqueue_dma source(%dma_start3A_271 : memref<16x128xf32, #tpu.memory_space<hbm>>) target(%dma_start3A_269 : memref<16x128xf32, #tpu.memory_space<vmem>>) target_semaphore(%arg13 : memref<!tpu.dma_semaphore, #tpu.memory_space<semaphore_mem>>)
    %scan3A = arith.constant 0 : i32
    %scan3A_272 = arith.constant 0 : i32
    %scan3A_273 = arith.constant 32 : i32
    %scan3A_274 = arith.addi %scan3A_272, %scan3A_273 : i32
    %scan3A_275 = arith.constant 1 : i32
    scf.for %scan3A_566 = %scan3A_272 to %scan3A_274 step %scan3A_275  : i32 {
      %rem3A = arith.constant 2 : i32
      %rem3A_567 = arith.remsi %scan3A_566, %rem3A : i32
      %add3A_568 = arith.constant 1 : i32
      %add3A_569 = arith.addi %scan3A_566, %add3A_568 : i32
      %lt3A = arith.constant 32 : i32
      %lt3A_570 = arith.cmpi slt, %add3A_569, %lt3A : i32
      %convert_element_type3A = arith.extui %lt3A_570 : i1 to i32
      %cond3A = arith.constant 0 : i32
      %cond3A_571 = arith.cmpi ne, %convert_element_type3A, %cond3A : i32
      scf.if %cond3A_571 {
        %add3A_960 = arith.constant 1 : i32
        %add3A_961 = arith.addi %scan3A_566, %add3A_960 : i32
        %add3A_962 = arith.constant 1 : i32
        %add3A_963 = arith.addi %scan3A_566, %add3A_962 : i32
        %rem3A_964 = arith.constant 2 : i32
        %rem3A_965 = arith.remsi %add3A_963, %rem3A_964 : i32
        %mul3A_966 = arith.constant 16 : i32
        %mul3A_967 = arith.muli %add3A_961, %mul3A_966 : i32
        %get3A_968 = arith.index_cast %mul3A_967 : i32 to index
        %get3A_969 = tpu.vector_load %arg7[%get3A_968] {strides = array<i32>} : memref<512xi32, #tpu.memory_space<vmem>>, vector<16xi32>,
        %and3A_970 = arith.constant -128 : i32
        %and3A_971 = vector.broadcast %and3A_970 : i32 to vector<16xi32>
        %and3A_972 = arith.andi %get3A_969, %and3A_971 : vector<16xi32>
        %slice3A_973 = vector.extract_strided_slice %and3A_972 {offsets = [0], sizes = [1], strides = [1]} : vector<16xi32> to vector<1xi32>
        %squeeze3A_974 = vector.extract %slice3A_973[0] : i32 from vector<1xi32>
        %multiple_of3A_975 = tpu.assume_multiple %squeeze3A_974, 128 : i32
        %dma_start3A_976 = arith.constant 0 : i32
        %dma_start3A_977 = arith.constant 0 : i32
        %dma_start3A_978 = arith.constant 0 : i32
        %dma_start3A_979 = tpu.memref_slice %arg9[%rem3A_965, %dma_start3A_976, %dma_start3A_977, %dma_start3A_978] : memref<2x16x16x128xf32, #tpu.memory_space<vmem>> -> memref<1x1x16x128xf32, #tpu.memory_space<vmem>>
        %dma_start3A_980 = tpu.memref_squeeze %dma_start3A_979 : memref<1x1x16x128xf32, #tpu.memory_space<vmem>> -> memref<16x128xf32, #tpu.memory_space<vmem>>
        %dma_start3A_981 = arith.constant 0 : i32
        %dma_start3A_982 = tpu.memref_slice %arg4[%dma_start3A_981, %multiple_of3A_975] : memref<16x1000000xf32, #tpu.memory_space<hbm>> -> memref<16x128xf32, #tpu.memory_space<hbm>>
        %dma_start3A_983 = arith.constant 0 : i32
        %dma_start3A_984 = arith.constant 0 : i32
        %dma_start3A_985 = tpu.memref_slice %arg9[%rem3A_965, %dma_start3A_976, %dma_start3A_983, %dma_start3A_984] : memref<2x16x16x128xf32, #tpu.memory_space<vmem>> -> memref<1x1x16x128xf32, #tpu.memory_space<vmem>>
        %dma_start3A_986 = tpu.memref_squeeze %dma_start3A_985 : memref<1x1x16x128xf32, #tpu.memory_space<vmem>> -> memref<16x128xf32, #tpu.memory_space<vmem>>
        %dma_start3A_987 = arith.constant 0 : i32
        %dma_start3A_988 = tpu.memref_slice %arg4[%dma_start3A_987, %multiple_of3A_975] : memref<16x1000000xf32, #tpu.memory_space<hbm>> -> memref<16x128xf32, #tpu.memory_space<hbm>>
        tpu.enqueue_dma source(%dma_start3A_988 : memref<16x128xf32, #tpu.memory_space<hbm>>) target(%dma_start3A_986 : memref<16x128xf32, #tpu.memory_space<vmem>>) target_semaphore(%arg13 : memref<!tpu.dma_semaphore, #tpu.memory_space<semaphore_mem>>)
        %slice3A_989 = vector.extract_strided_slice %and3A_972 {offsets = [1], sizes = [1], strides = [1]} : vector<16xi32> to vector<1xi32>
        %squeeze3A_990 = vector.extract %slice3A_989[0] : i32 from vector<1xi32>
        %multiple_of3A_991 = tpu.assume_multiple %squeeze3A_990, 128 : i32
        %dma_start3A_992 = arith.constant 1 : i32
        %dma_start3A_993 = arith.constant 0 : i32
        %dma_start3A_994 = arith.constant 0 : i32
        %dma_start3A_995 = tpu.memref_slice %arg9[%rem3A_965, %dma_start3A_992, %dma_start3A_993, %dma_start3A_994] : memref<2x16x16x128xf32, #tpu.memory_space<vmem>> -> memref<1x1x16x128xf32, #tpu.memory_space<vmem>>
        %dma_start3A_996 = tpu.memref_squeeze %dma_start3A_995 : memref<1x1x16x128xf32, #tpu.memory_space<vmem>> -> memref<16x128xf32, #tpu.memory_space<vmem>>
        %dma_start3A_997 = arith.constant 0 : i32
        %dma_start3A_998 = tpu.memref_slice %arg4[%dma_start3A_997, %multiple_of3A_991] : memref<16x1000000xf32, #tpu.memory_space<hbm>> -> memref<16x128xf32, #tpu.memory_space<hbm>>
        %dma_start3A_999 = arith.constant 0 : i32
        %dma_start3A_1000 = arith.constant 0 : i32
        %dma_start3A_1001 = tpu.memref_slice %arg9[%rem3A_965, %dma_start3A_992, %dma_start3A_999, %dma_start3A_1000] : memref<2x16x16x128xf32, #tpu.memory_space<vmem>> -> memref<1x1x16x128xf32, #tpu.memory_space<vmem>>
        %dma_start3A_1002 = tpu.memref_squeeze %dma_start3A_1001 : memref<1x1x16x128xf32, #tpu.memory_space<vmem>> -> memref<16x128xf32, #tpu.memory_space<vmem>>
        %dma_start3A_1003 = arith.constant 0 : i32
        %dma_start3A_1004 = tpu.memref_slice %arg4[%dma_start3A_1003, %multiple_of3A_991] : memref<16x1000000xf32, #tpu.memory_space<hbm>> -> memref<16x128xf32, #tpu.memory_space<hbm>>
        tpu.enqueue_dma source(%dma_start3A_1004 : memref<16x128xf32, #tpu.memory_space<hbm>>) target(%dma_start3A_1002 : memref<16x128xf32, #tpu.memory_space<vmem>>) target_semaphore(%arg13 : memref<!tpu.dma_semaphore, #tpu.memory_space<semaphore_mem>>)
        %slice3A_1005 = vector.extract_strided_slice %and3A_972 {offsets = [2], sizes = [1], strides = [1]} : vector<16xi32> to vector<1xi32>
        %squeeze3A_1006 = vector.extract %slice3A_1005[0] : i32 from vector<1xi32>
        %multiple_of3A_1007 = tpu.assume_multiple %squeeze3A_1006, 128 : i32
        %dma_start3A_1008 = arith.constant 2 : i32
        %dma_start3A_1009 = arith.constant 0 : i32
        %dma_start3A_1010 = arith.constant 0 : i32
        %dma_start3A_1011 = tpu.memref_slice %arg9[%rem3A_965, %dma_start3A_1008, %dma_start3A_1009, %dma_start3A_1010] : memref<2x16x16x128xf32, #tpu.memory_space<vmem>> -> memref<1x1x16x128xf32, #tpu.memory_space<vmem>>
        %dma_start3A_1012 = tpu.memref_squeeze %dma_start3A_1011 : memref<1x1x16x128xf32, #tpu.memory_space<vmem>> -> memref<16x128xf32, #tpu.memory_space<vmem>>
        %dma_start3A_1013 = arith.constant 0 : i32
        %dma_start3A_1014 = tpu.memref_slice %arg4[%dma_start3A_1013, %multiple_of3A_1007] : memref<16x1000000xf32, #tpu.memory_space<hbm>> -> memref<16x128xf32, #tpu.memory_space<hbm>>
        %dma_start3A_1015 = arith.constant 0 : i32
        %dma_start3A_1016 = arith.constant 0 : i32
        %dma_start3A_1017 = tpu.memref_slice %arg9[%rem3A_965, %dma_start3A_1008, %dma_start3A_1015, %dma_start3A_1016] : memref<2x16x16x128xf32, #tpu.memory_space<vmem>> -> memref<1x1x16x128xf32, #tpu.memory_space<vmem>>
        %dma_start3A_1018 = tpu.memref_squeeze %dma_start3A_1017 : memref<1x1x16x128xf32, #tpu.memory_space<vmem>> -> memref<16x128xf32, #tpu.memory_space<vmem>>
        %dma_start3A_1019 = arith.constant 0 : i32
        %dma_start3A_1020 = tpu.memref_slice %arg4[%dma_start3A_1019, %multiple_of3A_1007] : memref<16x1000000xf32, #tpu.memory_space<hbm>> -> memref<16x128xf32, #tpu.memory_space<hbm>>
        tpu.enqueue_dma source(%dma_start3A_1020 : memref<16x128xf32, #tpu.memory_space<hbm>>) target(%dma_start3A_1018 : memref<16x128xf32, #tpu.memory_space<vmem>>) target_semaphore(%arg13 : memref<!tpu.dma_semaphore, #tpu.memory_space<semaphore_mem>>)
        %slice3A_1021 = vector.extract_strided_slice %and3A_972 {offsets = [3], sizes = [1], strides = [1]} : vector<16xi32> to vector<1xi32>
        %squeeze3A_1022 = vector.extract %slice3A_1021[0] : i32 from vector<1xi32>
        %multiple_of3A_1023 = tpu.assume_multiple %squeeze3A_1022, 128 : i32
        %dma_start3A_1024 = arith.constant 3 : i32
        %dma_start3A_1025 = arith.constant 0 : i32
        %dma_start3A_1026 = arith.constant 0 : i32
        %dma_start3A_1027 = tpu.memref_slice %arg9[%rem3A_965, %dma_start3A_1024, %dma_start3A_1025, %dma_start3A_1026] : memref<2x16x16x128xf32, #tpu.memory_space<vmem>> -> memref<1x1x16x128xf32, #tpu.memory_space<vmem>>
        %dma_start3A_1028 = tpu.memref_squeeze %dma_start3A_1027 : memref<1x1x16x128xf32, #tpu.memory_space<vmem>> -> memref<16x128xf32, #tpu.memory_space<vmem>>
        %dma_start3A_1029 = arith.constant 0 : i32
        %dma_start3A_1030 = tpu.memref_slice %arg4[%dma_start3A_1029, %multiple_of3A_1023] : memref<16x1000000xf32, #tpu.memory_space<hbm>> -> memref<16x128xf32, #tpu.memory_space<hbm>>
        %dma_start3A_1031 = arith.constant 0 : i32
        %dma_start3A_1032 = arith.constant 0 : i32
        %dma_start3A_1033 = tpu.memref_slice %arg9[%rem3A_965, %dma_start3A_1024, %dma_start3A_1031, %dma_start3A_1032] : memref<2x16x16x128xf32, #tpu.memory_space<vmem>> -> memref<1x1x16x128xf32, #tpu.memory_space<vmem>>
        %dma_start3A_1034 = tpu.memref_squeeze %dma_start3A_1033 : memref<1x1x16x128xf32, #tpu.memory_space<vmem>> -> memref<16x128xf32, #tpu.memory_space<vmem>>
        %dma_start3A_1035 = arith.constant 0 : i32
        %dma_start3A_1036 = tpu.memref_slice %arg4[%dma_start3A_1035, %multiple_of3A_1023] : memref<16x1000000xf32, #tpu.memory_space<hbm>> -> memref<16x128xf32, #tpu.memory_space<hbm>>
        tpu.enqueue_dma source(%dma_start3A_1036 : memref<16x128xf32, #tpu.memory_space<hbm>>) target(%dma_start3A_1034 : memref<16x128xf32, #tpu.memory_space<vmem>>) target_semaphore(%arg13 : memref<!tpu.dma_semaphore, #tpu.memory_space<semaphore_mem>>)
        %slice3A_1037 = vector.extract_strided_slice %and3A_972 {offsets = [4], sizes = [1], strides = [1]} : vector<16xi32> to vector<1xi32>
        %squeeze3A_1038 = vector.extract %slice3A_1037[0] : i32 from vector<1xi32>
        %multiple_of3A_1039 = tpu.assume_multiple %squeeze3A_1038, 128 : i32
        %dma_start3A_1040 = arith.constant 4 : i32
        %dma_start3A_1041 = arith.constant 0 : i32
        %dma_start3A_1042 = arith.constant 0 : i32
        %dma_start3A_1043 = tpu.memref_slice %arg9[%rem3A_965, %dma_start3A_1040, %dma_start3A_1041, %dma_start3A_1042] : memref<2x16x16x128xf32, #tpu.memory_space<vmem>> -> memref<1x1x16x128xf32, #tpu.memory_space<vmem>>
        %dma_start3A_1044 = tpu.memref_squeeze %dma_start3A_1043 : memref<1x1x16x128xf32, #tpu.memory_space<vmem>> -> memref<16x128xf32, #tpu.memory_space<vmem>>
        %dma_start3A_1045 = arith.constant 0 : i32
        %dma_start3A_1046 = tpu.memref_slice %arg4[%dma_start3A_1045, %multiple_of3A_1039] : memref<16x1000000xf32, #tpu.memory_space<hbm>> -> memref<16x128xf32, #tpu.memory_space<hbm>>
        %dma_start3A_1047 = arith.constant 0 : i32
        %dma_start3A_1048 = arith.constant 0 : i32
        %dma_start3A_1049 = tpu.memref_slice %arg9[%rem3A_965, %dma_start3A_1040, %dma_start3A_1047, %dma_start3A_1048] : memref<2x16x16x128xf32, #tpu.memory_space<vmem>> -> memref<1x1x16x128xf32, #tpu.memory_space<vmem>>
        %dma_start3A_1050 = tpu.memref_squeeze %dma_start3A_1049 : memref<1x1x16x128xf32, #tpu.memory_space<vmem>> -> memref<16x128xf32, #tpu.memory_space<vmem>>
        %dma_start3A_1051 = arith.constant 0 : i32
        %dma_start3A_1052 = tpu.memref_slice %arg4[%dma_start3A_1051, %multiple_of3A_1039] : memref<16x1000000xf32, #tpu.memory_space<hbm>> -> memref<16x128xf32, #tpu.memory_space<hbm>>
        tpu.enqueue_dma source(%dma_start3A_1052 : memref<16x128xf32, #tpu.memory_space<hbm>>) target(%dma_start3A_1050 : memref<16x128xf32, #tpu.memory_space<vmem>>) target_semaphore(%arg13 : memref<!tpu.dma_semaphore, #tpu.memory_space<semaphore_mem>>)
        %slice3A_1053 = vector.extract_strided_slice %and3A_972 {offsets = [5], sizes = [1], strides = [1]} : vector<16xi32> to vector<1xi32>
        %squeeze3A_1054 = vector.extract %slice3A_1053[0] : i32 from vector<1xi32>
        %multiple_of3A_1055 = tpu.assume_multiple %squeeze3A_1054, 128 : i32
        %dma_start3A_1056 = arith.constant 5 : i32
        %dma_start3A_1057 = arith.constant 0 : i32
        %dma_start3A_1058 = arith.constant 0 : i32
        %dma_start3A_1059 = tpu.memref_slice %arg9[%rem3A_965, %dma_start3A_1056, %dma_start3A_1057, %dma_start3A_1058] : memref<2x16x16x128xf32, #tpu.memory_space<vmem>> -> memref<1x1x16x128xf32, #tpu.memory_space<vmem>>
        %dma_start3A_1060 = tpu.memref_squeeze %dma_start3A_1059 : memref<1x1x16x128xf32, #tpu.memory_space<vmem>> -> memref<16x128xf32, #tpu.memory_space<vmem>>
        %dma_start3A_1061 = arith.constant 0 : i32
        %dma_start3A_1062 = tpu.memref_slice %arg4[%dma_start3A_1061, %multiple_of3A_1055] : memref<16x1000000xf32, #tpu.memory_space<hbm>> -> memref<16x128xf32, #tpu.memory_space<hbm>>
        %dma_start3A_1063 = arith.constant 0 : i32
        %dma_start3A_1064 = arith.constant 0 : i32
        %dma_start3A_1065 = tpu.memref_slice %arg9[%rem3A_965, %dma_start3A_1056, %dma_start3A_1063, %dma_start3A_1064] : memref<2x16x16x128xf32, #tpu.memory_space<vmem>> -> memref<1x1x16x128xf32, #tpu.memory_space<vmem>>
        %dma_start3A_1066 = tpu.memref_squeeze %dma_start3A_1065 : memref<1x1x16x128xf32, #tpu.memory_space<vmem>> -> memref<16x128xf32, #tpu.memory_space<vmem>>
        %dma_start3A_1067 = arith.constant 0 : i32
        %dma_start3A_1068 = tpu.memref_slice %arg4[%dma_start3A_1067, %multiple_of3A_1055] : memref<16x1000000xf32, #tpu.memory_space<hbm>> -> memref<16x128xf32, #tpu.memory_space<hbm>>
        tpu.enqueue_dma source(%dma_start3A_1068 : memref<16x128xf32, #tpu.memory_space<hbm>>) target(%dma_start3A_1066 : memref<16x128xf32, #tpu.memory_space<vmem>>) target_semaphore(%arg13 : memref<!tpu.dma_semaphore, #tpu.memory_space<semaphore_mem>>)
        %slice3A_1069 = vector.extract_strided_slice %and3A_972 {offsets = [6], sizes = [1], strides = [1]} : vector<16xi32> to vector<1xi32>
        %squeeze3A_1070 = vector.extract %slice3A_1069[0] : i32 from vector<1xi32>
        %multiple_of3A_1071 = tpu.assume_multiple %squeeze3A_1070, 128 : i32
        %dma_start3A_1072 = arith.constant 6 : i32
        %dma_start3A_1073 = arith.constant 0 : i32
        %dma_start3A_1074 = arith.constant 0 : i32
        %dma_start3A_1075 = tpu.memref_slice %arg9[%rem3A_965, %dma_start3A_1072, %dma_start3A_1073, %dma_start3A_1074] : memref<2x16x16x128xf32, #tpu.memory_space<vmem>> -> memref<1x1x16x128xf32, #tpu.memory_space<vmem>>
        %dma_start3A_1076 = tpu.memref_squeeze %dma_start3A_1075 : memref<1x1x16x128xf32, #tpu.memory_space<vmem>> -> memref<16x128xf32, #tpu.memory_space<vmem>>
        %dma_start3A_1077 = arith.constant 0 : i32
        %dma_start3A_1078 = tpu.memref_slice %arg4[%dma_start3A_1077, %multiple_of3A_1071] : memref<16x1000000xf32, #tpu.memory_space<hbm>> -> memref<16x128xf32, #tpu.memory_space<hbm>>
        %dma_start3A_1079 = arith.constant 0 : i32
        %dma_start3A_1080 = arith.constant 0 : i32
        %dma_start3A_1081 = tpu.memref_slice %arg9[%rem3A_965, %dma_start3A_1072, %dma_start3A_1079, %dma_start3A_1080] : memref<2x16x16x128xf32, #tpu.memory_space<vmem>> -> memref<1x1x16x128xf32, #tpu.memory_space<vmem>>
        %dma_start3A_1082 = tpu.memref_squeeze %dma_start3A_1081 : memref<1x1x16x128xf32, #tpu.memory_space<vmem>> -> memref<16x128xf32, #tpu.memory_space<vmem>>
        %dma_start3A_1083 = arith.constant 0 : i32
        %dma_start3A_1084 = tpu.memref_slice %arg4[%dma_start3A_1083, %multiple_of3A_1071] : memref<16x1000000xf32, #tpu.memory_space<hbm>> -> memref<16x128xf32, #tpu.memory_space<hbm>>
        tpu.enqueue_dma source(%dma_start3A_1084 : memref<16x128xf32, #tpu.memory_space<hbm>>) target(%dma_start3A_1082 : memref<16x128xf32, #tpu.memory_space<vmem>>) target_semaphore(%arg13 : memref<!tpu.dma_semaphore, #tpu.memory_space<semaphore_mem>>)
        %slice3A_1085 = vector.extract_strided_slice %and3A_972 {offsets = [7], sizes = [1], strides = [1]} : vector<16xi32> to vector<1xi32>
        %squeeze3A_1086 = vector.extract %slice3A_1085[0] : i32 from vector<1xi32>
        %multiple_of3A_1087 = tpu.assume_multiple %squeeze3A_1086, 128 : i32
        %dma_start3A_1088 = arith.constant 7 : i32
        %dma_start3A_1089 = arith.constant 0 : i32
        %dma_start3A_1090 = arith.constant 0 : i32
        %dma_start3A_1091 = tpu.memref_slice %arg9[%rem3A_965, %dma_start3A_1088, %dma_start3A_1089, %dma_start3A_1090] : memref<2x16x16x128xf32, #tpu.memory_space<vmem>> -> memref<1x1x16x128xf32, #tpu.memory_space<vmem>>
        %dma_start3A_1092 = tpu.memref_squeeze %dma_start3A_1091 : memref<1x1x16x128xf32, #tpu.memory_space<vmem>> -> memref<16x128xf32, #tpu.memory_space<vmem>>
        %dma_start3A_1093 = arith.constant 0 : i32
        %dma_start3A_1094 = tpu.memref_slice %arg4[%dma_start3A_1093, %multiple_of3A_1087] : memref<16x1000000xf32, #tpu.memory_space<hbm>> -> memref<16x128xf32, #tpu.memory_space<hbm>>
        %dma_start3A_1095 = arith.constant 0 : i32
        %dma_start3A_1096 = arith.constant 0 : i32
        %dma_start3A_1097 = tpu.memref_slice %arg9[%rem3A_965, %dma_start3A_1088, %dma_start3A_1095, %dma_start3A_1096] : memref<2x16x16x128xf32, #tpu.memory_space<vmem>> -> memref<1x1x16x128xf32, #tpu.memory_space<vmem>>
        %dma_start3A_1098 = tpu.memref_squeeze %dma_start3A_1097 : memref<1x1x16x128xf32, #tpu.memory_space<vmem>> -> memref<16x128xf32, #tpu.memory_space<vmem>>
        %dma_start3A_1099 = arith.constant 0 : i32
        %dma_start3A_1100 = tpu.memref_slice %arg4[%dma_start3A_1099, %multiple_of3A_1087] : memref<16x1000000xf32, #tpu.memory_space<hbm>> -> memref<16x128xf32, #tpu.memory_space<hbm>>
        tpu.enqueue_dma source(%dma_start3A_1100 : memref<16x128xf32, #tpu.memory_space<hbm>>) target(%dma_start3A_1098 : memref<16x128xf32, #tpu.memory_space<vmem>>) target_semaphore(%arg13 : memref<!tpu.dma_semaphore, #tpu.memory_space<semaphore_mem>>)
        %slice3A_1101 = vector.extract_strided_slice %and3A_972 {offsets = [8], sizes = [1], strides = [1]} : vector<16xi32> to vector<1xi32>
        %squeeze3A_1102 = vector.extract %slice3A_1101[0] : i32 from vector<1xi32>
        %multiple_of3A_1103 = tpu.assume_multiple %squeeze3A_1102, 128 : i32
        %dma_start3A_1104 = arith.constant 8 : i32
        %dma_start3A_1105 = arith.constant 0 : i32
        %dma_start3A_1106 = arith.constant 0 : i32
        %dma_start3A_1107 = tpu.memref_slice %arg9[%rem3A_965, %dma_start3A_1104, %dma_start3A_1105, %dma_start3A_1106] : memref<2x16x16x128xf32, #tpu.memory_space<vmem>> -> memref<1x1x16x128xf32, #tpu.memory_space<vmem>>
        %dma_start3A_1108 = tpu.memref_squeeze %dma_start3A_1107 : memref<1x1x16x128xf32, #tpu.memory_space<vmem>> -> memref<16x128xf32, #tpu.memory_space<vmem>>
        %dma_start3A_1109 = arith.constant 0 : i32
        %dma_start3A_1110 = tpu.memref_slice %arg4[%dma_start3A_1109, %multiple_of3A_1103] : memref<16x1000000xf32, #tpu.memory_space<hbm>> -> memref<16x128xf32, #tpu.memory_space<hbm>>
        %dma_start3A_1111 = arith.constant 0 : i32
        %dma_start3A_1112 = arith.constant 0 : i32
        %dma_start3A_1113 = tpu.memref_slice %arg9[%rem3A_965, %dma_start3A_1104, %dma_start3A_1111, %dma_start3A_1112] : memref<2x16x16x128xf32, #tpu.memory_space<vmem>> -> memref<1x1x16x128xf32, #tpu.memory_space<vmem>>
        %dma_start3A_1114 = tpu.memref_squeeze %dma_start3A_1113 : memref<1x1x16x128xf32, #tpu.memory_space<vmem>> -> memref<16x128xf32, #tpu.memory_space<vmem>>
        %dma_start3A_1115 = arith.constant 0 : i32
        %dma_start3A_1116 = tpu.memref_slice %arg4[%dma_start3A_1115, %multiple_of3A_1103] : memref<16x1000000xf32, #tpu.memory_space<hbm>> -> memref<16x128xf32, #tpu.memory_space<hbm>>
        tpu.enqueue_dma source(%dma_start3A_1116 : memref<16x128xf32, #tpu.memory_space<hbm>>) target(%dma_start3A_1114 : memref<16x128xf32, #tpu.memory_space<vmem>>) target_semaphore(%arg13 : memref<!tpu.dma_semaphore, #tpu.memory_space<semaphore_mem>>)
        %slice3A_1117 = vector.extract_strided_slice %and3A_972 {offsets = [9], sizes = [1], strides = [1]} : vector<16xi32> to vector<1xi32>
        %squeeze3A_1118 = vector.extract %slice3A_1117[0] : i32 from vector<1xi32>
        %multiple_of3A_1119 = tpu.assume_multiple %squeeze3A_1118, 128 : i32
        %dma_start3A_1120 = arith.constant 9 : i32
        %dma_start3A_1121 = arith.constant 0 : i32
        %dma_start3A_1122 = arith.constant 0 : i32
        %dma_start3A_1123 = tpu.memref_slice %arg9[%rem3A_965, %dma_start3A_1120, %dma_start3A_1121, %dma_start3A_1122] : memref<2x16x16x128xf32, #tpu.memory_space<vmem>> -> memref<1x1x16x128xf32, #tpu.memory_space<vmem>>
        %dma_start3A_1124 = tpu.memref_squeeze %dma_start3A_1123 : memref<1x1x16x128xf32, #tpu.memory_space<vmem>> -> memref<16x128xf32, #tpu.memory_space<vmem>>
        %dma_start3A_1125 = arith.constant 0 : i32
        %dma_start3A_1126 = tpu.memref_slice %arg4[%dma_start3A_1125, %multiple_of3A_1119] : memref<16x1000000xf32, #tpu.memory_space<hbm>> -> memref<16x128xf32, #tpu.memory_space<hbm>>
        %dma_start3A_1127 = arith.constant 0 : i32
        %dma_start3A_1128 = arith.constant 0 : i32
        %dma_start3A_1129 = tpu.memref_slice %arg9[%rem3A_965, %dma_start3A_1120, %dma_start3A_1127, %dma_start3A_1128] : memref<2x16x16x128xf32, #tpu.memory_space<vmem>> -> memref<1x1x16x128xf32, #tpu.memory_space<vmem>>
        %dma_start3A_1130 = tpu.memref_squeeze %dma_start3A_1129 : memref<1x1x16x128xf32, #tpu.memory_space<vmem>> -> memref<16x128xf32, #tpu.memory_space<vmem>>
        %dma_start3A_1131 = arith.constant 0 : i32
        %dma_start3A_1132 = tpu.memref_slice %arg4[%dma_start3A_1131, %multiple_of3A_1119] : memref<16x1000000xf32, #tpu.memory_space<hbm>> -> memref<16x128xf32, #tpu.memory_space<hbm>>
        tpu.enqueue_dma source(%dma_start3A_1132 : memref<16x128xf32, #tpu.memory_space<hbm>>) target(%dma_start3A_1130 : memref<16x128xf32, #tpu.memory_space<vmem>>) target_semaphore(%arg13 : memref<!tpu.dma_semaphore, #tpu.memory_space<semaphore_mem>>)
        %slice3A_1133 = vector.extract_strided_slice %and3A_972 {offsets = [10], sizes = [1], strides = [1]} : vector<16xi32> to vector<1xi32>
        %squeeze3A_1134 = vector.extract %slice3A_1133[0] : i32 from vector<1xi32>
        %multiple_of3A_1135 = tpu.assume_multiple %squeeze3A_1134, 128 : i32
        %dma_start3A_1136 = arith.constant 10 : i32
        %dma_start3A_1137 = arith.constant 0 : i32
        %dma_start3A_1138 = arith.constant 0 : i32
        %dma_start3A_1139 = tpu.memref_slice %arg9[%rem3A_965, %dma_start3A_1136, %dma_start3A_1137, %dma_start3A_1138] : memref<2x16x16x128xf32, #tpu.memory_space<vmem>> -> memref<1x1x16x128xf32, #tpu.memory_space<vmem>>
        %dma_start3A_1140 = tpu.memref_squeeze %dma_start3A_1139 : memref<1x1x16x128xf32, #tpu.memory_space<vmem>> -> memref<16x128xf32, #tpu.memory_space<vmem>>
        %dma_start3A_1141 = arith.constant 0 : i32
        %dma_start3A_1142 = tpu.memref_slice %arg4[%dma_start3A_1141, %multiple_of3A_1135] : memref<16x1000000xf32, #tpu.memory_space<hbm>> -> memref<16x128xf32, #tpu.memory_space<hbm>>
        %dma_start3A_1143 = arith.constant 0 : i32
        %dma_start3A_1144 = arith.constant 0 : i32
        %dma_start3A_1145 = tpu.memref_slice %arg9[%rem3A_965, %dma_start3A_1136, %dma_start3A_1143, %dma_start3A_1144] : memref<2x16x16x128xf32, #tpu.memory_space<vmem>> -> memref<1x1x16x128xf32, #tpu.memory_space<vmem>>
        %dma_start3A_1146 = tpu.memref_squeeze %dma_start3A_1145 : memref<1x1x16x128xf32, #tpu.memory_space<vmem>> -> memref<16x128xf32, #tpu.memory_space<vmem>>
        %dma_start3A_1147 = arith.constant 0 : i32
        %dma_start3A_1148 = tpu.memref_slice %arg4[%dma_start3A_1147, %multiple_of3A_1135] : memref<16x1000000xf32, #tpu.memory_space<hbm>> -> memref<16x128xf32, #tpu.memory_space<hbm>>
        tpu.enqueue_dma source(%dma_start3A_1148 : memref<16x128xf32, #tpu.memory_space<hbm>>) target(%dma_start3A_1146 : memref<16x128xf32, #tpu.memory_space<vmem>>) target_semaphore(%arg13 : memref<!tpu.dma_semaphore, #tpu.memory_space<semaphore_mem>>)
        %slice3A_1149 = vector.extract_strided_slice %and3A_972 {offsets = [11], sizes = [1], strides = [1]} : vector<16xi32> to vector<1xi32>
        %squeeze3A_1150 = vector.extract %slice3A_1149[0] : i32 from vector<1xi32>
        %multiple_of3A_1151 = tpu.assume_multiple %squeeze3A_1150, 128 : i32
        %dma_start3A_1152 = arith.constant 11 : i32
        %dma_start3A_1153 = arith.constant 0 : i32
        %dma_start3A_1154 = arith.constant 0 : i32
        %dma_start3A_1155 = tpu.memref_slice %arg9[%rem3A_965, %dma_start3A_1152, %dma_start3A_1153, %dma_start3A_1154] : memref<2x16x16x128xf32, #tpu.memory_space<vmem>> -> memref<1x1x16x128xf32, #tpu.memory_space<vmem>>
        %dma_start3A_1156 = tpu.memref_squeeze %dma_start3A_1155 : memref<1x1x16x128xf32, #tpu.memory_space<vmem>> -> memref<16x128xf32, #tpu.memory_space<vmem>>
        %dma_start3A_1157 = arith.constant 0 : i32
        %dma_start3A_1158 = tpu.memref_slice %arg4[%dma_start3A_1157, %multiple_of3A_1151] : memref<16x1000000xf32, #tpu.memory_space<hbm>> -> memref<16x128xf32, #tpu.memory_space<hbm>>
        %dma_start3A_1159 = arith.constant 0 : i32
        %dma_start3A_1160 = arith.constant 0 : i32
        %dma_start3A_1161 = tpu.memref_slice %arg9[%rem3A_965, %dma_start3A_1152, %dma_start3A_1159, %dma_start3A_1160] : memref<2x16x16x128xf32, #tpu.memory_space<vmem>> -> memref<1x1x16x128xf32, #tpu.memory_space<vmem>>
        %dma_start3A_1162 = tpu.memref_squeeze %dma_start3A_1161 : memref<1x1x16x128xf32, #tpu.memory_space<vmem>> -> memref<16x128xf32, #tpu.memory_space<vmem>>
        %dma_start3A_1163 = arith.constant 0 : i32
        %dma_start3A_1164 = tpu.memref_slice %arg4[%dma_start3A_1163, %multiple_of3A_1151] : memref<16x1000000xf32, #tpu.memory_space<hbm>> -> memref<16x128xf32, #tpu.memory_space<hbm>>
        tpu.enqueue_dma source(%dma_start3A_1164 : memref<16x128xf32, #tpu.memory_space<hbm>>) target(%dma_start3A_1162 : memref<16x128xf32, #tpu.memory_space<vmem>>) target_semaphore(%arg13 : memref<!tpu.dma_semaphore, #tpu.memory_space<semaphore_mem>>)
        %slice3A_1165 = vector.extract_strided_slice %and3A_972 {offsets = [12], sizes = [1], strides = [1]} : vector<16xi32> to vector<1xi32>
        %squeeze3A_1166 = vector.extract %slice3A_1165[0] : i32 from vector<1xi32>
        %multiple_of3A_1167 = tpu.assume_multiple %squeeze3A_1166, 128 : i32
        %dma_start3A_1168 = arith.constant 12 : i32
        %dma_start3A_1169 = arith.constant 0 : i32
        %dma_start3A_1170 = arith.constant 0 : i32
        %dma_start3A_1171 = tpu.memref_slice %arg9[%rem3A_965, %dma_start3A_1168, %dma_start3A_1169, %dma_start3A_1170] : memref<2x16x16x128xf32, #tpu.memory_space<vmem>> -> memref<1x1x16x128xf32, #tpu.memory_space<vmem>>
        %dma_start3A_1172 = tpu.memref_squeeze %dma_start3A_1171 : memref<1x1x16x128xf32, #tpu.memory_space<vmem>> -> memref<16x128xf32, #tpu.memory_space<vmem>>
        %dma_start3A_1173 = arith.constant 0 : i32
        %dma_start3A_1174 = tpu.memref_slice %arg4[%dma_start3A_1173, %multiple_of3A_1167] : memref<16x1000000xf32, #tpu.memory_space<hbm>> -> memref<16x128xf32, #tpu.memory_space<hbm>>
        %dma_start3A_1175 = arith.constant 0 : i32
        %dma_start3A_1176 = arith.constant 0 : i32
        %dma_start3A_1177 = tpu.memref_slice %arg9[%rem3A_965, %dma_start3A_1168, %dma_start3A_1175, %dma_start3A_1176] : memref<2x16x16x128xf32, #tpu.memory_space<vmem>> -> memref<1x1x16x128xf32, #tpu.memory_space<vmem>>
        %dma_start3A_1178 = tpu.memref_squeeze %dma_start3A_1177 : memref<1x1x16x128xf32, #tpu.memory_space<vmem>> -> memref<16x128xf32, #tpu.memory_space<vmem>>
        %dma_start3A_1179 = arith.constant 0 : i32
        %dma_start3A_1180 = tpu.memref_slice %arg4[%dma_start3A_1179, %multiple_of3A_1167] : memref<16x1000000xf32, #tpu.memory_space<hbm>> -> memref<16x128xf32, #tpu.memory_space<hbm>>
        tpu.enqueue_dma source(%dma_start3A_1180 : memref<16x128xf32, #tpu.memory_space<hbm>>) target(%dma_start3A_1178 : memref<16x128xf32, #tpu.memory_space<vmem>>) target_semaphore(%arg13 : memref<!tpu.dma_semaphore, #tpu.memory_space<semaphore_mem>>)
        %slice3A_1181 = vector.extract_strided_slice %and3A_972 {offsets = [13], sizes = [1], strides = [1]} : vector<16xi32> to vector<1xi32>
        %squeeze3A_1182 = vector.extract %slice3A_1181[0] : i32 from vector<1xi32>
        %multiple_of3A_1183 = tpu.assume_multiple %squeeze3A_1182, 128 : i32
        %dma_start3A_1184 = arith.constant 13 : i32
        %dma_start3A_1185 = arith.constant 0 : i32
        %dma_start3A_1186 = arith.constant 0 : i32
        %dma_start3A_1187 = tpu.memref_slice %arg9[%rem3A_965, %dma_start3A_1184, %dma_start3A_1185, %dma_start3A_1186] : memref<2x16x16x128xf32, #tpu.memory_space<vmem>> -> memref<1x1x16x128xf32, #tpu.memory_space<vmem>>
        %dma_start3A_1188 = tpu.memref_squeeze %dma_start3A_1187 : memref<1x1x16x128xf32, #tpu.memory_space<vmem>> -> memref<16x128xf32, #tpu.memory_space<vmem>>
        %dma_start3A_1189 = arith.constant 0 : i32
        %dma_start3A_1190 = tpu.memref_slice %arg4[%dma_start3A_1189, %multiple_of3A_1183] : memref<16x1000000xf32, #tpu.memory_space<hbm>> -> memref<16x128xf32, #tpu.memory_space<hbm>>
        %dma_start3A_1191 = arith.constant 0 : i32
        %dma_start3A_1192 = arith.constant 0 : i32
        %dma_start3A_1193 = tpu.memref_slice %arg9[%rem3A_965, %dma_start3A_1184, %dma_start3A_1191, %dma_start3A_1192] : memref<2x16x16x128xf32, #tpu.memory_space<vmem>> -> memref<1x1x16x128xf32, #tpu.memory_space<vmem>>
        %dma_start3A_1194 = tpu.memref_squeeze %dma_start3A_1193 : memref<1x1x16x128xf32, #tpu.memory_space<vmem>> -> memref<16x128xf32, #tpu.memory_space<vmem>>
        %dma_start3A_1195 = arith.constant 0 : i32
        %dma_start3A_1196 = tpu.memref_slice %arg4[%dma_start3A_1195, %multiple_of3A_1183] : memref<16x1000000xf32, #tpu.memory_space<hbm>> -> memref<16x128xf32, #tpu.memory_space<hbm>>
        tpu.enqueue_dma source(%dma_start3A_1196 : memref<16x128xf32, #tpu.memory_space<hbm>>) target(%dma_start3A_1194 : memref<16x128xf32, #tpu.memory_space<vmem>>) target_semaphore(%arg13 : memref<!tpu.dma_semaphore, #tpu.memory_space<semaphore_mem>>)
        %slice3A_1197 = vector.extract_strided_slice %and3A_972 {offsets = [14], sizes = [1], strides = [1]} : vector<16xi32> to vector<1xi32>
        %squeeze3A_1198 = vector.extract %slice3A_1197[0] : i32 from vector<1xi32>
        %multiple_of3A_1199 = tpu.assume_multiple %squeeze3A_1198, 128 : i32
        %dma_start3A_1200 = arith.constant 14 : i32
        %dma_start3A_1201 = arith.constant 0 : i32
        %dma_start3A_1202 = arith.constant 0 : i32
        %dma_start3A_1203 = tpu.memref_slice %arg9[%rem3A_965, %dma_start3A_1200, %dma_start3A_1201, %dma_start3A_1202] : memref<2x16x16x128xf32, #tpu.memory_space<vmem>> -> memref<1x1x16x128xf32, #tpu.memory_space<vmem>>
        %dma_start3A_1204 = tpu.memref_squeeze %dma_start3A_1203 : memref<1x1x16x128xf32, #tpu.memory_space<vmem>> -> memref<16x128xf32, #tpu.memory_space<vmem>>
        %dma_start3A_1205 = arith.constant 0 : i32
        %dma_start3A_1206 = tpu.memref_slice %arg4[%dma_start3A_1205, %multiple_of3A_1199] : memref<16x1000000xf32, #tpu.memory_space<hbm>> -> memref<16x128xf32, #tpu.memory_space<hbm>>
        %dma_start3A_1207 = arith.constant 0 : i32
        %dma_start3A_1208 = arith.constant 0 : i32
        %dma_start3A_1209 = tpu.memref_slice %arg9[%rem3A_965, %dma_start3A_1200, %dma_start3A_1207, %dma_start3A_1208] : memref<2x16x16x128xf32, #tpu.memory_space<vmem>> -> memref<1x1x16x128xf32, #tpu.memory_space<vmem>>
        %dma_start3A_1210 = tpu.memref_squeeze %dma_start3A_1209 : memref<1x1x16x128xf32, #tpu.memory_space<vmem>> -> memref<16x128xf32, #tpu.memory_space<vmem>>
        %dma_start3A_1211 = arith.constant 0 : i32
        %dma_start3A_1212 = tpu.memref_slice %arg4[%dma_start3A_1211, %multiple_of3A_1199] : memref<16x1000000xf32, #tpu.memory_space<hbm>> -> memref<16x128xf32, #tpu.memory_space<hbm>>
        tpu.enqueue_dma source(%dma_start3A_1212 : memref<16x128xf32, #tpu.memory_space<hbm>>) target(%dma_start3A_1210 : memref<16x128xf32, #tpu.memory_space<vmem>>) target_semaphore(%arg13 : memref<!tpu.dma_semaphore, #tpu.memory_space<semaphore_mem>>)
        %slice3A_1213 = vector.extract_strided_slice %and3A_972 {offsets = [15], sizes = [1], strides = [1]} : vector<16xi32> to vector<1xi32>
        %squeeze3A_1214 = vector.extract %slice3A_1213[0] : i32 from vector<1xi32>
        %multiple_of3A_1215 = tpu.assume_multiple %squeeze3A_1214, 128 : i32
        %dma_start3A_1216 = arith.constant 15 : i32
        %dma_start3A_1217 = arith.constant 0 : i32
        %dma_start3A_1218 = arith.constant 0 : i32
        %dma_start3A_1219 = tpu.memref_slice %arg9[%rem3A_965, %dma_start3A_1216, %dma_start3A_1217, %dma_start3A_1218] : memref<2x16x16x128xf32, #tpu.memory_space<vmem>> -> memref<1x1x16x128xf32, #tpu.memory_space<vmem>>
        %dma_start3A_1220 = tpu.memref_squeeze %dma_start3A_1219 : memref<1x1x16x128xf32, #tpu.memory_space<vmem>> -> memref<16x128xf32, #tpu.memory_space<vmem>>
        %dma_start3A_1221 = arith.constant 0 : i32
        %dma_start3A_1222 = tpu.memref_slice %arg4[%dma_start3A_1221, %multiple_of3A_1215] : memref<16x1000000xf32, #tpu.memory_space<hbm>> -> memref<16x128xf32, #tpu.memory_space<hbm>>
        %dma_start3A_1223 = arith.constant 0 : i32
        %dma_start3A_1224 = arith.constant 0 : i32
        %dma_start3A_1225 = tpu.memref_slice %arg9[%rem3A_965, %dma_start3A_1216, %dma_start3A_1223, %dma_start3A_1224] : memref<2x16x16x128xf32, #tpu.memory_space<vmem>> -> memref<1x1x16x128xf32, #tpu.memory_space<vmem>>
        %dma_start3A_1226 = tpu.memref_squeeze %dma_start3A_1225 : memref<1x1x16x128xf32, #tpu.memory_space<vmem>> -> memref<16x128xf32, #tpu.memory_space<vmem>>
        %dma_start3A_1227 = arith.constant 0 : i32
        %dma_start3A_1228 = tpu.memref_slice %arg4[%dma_start3A_1227, %multiple_of3A_1215] : memref<16x1000000xf32, #tpu.memory_space<hbm>> -> memref<16x128xf32, #tpu.memory_space<hbm>>
        tpu.enqueue_dma source(%dma_start3A_1228 : memref<16x128xf32, #tpu.memory_space<hbm>>) target(%dma_start3A_1226 : memref<16x128xf32, #tpu.memory_space<vmem>>) target_semaphore(%arg13 : memref<!tpu.dma_semaphore, #tpu.memory_space<semaphore_mem>>)
      } else {
      }
      %dma_wait3A = arith.constant 0 : i32
      %dma_wait3A_572 = arith.constant 0 : i32
      %dma_wait3A_573 = arith.constant 0 : i32
      %dma_wait3A_574 = tpu.memref_slice %arg9[%rem3A_567, %dma_wait3A, %dma_wait3A_572, %dma_wait3A_573] : memref<2x16x16x128xf32, #tpu.memory_space<vmem>> -> memref<1x1x16x128xf32, #tpu.memory_space<vmem>>
      %dma_wait3A_575 = tpu.memref_squeeze %dma_wait3A_574 : memref<1x1x16x128xf32, #tpu.memory_space<vmem>> -> memref<16x128xf32, #tpu.memory_space<vmem>>
      %dma_wait3A_576 = arith.constant 0 : i32
      %dma_wait3A_577 = arith.constant 0 : i32
      %dma_wait3A_578 = tpu.memref_slice %arg4[%dma_wait3A_576, %dma_wait3A_577] : memref<16x1000000xf32, #tpu.memory_space<hbm>> -> memref<16x128xf32, #tpu.memory_space<hbm>>
      %dma_wait3A_579 = arith.constant 0 : i32
      %dma_wait3A_580 = arith.constant 0 : i32
      %dma_wait3A_581 = tpu.memref_slice %arg9[%rem3A_567, %dma_wait3A, %dma_wait3A_579, %dma_wait3A_580] : memref<2x16x16x128xf32, #tpu.memory_space<vmem>> -> memref<1x1x16x128xf32, #tpu.memory_space<vmem>>
      %dma_wait3A_582 = tpu.memref_squeeze %dma_wait3A_581 : memref<1x1x16x128xf32, #tpu.memory_space<vmem>> -> memref<16x128xf32, #tpu.memory_space<vmem>>
      %dma_wait3A_583 = arith.constant 0 : i32
      %dma_wait3A_584 = arith.constant 0 : i32
      %dma_wait3A_585 = tpu.memref_slice %arg4[%dma_wait3A_583, %dma_wait3A_584] : memref<16x1000000xf32, #tpu.memory_space<hbm>> -> memref<16x128xf32, #tpu.memory_space<hbm>>
      tpu.wait_dma2 semaphore(%arg13 : memref<!tpu.dma_semaphore, #tpu.memory_space<semaphore_mem>>) src(%dma_wait3A_585 : memref<16x128xf32, #tpu.memory_space<hbm>>) dst(%dma_wait3A_582 : memref<16x128xf32, #tpu.memory_space<vmem>>)
      %dma_wait3A_586 = arith.constant 1 : i32
      %dma_wait3A_587 = arith.constant 0 : i32
      %dma_wait3A_588 = arith.constant 0 : i32
      %dma_wait3A_589 = tpu.memref_slice %arg9[%rem3A_567, %dma_wait3A_586, %dma_wait3A_587, %dma_wait3A_588] : memref<2x16x16x128xf32, #tpu.memory_space<vmem>> -> memref<1x1x16x128xf32, #tpu.memory_space<vmem>>
      %dma_wait3A_590 = tpu.memref_squeeze %dma_wait3A_589 : memref<1x1x16x128xf32, #tpu.memory_space<vmem>> -> memref<16x128xf32, #tpu.memory_space<vmem>>
      %dma_wait3A_591 = arith.constant 0 : i32
      %dma_wait3A_592 = arith.constant 0 : i32
      %dma_wait3A_593 = tpu.memref_slice %arg4[%dma_wait3A_591, %dma_wait3A_592] : memref<16x1000000xf32, #tpu.memory_space<hbm>> -> memref<16x128xf32, #tpu.memory_space<hbm>>
      %dma_wait3A_594 = arith.constant 0 : i32
      %dma_wait3A_595 = arith.constant 0 : i32
      %dma_wait3A_596 = tpu.memref_slice %arg9[%rem3A_567, %dma_wait3A_586, %dma_wait3A_594, %dma_wait3A_595] : memref<2x16x16x128xf32, #tpu.memory_space<vmem>> -> memref<1x1x16x128xf32, #tpu.memory_space<vmem>>
      %dma_wait3A_597 = tpu.memref_squeeze %dma_wait3A_596 : memref<1x1x16x128xf32, #tpu.memory_space<vmem>> -> memref<16x128xf32, #tpu.memory_space<vmem>>
      %dma_wait3A_598 = arith.constant 0 : i32
      %dma_wait3A_599 = arith.constant 0 : i32
      %dma_wait3A_600 = tpu.memref_slice %arg4[%dma_wait3A_598, %dma_wait3A_599] : memref<16x1000000xf32, #tpu.memory_space<hbm>> -> memref<16x128xf32, #tpu.memory_space<hbm>>
      tpu.wait_dma2 semaphore(%arg13 : memref<!tpu.dma_semaphore, #tpu.memory_space<semaphore_mem>>) src(%dma_wait3A_600 : memref<16x128xf32, #tpu.memory_space<hbm>>) dst(%dma_wait3A_597 : memref<16x128xf32, #tpu.memory_space<vmem>>)
      %dma_wait3A_601 = arith.constant 2 : i32
      %dma_wait3A_602 = arith.constant 0 : i32
      %dma_wait3A_603 = arith.constant 0 : i32
      %dma_wait3A_604 = tpu.memref_slice %arg9[%rem3A_567, %dma_wait3A_601, %dma_wait3A_602, %dma_wait3A_603] : memref<2x16x16x128xf32, #tpu.memory_space<vmem>> -> memref<1x1x16x128xf32, #tpu.memory_space<vmem>>
      %dma_wait3A_605 = tpu.memref_squeeze %dma_wait3A_604 : memref<1x1x16x128xf32, #tpu.memory_space<vmem>> -> memref<16x128xf32, #tpu.memory_space<vmem>>
      %dma_wait3A_606 = arith.constant 0 : i32
      %dma_wait3A_607 = arith.constant 0 : i32
      %dma_wait3A_608 = tpu.memref_slice %arg4[%dma_wait3A_606, %dma_wait3A_607] : memref<16x1000000xf32, #tpu.memory_space<hbm>> -> memref<16x128xf32, #tpu.memory_space<hbm>>
      %dma_wait3A_609 = arith.constant 0 : i32
      %dma_wait3A_610 = arith.constant 0 : i32
      %dma_wait3A_611 = tpu.memref_slice %arg9[%rem3A_567, %dma_wait3A_601, %dma_wait3A_609, %dma_wait3A_610] : memref<2x16x16x128xf32, #tpu.memory_space<vmem>> -> memref<1x1x16x128xf32, #tpu.memory_space<vmem>>
      %dma_wait3A_612 = tpu.memref_squeeze %dma_wait3A_611 : memref<1x1x16x128xf32, #tpu.memory_space<vmem>> -> memref<16x128xf32, #tpu.memory_space<vmem>>
      %dma_wait3A_613 = arith.constant 0 : i32
      %dma_wait3A_614 = arith.constant 0 : i32
      %dma_wait3A_615 = tpu.memref_slice %arg4[%dma_wait3A_613, %dma_wait3A_614] : memref<16x1000000xf32, #tpu.memory_space<hbm>> -> memref<16x128xf32, #tpu.memory_space<hbm>>
      tpu.wait_dma2 semaphore(%arg13 : memref<!tpu.dma_semaphore, #tpu.memory_space<semaphore_mem>>) src(%dma_wait3A_615 : memref<16x128xf32, #tpu.memory_space<hbm>>) dst(%dma_wait3A_612 : memref<16x128xf32, #tpu.memory_space<vmem>>)
      %dma_wait3A_616 = arith.constant 3 : i32
      %dma_wait3A_617 = arith.constant 0 : i32
      %dma_wait3A_618 = arith.constant 0 : i32
      %dma_wait3A_619 = tpu.memref_slice %arg9[%rem3A_567, %dma_wait3A_616, %dma_wait3A_617, %dma_wait3A_618] : memref<2x16x16x128xf32, #tpu.memory_space<vmem>> -> memref<1x1x16x128xf32, #tpu.memory_space<vmem>>
      %dma_wait3A_620 = tpu.memref_squeeze %dma_wait3A_619 : memref<1x1x16x128xf32, #tpu.memory_space<vmem>> -> memref<16x128xf32, #tpu.memory_space<vmem>>
      %dma_wait3A_621 = arith.constant 0 : i32
      %dma_wait3A_622 = arith.constant 0 : i32
      %dma_wait3A_623 = tpu.memref_slice %arg4[%dma_wait3A_621, %dma_wait3A_622] : memref<16x1000000xf32, #tpu.memory_space<hbm>> -> memref<16x128xf32, #tpu.memory_space<hbm>>
      %dma_wait3A_624 = arith.constant 0 : i32
      %dma_wait3A_625 = arith.constant 0 : i32
      %dma_wait3A_626 = tpu.memref_slice %arg9[%rem3A_567, %dma_wait3A_616, %dma_wait3A_624, %dma_wait3A_625] : memref<2x16x16x128xf32, #tpu.memory_space<vmem>> -> memref<1x1x16x128xf32, #tpu.memory_space<vmem>>
      %dma_wait3A_627 = tpu.memref_squeeze %dma_wait3A_626 : memref<1x1x16x128xf32, #tpu.memory_space<vmem>> -> memref<16x128xf32, #tpu.memory_space<vmem>>
      %dma_wait3A_628 = arith.constant 0 : i32
      %dma_wait3A_629 = arith.constant 0 : i32
      %dma_wait3A_630 = tpu.memref_slice %arg4[%dma_wait3A_628, %dma_wait3A_629] : memref<16x1000000xf32, #tpu.memory_space<hbm>> -> memref<16x128xf32, #tpu.memory_space<hbm>>
      tpu.wait_dma2 semaphore(%arg13 : memref<!tpu.dma_semaphore, #tpu.memory_space<semaphore_mem>>) src(%dma_wait3A_630 : memref<16x128xf32, #tpu.memory_space<hbm>>) dst(%dma_wait3A_627 : memref<16x128xf32, #tpu.memory_space<vmem>>)
      %dma_wait3A_631 = arith.constant 4 : i32
      %dma_wait3A_632 = arith.constant 0 : i32
      %dma_wait3A_633 = arith.constant 0 : i32
      %dma_wait3A_634 = tpu.memref_slice %arg9[%rem3A_567, %dma_wait3A_631, %dma_wait3A_632, %dma_wait3A_633] : memref<2x16x16x128xf32, #tpu.memory_space<vmem>> -> memref<1x1x16x128xf32, #tpu.memory_space<vmem>>
      %dma_wait3A_635 = tpu.memref_squeeze %dma_wait3A_634 : memref<1x1x16x128xf32, #tpu.memory_space<vmem>> -> memref<16x128xf32, #tpu.memory_space<vmem>>
      %dma_wait3A_636 = arith.constant 0 : i32
      %dma_wait3A_637 = arith.constant 0 : i32
      %dma_wait3A_638 = tpu.memref_slice %arg4[%dma_wait3A_636, %dma_wait3A_637] : memref<16x1000000xf32, #tpu.memory_space<hbm>> -> memref<16x128xf32, #tpu.memory_space<hbm>>
      %dma_wait3A_639 = arith.constant 0 : i32
      %dma_wait3A_640 = arith.constant 0 : i32
      %dma_wait3A_641 = tpu.memref_slice %arg9[%rem3A_567, %dma_wait3A_631, %dma_wait3A_639, %dma_wait3A_640] : memref<2x16x16x128xf32, #tpu.memory_space<vmem>> -> memref<1x1x16x128xf32, #tpu.memory_space<vmem>>
      %dma_wait3A_642 = tpu.memref_squeeze %dma_wait3A_641 : memref<1x1x16x128xf32, #tpu.memory_space<vmem>> -> memref<16x128xf32, #tpu.memory_space<vmem>>
      %dma_wait3A_643 = arith.constant 0 : i32
      %dma_wait3A_644 = arith.constant 0 : i32
      %dma_wait3A_645 = tpu.memref_slice %arg4[%dma_wait3A_643, %dma_wait3A_644] : memref<16x1000000xf32, #tpu.memory_space<hbm>> -> memref<16x128xf32, #tpu.memory_space<hbm>>
      tpu.wait_dma2 semaphore(%arg13 : memref<!tpu.dma_semaphore, #tpu.memory_space<semaphore_mem>>) src(%dma_wait3A_645 : memref<16x128xf32, #tpu.memory_space<hbm>>) dst(%dma_wait3A_642 : memref<16x128xf32, #tpu.memory_space<vmem>>)
      %dma_wait3A_646 = arith.constant 5 : i32
      %dma_wait3A_647 = arith.constant 0 : i32
      %dma_wait3A_648 = arith.constant 0 : i32
      %dma_wait3A_649 = tpu.memref_slice %arg9[%rem3A_567, %dma_wait3A_646, %dma_wait3A_647, %dma_wait3A_648] : memref<2x16x16x128xf32, #tpu.memory_space<vmem>> -> memref<1x1x16x128xf32, #tpu.memory_space<vmem>>
      %dma_wait3A_650 = tpu.memref_squeeze %dma_wait3A_649 : memref<1x1x16x128xf32, #tpu.memory_space<vmem>> -> memref<16x128xf32, #tpu.memory_space<vmem>>
      %dma_wait3A_651 = arith.constant 0 : i32
      %dma_wait3A_652 = arith.constant 0 : i32
      %dma_wait3A_653 = tpu.memref_slice %arg4[%dma_wait3A_651, %dma_wait3A_652] : memref<16x1000000xf32, #tpu.memory_space<hbm>> -> memref<16x128xf32, #tpu.memory_space<hbm>>
      %dma_wait3A_654 = arith.constant 0 : i32
      %dma_wait3A_655 = arith.constant 0 : i32
      %dma_wait3A_656 = tpu.memref_slice %arg9[%rem3A_567, %dma_wait3A_646, %dma_wait3A_654, %dma_wait3A_655] : memref<2x16x16x128xf32, #tpu.memory_space<vmem>> -> memref<1x1x16x128xf32, #tpu.memory_space<vmem>>
      %dma_wait3A_657 = tpu.memref_squeeze %dma_wait3A_656 : memref<1x1x16x128xf32, #tpu.memory_space<vmem>> -> memref<16x128xf32, #tpu.memory_space<vmem>>
      %dma_wait3A_658 = arith.constant 0 : i32
      %dma_wait3A_659 = arith.constant 0 : i32
      %dma_wait3A_660 = tpu.memref_slice %arg4[%dma_wait3A_658, %dma_wait3A_659] : memref<16x1000000xf32, #tpu.memory_space<hbm>> -> memref<16x128xf32, #tpu.memory_space<hbm>>
      tpu.wait_dma2 semaphore(%arg13 : memref<!tpu.dma_semaphore, #tpu.memory_space<semaphore_mem>>) src(%dma_wait3A_660 : memref<16x128xf32, #tpu.memory_space<hbm>>) dst(%dma_wait3A_657 : memref<16x128xf32, #tpu.memory_space<vmem>>)
      %dma_wait3A_661 = arith.constant 6 : i32
      %dma_wait3A_662 = arith.constant 0 : i32
      %dma_wait3A_663 = arith.constant 0 : i32
      %dma_wait3A_664 = tpu.memref_slice %arg9[%rem3A_567, %dma_wait3A_661, %dma_wait3A_662, %dma_wait3A_663] : memref<2x16x16x128xf32, #tpu.memory_space<vmem>> -> memref<1x1x16x128xf32, #tpu.memory_space<vmem>>
      %dma_wait3A_665 = tpu.memref_squeeze %dma_wait3A_664 : memref<1x1x16x128xf32, #tpu.memory_space<vmem>> -> memref<16x128xf32, #tpu.memory_space<vmem>>
      %dma_wait3A_666 = arith.constant 0 : i32
      %dma_wait3A_667 = arith.constant 0 : i32
      %dma_wait3A_668 = tpu.memref_slice %arg4[%dma_wait3A_666, %dma_wait3A_667] : memref<16x1000000xf32, #tpu.memory_space<hbm>> -> memref<16x128xf32, #tpu.memory_space<hbm>>
      %dma_wait3A_669 = arith.constant 0 : i32
      %dma_wait3A_670 = arith.constant 0 : i32
      %dma_wait3A_671 = tpu.memref_slice %arg9[%rem3A_567, %dma_wait3A_661, %dma_wait3A_669, %dma_wait3A_670] : memref<2x16x16x128xf32, #tpu.memory_space<vmem>> -> memref<1x1x16x128xf32, #tpu.memory_space<vmem>>
      %dma_wait3A_672 = tpu.memref_squeeze %dma_wait3A_671 : memref<1x1x16x128xf32, #tpu.memory_space<vmem>> -> memref<16x128xf32, #tpu.memory_space<vmem>>
      %dma_wait3A_673 = arith.constant 0 : i32
      %dma_wait3A_674 = arith.constant 0 : i32
      %dma_wait3A_675 = tpu.memref_slice %arg4[%dma_wait3A_673, %dma_wait3A_674] : memref<16x1000000xf32, #tpu.memory_space<hbm>> -> memref<16x128xf32, #tpu.memory_space<hbm>>
      tpu.wait_dma2 semaphore(%arg13 : memref<!tpu.dma_semaphore, #tpu.memory_space<semaphore_mem>>) src(%dma_wait3A_675 : memref<16x128xf32, #tpu.memory_space<hbm>>) dst(%dma_wait3A_672 : memref<16x128xf32, #tpu.memory_space<vmem>>)
      %dma_wait3A_676 = arith.constant 7 : i32
      %dma_wait3A_677 = arith.constant 0 : i32
      %dma_wait3A_678 = arith.constant 0 : i32
      %dma_wait3A_679 = tpu.memref_slice %arg9[%rem3A_567, %dma_wait3A_676, %dma_wait3A_677, %dma_wait3A_678] : memref<2x16x16x128xf32, #tpu.memory_space<vmem>> -> memref<1x1x16x128xf32, #tpu.memory_space<vmem>>
      %dma_wait3A_680 = tpu.memref_squeeze %dma_wait3A_679 : memref<1x1x16x128xf32, #tpu.memory_space<vmem>> -> memref<16x128xf32, #tpu.memory_space<vmem>>
      %dma_wait3A_681 = arith.constant 0 : i32
      %dma_wait3A_682 = arith.constant 0 : i32
      %dma_wait3A_683 = tpu.memref_slice %arg4[%dma_wait3A_681, %dma_wait3A_682] : memref<16x1000000xf32, #tpu.memory_space<hbm>> -> memref<16x128xf32, #tpu.memory_space<hbm>>
      %dma_wait3A_684 = arith.constant 0 : i32
      %dma_wait3A_685 = arith.constant 0 : i32
      %dma_wait3A_686 = tpu.memref_slice %arg9[%rem3A_567, %dma_wait3A_676, %dma_wait3A_684, %dma_wait3A_685] : memref<2x16x16x128xf32, #tpu.memory_space<vmem>> -> memref<1x1x16x128xf32, #tpu.memory_space<vmem>>
      %dma_wait3A_687 = tpu.memref_squeeze %dma_wait3A_686 : memref<1x1x16x128xf32, #tpu.memory_space<vmem>> -> memref<16x128xf32, #tpu.memory_space<vmem>>
      %dma_wait3A_688 = arith.constant 0 : i32
      %dma_wait3A_689 = arith.constant 0 : i32
      %dma_wait3A_690 = tpu.memref_slice %arg4[%dma_wait3A_688, %dma_wait3A_689] : memref<16x1000000xf32, #tpu.memory_space<hbm>> -> memref<16x128xf32, #tpu.memory_space<hbm>>
      tpu.wait_dma2 semaphore(%arg13 : memref<!tpu.dma_semaphore, #tpu.memory_space<semaphore_mem>>) src(%dma_wait3A_690 : memref<16x128xf32, #tpu.memory_space<hbm>>) dst(%dma_wait3A_687 : memref<16x128xf32, #tpu.memory_space<vmem>>)
      %dma_wait3A_691 = arith.constant 8 : i32
      %dma_wait3A_692 = arith.constant 0 : i32
      %dma_wait3A_693 = arith.constant 0 : i32
      %dma_wait3A_694 = tpu.memref_slice %arg9[%rem3A_567, %dma_wait3A_691, %dma_wait3A_692, %dma_wait3A_693] : memref<2x16x16x128xf32, #tpu.memory_space<vmem>> -> memref<1x1x16x128xf32, #tpu.memory_space<vmem>>
      %dma_wait3A_695 = tpu.memref_squeeze %dma_wait3A_694 : memref<1x1x16x128xf32, #tpu.memory_space<vmem>> -> memref<16x128xf32, #tpu.memory_space<vmem>>
      %dma_wait3A_696 = arith.constant 0 : i32
      %dma_wait3A_697 = arith.constant 0 : i32
      %dma_wait3A_698 = tpu.memref_slice %arg4[%dma_wait3A_696, %dma_wait3A_697] : memref<16x1000000xf32, #tpu.memory_space<hbm>> -> memref<16x128xf32, #tpu.memory_space<hbm>>
      %dma_wait3A_699 = arith.constant 0 : i32
      %dma_wait3A_700 = arith.constant 0 : i32
      %dma_wait3A_701 = tpu.memref_slice %arg9[%rem3A_567, %dma_wait3A_691, %dma_wait3A_699, %dma_wait3A_700] : memref<2x16x16x128xf32, #tpu.memory_space<vmem>> -> memref<1x1x16x128xf32, #tpu.memory_space<vmem>>
      %dma_wait3A_702 = tpu.memref_squeeze %dma_wait3A_701 : memref<1x1x16x128xf32, #tpu.memory_space<vmem>> -> memref<16x128xf32, #tpu.memory_space<vmem>>
      %dma_wait3A_703 = arith.constant 0 : i32
      %dma_wait3A_704 = arith.constant 0 : i32
      %dma_wait3A_705 = tpu.memref_slice %arg4[%dma_wait3A_703, %dma_wait3A_704] : memref<16x1000000xf32, #tpu.memory_space<hbm>> -> memref<16x128xf32, #tpu.memory_space<hbm>>
      tpu.wait_dma2 semaphore(%arg13 : memref<!tpu.dma_semaphore, #tpu.memory_space<semaphore_mem>>) src(%dma_wait3A_705 : memref<16x128xf32, #tpu.memory_space<hbm>>) dst(%dma_wait3A_702 : memref<16x128xf32, #tpu.memory_space<vmem>>)
      %dma_wait3A_706 = arith.constant 9 : i32
      %dma_wait3A_707 = arith.constant 0 : i32
      %dma_wait3A_708 = arith.constant 0 : i32
      %dma_wait3A_709 = tpu.memref_slice %arg9[%rem3A_567, %dma_wait3A_706, %dma_wait3A_707, %dma_wait3A_708] : memref<2x16x16x128xf32, #tpu.memory_space<vmem>> -> memref<1x1x16x128xf32, #tpu.memory_space<vmem>>
      %dma_wait3A_710 = tpu.memref_squeeze %dma_wait3A_709 : memref<1x1x16x128xf32, #tpu.memory_space<vmem>> -> memref<16x128xf32, #tpu.memory_space<vmem>>
      %dma_wait3A_711 = arith.constant 0 : i32
      %dma_wait3A_712 = arith.constant 0 : i32
      %dma_wait3A_713 = tpu.memref_slice %arg4[%dma_wait3A_711, %dma_wait3A_712] : memref<16x1000000xf32, #tpu.memory_space<hbm>> -> memref<16x128xf32, #tpu.memory_space<hbm>>
      %dma_wait3A_714 = arith.constant 0 : i32
      %dma_wait3A_715 = arith.constant 0 : i32
      %dma_wait3A_716 = tpu.memref_slice %arg9[%rem3A_567, %dma_wait3A_706, %dma_wait3A_714, %dma_wait3A_715] : memref<2x16x16x128xf32, #tpu.memory_space<vmem>> -> memref<1x1x16x128xf32, #tpu.memory_space<vmem>>
      %dma_wait3A_717 = tpu.memref_squeeze %dma_wait3A_716 : memref<1x1x16x128xf32, #tpu.memory_space<vmem>> -> memref<16x128xf32, #tpu.memory_space<vmem>>
      %dma_wait3A_718 = arith.constant 0 : i32
      %dma_wait3A_719 = arith.constant 0 : i32
      %dma_wait3A_720 = tpu.memref_slice %arg4[%dma_wait3A_718, %dma_wait3A_719] : memref<16x1000000xf32, #tpu.memory_space<hbm>> -> memref<16x128xf32, #tpu.memory_space<hbm>>
      tpu.wait_dma2 semaphore(%arg13 : memref<!tpu.dma_semaphore, #tpu.memory_space<semaphore_mem>>) src(%dma_wait3A_720 : memref<16x128xf32, #tpu.memory_space<hbm>>) dst(%dma_wait3A_717 : memref<16x128xf32, #tpu.memory_space<vmem>>)
      %dma_wait3A_721 = arith.constant 10 : i32
      %dma_wait3A_722 = arith.constant 0 : i32
      %dma_wait3A_723 = arith.constant 0 : i32
      %dma_wait3A_724 = tpu.memref_slice %arg9[%rem3A_567, %dma_wait3A_721, %dma_wait3A_722, %dma_wait3A_723] : memref<2x16x16x128xf32, #tpu.memory_space<vmem>> -> memref<1x1x16x128xf32, #tpu.memory_space<vmem>>
      %dma_wait3A_725 = tpu.memref_squeeze %dma_wait3A_724 : memref<1x1x16x128xf32, #tpu.memory_space<vmem>> -> memref<16x128xf32, #tpu.memory_space<vmem>>
      %dma_wait3A_726 = arith.constant 0 : i32
      %dma_wait3A_727 = arith.constant 0 : i32
      %dma_wait3A_728 = tpu.memref_slice %arg4[%dma_wait3A_726, %dma_wait3A_727] : memref<16x1000000xf32, #tpu.memory_space<hbm>> -> memref<16x128xf32, #tpu.memory_space<hbm>>
      %dma_wait3A_729 = arith.constant 0 : i32
      %dma_wait3A_730 = arith.constant 0 : i32
      %dma_wait3A_731 = tpu.memref_slice %arg9[%rem3A_567, %dma_wait3A_721, %dma_wait3A_729, %dma_wait3A_730] : memref<2x16x16x128xf32, #tpu.memory_space<vmem>> -> memref<1x1x16x128xf32, #tpu.memory_space<vmem>>
      %dma_wait3A_732 = tpu.memref_squeeze %dma_wait3A_731 : memref<1x1x16x128xf32, #tpu.memory_space<vmem>> -> memref<16x128xf32, #tpu.memory_space<vmem>>
      %dma_wait3A_733 = arith.constant 0 : i32
      %dma_wait3A_734 = arith.constant 0 : i32
      %dma_wait3A_735 = tpu.memref_slice %arg4[%dma_wait3A_733, %dma_wait3A_734] : memref<16x1000000xf32, #tpu.memory_space<hbm>> -> memref<16x128xf32, #tpu.memory_space<hbm>>
      tpu.wait_dma2 semaphore(%arg13 : memref<!tpu.dma_semaphore, #tpu.memory_space<semaphore_mem>>) src(%dma_wait3A_735 : memref<16x128xf32, #tpu.memory_space<hbm>>) dst(%dma_wait3A_732 : memref<16x128xf32, #tpu.memory_space<vmem>>)
      %dma_wait3A_736 = arith.constant 11 : i32
      %dma_wait3A_737 = arith.constant 0 : i32
      %dma_wait3A_738 = arith.constant 0 : i32
      %dma_wait3A_739 = tpu.memref_slice %arg9[%rem3A_567, %dma_wait3A_736, %dma_wait3A_737, %dma_wait3A_738] : memref<2x16x16x128xf32, #tpu.memory_space<vmem>> -> memref<1x1x16x128xf32, #tpu.memory_space<vmem>>
      %dma_wait3A_740 = tpu.memref_squeeze %dma_wait3A_739 : memref<1x1x16x128xf32, #tpu.memory_space<vmem>> -> memref<16x128xf32, #tpu.memory_space<vmem>>
      %dma_wait3A_741 = arith.constant 0 : i32
      %dma_wait3A_742 = arith.constant 0 : i32
      %dma_wait3A_743 = tpu.memref_slice %arg4[%dma_wait3A_741, %dma_wait3A_742] : memref<16x1000000xf32, #tpu.memory_space<hbm>> -> memref<16x128xf32, #tpu.memory_space<hbm>>
      %dma_wait3A_744 = arith.constant 0 : i32
      %dma_wait3A_745 = arith.constant 0 : i32
      %dma_wait3A_746 = tpu.memref_slice %arg9[%rem3A_567, %dma_wait3A_736, %dma_wait3A_744, %dma_wait3A_745] : memref<2x16x16x128xf32, #tpu.memory_space<vmem>> -> memref<1x1x16x128xf32, #tpu.memory_space<vmem>>
      %dma_wait3A_747 = tpu.memref_squeeze %dma_wait3A_746 : memref<1x1x16x128xf32, #tpu.memory_space<vmem>> -> memref<16x128xf32, #tpu.memory_space<vmem>>
      %dma_wait3A_748 = arith.constant 0 : i32
      %dma_wait3A_749 = arith.constant 0 : i32
      %dma_wait3A_750 = tpu.memref_slice %arg4[%dma_wait3A_748, %dma_wait3A_749] : memref<16x1000000xf32, #tpu.memory_space<hbm>> -> memref<16x128xf32, #tpu.memory_space<hbm>>
      tpu.wait_dma2 semaphore(%arg13 : memref<!tpu.dma_semaphore, #tpu.memory_space<semaphore_mem>>) src(%dma_wait3A_750 : memref<16x128xf32, #tpu.memory_space<hbm>>) dst(%dma_wait3A_747 : memref<16x128xf32, #tpu.memory_space<vmem>>)
      %dma_wait3A_751 = arith.constant 12 : i32
      %dma_wait3A_752 = arith.constant 0 : i32
      %dma_wait3A_753 = arith.constant 0 : i32
      %dma_wait3A_754 = tpu.memref_slice %arg9[%rem3A_567, %dma_wait3A_751, %dma_wait3A_752, %dma_wait3A_753] : memref<2x16x16x128xf32, #tpu.memory_space<vmem>> -> memref<1x1x16x128xf32, #tpu.memory_space<vmem>>
      %dma_wait3A_755 = tpu.memref_squeeze %dma_wait3A_754 : memref<1x1x16x128xf32, #tpu.memory_space<vmem>> -> memref<16x128xf32, #tpu.memory_space<vmem>>
      %dma_wait3A_756 = arith.constant 0 : i32
      %dma_wait3A_757 = arith.constant 0 : i32
      %dma_wait3A_758 = tpu.memref_slice %arg4[%dma_wait3A_756, %dma_wait3A_757] : memref<16x1000000xf32, #tpu.memory_space<hbm>> -> memref<16x128xf32, #tpu.memory_space<hbm>>
      %dma_wait3A_759 = arith.constant 0 : i32
      %dma_wait3A_760 = arith.constant 0 : i32
      %dma_wait3A_761 = tpu.memref_slice %arg9[%rem3A_567, %dma_wait3A_751, %dma_wait3A_759, %dma_wait3A_760] : memref<2x16x16x128xf32, #tpu.memory_space<vmem>> -> memref<1x1x16x128xf32, #tpu.memory_space<vmem>>
      %dma_wait3A_762 = tpu.memref_squeeze %dma_wait3A_761 : memref<1x1x16x128xf32, #tpu.memory_space<vmem>> -> memref<16x128xf32, #tpu.memory_space<vmem>>
      %dma_wait3A_763 = arith.constant 0 : i32
      %dma_wait3A_764 = arith.constant 0 : i32
      %dma_wait3A_765 = tpu.memref_slice %arg4[%dma_wait3A_763, %dma_wait3A_764] : memref<16x1000000xf32, #tpu.memory_space<hbm>> -> memref<16x128xf32, #tpu.memory_space<hbm>>
      tpu.wait_dma2 semaphore(%arg13 : memref<!tpu.dma_semaphore, #tpu.memory_space<semaphore_mem>>) src(%dma_wait3A_765 : memref<16x128xf32, #tpu.memory_space<hbm>>) dst(%dma_wait3A_762 : memref<16x128xf32, #tpu.memory_space<vmem>>)
      %dma_wait3A_766 = arith.constant 13 : i32
      %dma_wait3A_767 = arith.constant 0 : i32
      %dma_wait3A_768 = arith.constant 0 : i32
      %dma_wait3A_769 = tpu.memref_slice %arg9[%rem3A_567, %dma_wait3A_766, %dma_wait3A_767, %dma_wait3A_768] : memref<2x16x16x128xf32, #tpu.memory_space<vmem>> -> memref<1x1x16x128xf32, #tpu.memory_space<vmem>>
      %dma_wait3A_770 = tpu.memref_squeeze %dma_wait3A_769 : memref<1x1x16x128xf32, #tpu.memory_space<vmem>> -> memref<16x128xf32, #tpu.memory_space<vmem>>
      %dma_wait3A_771 = arith.constant 0 : i32
      %dma_wait3A_772 = arith.constant 0 : i32
      %dma_wait3A_773 = tpu.memref_slice %arg4[%dma_wait3A_771, %dma_wait3A_772] : memref<16x1000000xf32, #tpu.memory_space<hbm>> -> memref<16x128xf32, #tpu.memory_space<hbm>>
      %dma_wait3A_774 = arith.constant 0 : i32
      %dma_wait3A_775 = arith.constant 0 : i32
      %dma_wait3A_776 = tpu.memref_slice %arg9[%rem3A_567, %dma_wait3A_766, %dma_wait3A_774, %dma_wait3A_775] : memref<2x16x16x128xf32, #tpu.memory_space<vmem>> -> memref<1x1x16x128xf32, #tpu.memory_space<vmem>>
      %dma_wait3A_777 = tpu.memref_squeeze %dma_wait3A_776 : memref<1x1x16x128xf32, #tpu.memory_space<vmem>> -> memref<16x128xf32, #tpu.memory_space<vmem>>
      %dma_wait3A_778 = arith.constant 0 : i32
      %dma_wait3A_779 = arith.constant 0 : i32
      %dma_wait3A_780 = tpu.memref_slice %arg4[%dma_wait3A_778, %dma_wait3A_779] : memref<16x1000000xf32, #tpu.memory_space<hbm>> -> memref<16x128xf32, #tpu.memory_space<hbm>>
      tpu.wait_dma2 semaphore(%arg13 : memref<!tpu.dma_semaphore, #tpu.memory_space<semaphore_mem>>) src(%dma_wait3A_780 : memref<16x128xf32, #tpu.memory_space<hbm>>) dst(%dma_wait3A_777 : memref<16x128xf32, #tpu.memory_space<vmem>>)
      %dma_wait3A_781 = arith.constant 14 : i32
      %dma_wait3A_782 = arith.constant 0 : i32
      %dma_wait3A_783 = arith.constant 0 : i32
      %dma_wait3A_784 = tpu.memref_slice %arg9[%rem3A_567, %dma_wait3A_781, %dma_wait3A_782, %dma_wait3A_783] : memref<2x16x16x128xf32, #tpu.memory_space<vmem>> -> memref<1x1x16x128xf32, #tpu.memory_space<vmem>>
      %dma_wait3A_785 = tpu.memref_squeeze %dma_wait3A_784 : memref<1x1x16x128xf32, #tpu.memory_space<vmem>> -> memref<16x128xf32, #tpu.memory_space<vmem>>
      %dma_wait3A_786 = arith.constant 0 : i32
      %dma_wait3A_787 = arith.constant 0 : i32
      %dma_wait3A_788 = tpu.memref_slice %arg4[%dma_wait3A_786, %dma_wait3A_787] : memref<16x1000000xf32, #tpu.memory_space<hbm>> -> memref<16x128xf32, #tpu.memory_space<hbm>>
      %dma_wait3A_789 = arith.constant 0 : i32
      %dma_wait3A_790 = arith.constant 0 : i32
      %dma_wait3A_791 = tpu.memref_slice %arg9[%rem3A_567, %dma_wait3A_781, %dma_wait3A_789, %dma_wait3A_790] : memref<2x16x16x128xf32, #tpu.memory_space<vmem>> -> memref<1x1x16x128xf32, #tpu.memory_space<vmem>>
      %dma_wait3A_792 = tpu.memref_squeeze %dma_wait3A_791 : memref<1x1x16x128xf32, #tpu.memory_space<vmem>> -> memref<16x128xf32, #tpu.memory_space<vmem>>
      %dma_wait3A_793 = arith.constant 0 : i32
      %dma_wait3A_794 = arith.constant 0 : i32
      %dma_wait3A_795 = tpu.memref_slice %arg4[%dma_wait3A_793, %dma_wait3A_794] : memref<16x1000000xf32, #tpu.memory_space<hbm>> -> memref<16x128xf32, #tpu.memory_space<hbm>>
      tpu.wait_dma2 semaphore(%arg13 : memref<!tpu.dma_semaphore, #tpu.memory_space<semaphore_mem>>) src(%dma_wait3A_795 : memref<16x128xf32, #tpu.memory_space<hbm>>) dst(%dma_wait3A_792 : memref<16x128xf32, #tpu.memory_space<vmem>>)
      %dma_wait3A_796 = arith.constant 15 : i32
      %dma_wait3A_797 = arith.constant 0 : i32
      %dma_wait3A_798 = arith.constant 0 : i32
      %dma_wait3A_799 = tpu.memref_slice %arg9[%rem3A_567, %dma_wait3A_796, %dma_wait3A_797, %dma_wait3A_798] : memref<2x16x16x128xf32, #tpu.memory_space<vmem>> -> memref<1x1x16x128xf32, #tpu.memory_space<vmem>>
      %dma_wait3A_800 = tpu.memref_squeeze %dma_wait3A_799 : memref<1x1x16x128xf32, #tpu.memory_space<vmem>> -> memref<16x128xf32, #tpu.memory_space<vmem>>
      %dma_wait3A_801 = arith.constant 0 : i32
      %dma_wait3A_802 = arith.constant 0 : i32
      %dma_wait3A_803 = tpu.memref_slice %arg4[%dma_wait3A_801, %dma_wait3A_802] : memref<16x1000000xf32, #tpu.memory_space<hbm>> -> memref<16x128xf32, #tpu.memory_space<hbm>>
      %dma_wait3A_804 = arith.constant 0 : i32
      %dma_wait3A_805 = arith.constant 0 : i32
      %dma_wait3A_806 = tpu.memref_slice %arg9[%rem3A_567, %dma_wait3A_796, %dma_wait3A_804, %dma_wait3A_805] : memref<2x16x16x128xf32, #tpu.memory_space<vmem>> -> memref<1x1x16x128xf32, #tpu.memory_space<vmem>>
      %dma_wait3A_807 = tpu.memref_squeeze %dma_wait3A_806 : memref<1x1x16x128xf32, #tpu.memory_space<vmem>> -> memref<16x128xf32, #tpu.memory_space<vmem>>
      %dma_wait3A_808 = arith.constant 0 : i32
      %dma_wait3A_809 = arith.constant 0 : i32
      %dma_wait3A_810 = tpu.memref_slice %arg4[%dma_wait3A_808, %dma_wait3A_809] : memref<16x1000000xf32, #tpu.memory_space<hbm>> -> memref<16x128xf32, #tpu.memory_space<hbm>>
      tpu.wait_dma2 semaphore(%arg13 : memref<!tpu.dma_semaphore, #tpu.memory_space<semaphore_mem>>) src(%dma_wait3A_810 : memref<16x128xf32, #tpu.memory_space<hbm>>) dst(%dma_wait3A_807 : memref<16x128xf32, #tpu.memory_space<vmem>>)
      %mul3A_811 = arith.constant 16 : i32
      %mul3A_812 = arith.muli %scan3A_566, %mul3A_811 : i32
      %get3A_813 = arith.index_cast %mul3A_812 : i32 to index
      %get3A_814 = tpu.vector_load %arg7[%get3A_813] {strides = array<i32>} : memref<512xi32, #tpu.memory_space<vmem>>, vector<16xi32>,
      %and3A_815 = arith.constant 127 : i32
      %and3A_816 = vector.broadcast %and3A_815 : i32 to vector<16xi32>
      %and3A_817 = arith.andi %get3A_814, %and3A_816 : vector<16xi32>
      %broadcast_in_dim3A = vector.broadcast %rem3A_567 : i32 to vector<16xi32>
      %broadcast_in_dim3A_818 = arith.constant 0 : i32
      %broadcast_in_dim3A_819 = vector.broadcast %broadcast_in_dim3A_818 : i32 to vector<16xi32>
      %gather3A = tpu.vector_load_idx %arg9[%broadcast_in_dim3A, %iota3A, %broadcast_in_dim3A_819, %and3A_817] : memref<2x16x16x128xf32, #tpu.memory_space<vmem>>[vector<16xi32>, vector<16xi32>, vector<16xi32>, vector<16xi32>], vector<16xf32>,
      %mul3A_820 = arith.constant 16 : i32
      %mul3A_821 = arith.muli %scan3A_566, %mul3A_820 : i32
      %swap3A = arith.constant 0 : i32
      %swap3A_822 = arith.index_cast %swap3A : i32 to index
      %swap3A_823 = arith.index_cast %mul3A_821 : i32 to index
      %swap3A_824 = tpu.vector_load %arg10[%swap3A_822, %swap3A_823] {strides = array<i32>} : memref<16x512xf32, #tpu.memory_space<vmem>>, vector<16xf32>,
      tpu.vector_store %arg10[%swap3A_822, %swap3A_823], %gather3A {strides = array<i32>} : memref<16x512xf32, #tpu.memory_space<vmem>>, vector<16xf32>,
      %broadcast_in_dim3A_825 = arith.constant 1 : i32
      %broadcast_in_dim3A_826 = vector.broadcast %broadcast_in_dim3A_825 : i32 to vector<16xi32>
      %gather3A_827 = tpu.vector_load_idx %arg9[%broadcast_in_dim3A, %iota3A, %broadcast_in_dim3A_826, %and3A_817] : memref<2x16x16x128xf32, #tpu.memory_space<vmem>>[vector<16xi32>, vector<16xi32>, vector<16xi32>, vector<16xi32>], vector<16xf32>,
      %mul3A_828 = arith.constant 16 : i32
      %mul3A_829 = arith.muli %scan3A_566, %mul3A_828 : i32
      %swap3A_830 = arith.constant 1 : i32
      %swap3A_831 = arith.index_cast %swap3A_830 : i32 to index
      %swap3A_832 = arith.index_cast %mul3A_829 : i32 to index
      %swap3A_833 = tpu.vector_load %arg10[%swap3A_831, %swap3A_832] {strides = array<i32>} : memref<16x512xf32, #tpu.memory_space<vmem>>, vector<16xf32>,
      tpu.vector_store %arg10[%swap3A_831, %swap3A_832], %gather3A_827 {strides = array<i32>} : memref<16x512xf32, #tpu.memory_space<vmem>>, vector<16xf32>,
      %broadcast_in_dim3A_834 = arith.constant 2 : i32
      %broadcast_in_dim3A_835 = vector.broadcast %broadcast_in_dim3A_834 : i32 to vector<16xi32>
      %gather3A_836 = tpu.vector_load_idx %arg9[%broadcast_in_dim3A, %iota3A, %broadcast_in_dim3A_835, %and3A_817] : memref<2x16x16x128xf32, #tpu.memory_space<vmem>>[vector<16xi32>, vector<16xi32>, vector<16xi32>, vector<16xi32>], vector<16xf32>,
      %mul3A_837 = arith.constant 16 : i32
      %mul3A_838 = arith.muli %scan3A_566, %mul3A_837 : i32
      %swap3A_839 = arith.constant 2 : i32
      %swap3A_840 = arith.index_cast %swap3A_839 : i32 to index
      %swap3A_841 = arith.index_cast %mul3A_838 : i32 to index
      %swap3A_842 = tpu.vector_load %arg10[%swap3A_840, %swap3A_841] {strides = array<i32>} : memref<16x512xf32, #tpu.memory_space<vmem>>, vector<16xf32>,
      tpu.vector_store %arg10[%swap3A_840, %swap3A_841], %gather3A_836 {strides = array<i32>} : memref<16x512xf32, #tpu.memory_space<vmem>>, vector<16xf32>,
      %broadcast_in_dim3A_843 = arith.constant 3 : i32
      %broadcast_in_dim3A_844 = vector.broadcast %broadcast_in_dim3A_843 : i32 to vector<16xi32>
      %gather3A_845 = tpu.vector_load_idx %arg9[%broadcast_in_dim3A, %iota3A, %broadcast_in_dim3A_844, %and3A_817] : memref<2x16x16x128xf32, #tpu.memory_space<vmem>>[vector<16xi32>, vector<16xi32>, vector<16xi32>, vector<16xi32>], vector<16xf32>,
      %mul3A_846 = arith.constant 16 : i32
      %mul3A_847 = arith.muli %scan3A_566, %mul3A_846 : i32
      %swap3A_848 = arith.constant 3 : i32
      %swap3A_849 = arith.index_cast %swap3A_848 : i32 to index
      %swap3A_850 = arith.index_cast %mul3A_847 : i32 to index
      %swap3A_851 = tpu.vector_load %arg10[%swap3A_849, %swap3A_850] {strides = array<i32>} : memref<16x512xf32, #tpu.memory_space<vmem>>, vector<16xf32>,
      tpu.vector_store %arg10[%swap3A_849, %swap3A_850], %gather3A_845 {strides = array<i32>} : memref<16x512xf32, #tpu.memory_space<vmem>>, vector<16xf32>,
      %broadcast_in_dim3A_852 = arith.constant 4 : i32
      %broadcast_in_dim3A_853 = vector.broadcast %broadcast_in_dim3A_852 : i32 to vector<16xi32>
      %gather3A_854 = tpu.vector_load_idx %arg9[%broadcast_in_dim3A, %iota3A, %broadcast_in_dim3A_853, %and3A_817] : memref<2x16x16x128xf32, #tpu.memory_space<vmem>>[vector<16xi32>, vector<16xi32>, vector<16xi32>, vector<16xi32>], vector<16xf32>,
      %mul3A_855 = arith.constant 16 : i32
      %mul3A_856 = arith.muli %scan3A_566, %mul3A_855 : i32
      %swap3A_857 = arith.constant 4 : i32
      %swap3A_858 = arith.index_cast %swap3A_857 : i32 to index
      %swap3A_859 = arith.index_cast %mul3A_856 : i32 to index
      %swap3A_860 = tpu.vector_load %arg10[%swap3A_858, %swap3A_859] {strides = array<i32>} : memref<16x512xf32, #tpu.memory_space<vmem>>, vector<16xf32>,
      tpu.vector_store %arg10[%swap3A_858, %swap3A_859], %gather3A_854 {strides = array<i32>} : memref<16x512xf32, #tpu.memory_space<vmem>>, vector<16xf32>,
      %broadcast_in_dim3A_861 = arith.constant 5 : i32
      %broadcast_in_dim3A_862 = vector.broadcast %broadcast_in_dim3A_861 : i32 to vector<16xi32>
      %gather3A_863 = tpu.vector_load_idx %arg9[%broadcast_in_dim3A, %iota3A, %broadcast_in_dim3A_862, %and3A_817] : memref<2x16x16x128xf32, #tpu.memory_space<vmem>>[vector<16xi32>, vector<16xi32>, vector<16xi32>, vector<16xi32>], vector<16xf32>,
      %mul3A_864 = arith.constant 16 : i32
      %mul3A_865 = arith.muli %scan3A_566, %mul3A_864 : i32
      %swap3A_866 = arith.constant 5 : i32
      %swap3A_867 = arith.index_cast %swap3A_866 : i32 to index
      %swap3A_868 = arith.index_cast %mul3A_865 : i32 to index
      %swap3A_869 = tpu.vector_load %arg10[%swap3A_867, %swap3A_868] {strides = array<i32>} : memref<16x512xf32, #tpu.memory_space<vmem>>, vector<16xf32>,
      tpu.vector_store %arg10[%swap3A_867, %swap3A_868], %gather3A_863 {strides = array<i32>} : memref<16x512xf32, #tpu.memory_space<vmem>>, vector<16xf32>,
      %broadcast_in_dim3A_870 = arith.constant 6 : i32
      %broadcast_in_dim3A_871 = vector.broadcast %broadcast_in_dim3A_870 : i32 to vector<16xi32>
      %gather3A_872 = tpu.vector_load_idx %arg9[%broadcast_in_dim3A, %iota3A, %broadcast_in_dim3A_871, %and3A_817] : memref<2x16x16x128xf32, #tpu.memory_space<vmem>>[vector<16xi32>, vector<16xi32>, vector<16xi32>, vector<16xi32>], vector<16xf32>,
      %mul3A_873 = arith.constant 16 : i32
      %mul3A_874 = arith.muli %scan3A_566, %mul3A_873 : i32
      %swap3A_875 = arith.constant 6 : i32
      %swap3A_876 = arith.index_cast %swap3A_875 : i32 to index
      %swap3A_877 = arith.index_cast %mul3A_874 : i32 to index
      %swap3A_878 = tpu.vector_load %arg10[%swap3A_876, %swap3A_877] {strides = array<i32>} : memref<16x512xf32, #tpu.memory_space<vmem>>, vector<16xf32>,
      tpu.vector_store %arg10[%swap3A_876, %swap3A_877], %gather3A_872 {strides = array<i32>} : memref<16x512xf32, #tpu.memory_space<vmem>>, vector<16xf32>,
      %broadcast_in_dim3A_879 = arith.constant 7 : i32
      %broadcast_in_dim3A_880 = vector.broadcast %broadcast_in_dim3A_879 : i32 to vector<16xi32>
      %gather3A_881 = tpu.vector_load_idx %arg9[%broadcast_in_dim3A, %iota3A, %broadcast_in_dim3A_880, %and3A_817] : memref<2x16x16x128xf32, #tpu.memory_space<vmem>>[vector<16xi32>, vector<16xi32>, vector<16xi32>, vector<16xi32>], vector<16xf32>,
      %mul3A_882 = arith.constant 16 : i32
      %mul3A_883 = arith.muli %scan3A_566, %mul3A_882 : i32
      %swap3A_884 = arith.constant 7 : i32
      %swap3A_885 = arith.index_cast %swap3A_884 : i32 to index
      %swap3A_886 = arith.index_cast %mul3A_883 : i32 to index
      %swap3A_887 = tpu.vector_load %arg10[%swap3A_885, %swap3A_886] {strides = array<i32>} : memref<16x512xf32, #tpu.memory_space<vmem>>, vector<16xf32>,
      tpu.vector_store %arg10[%swap3A_885, %swap3A_886], %gather3A_881 {strides = array<i32>} : memref<16x512xf32, #tpu.memory_space<vmem>>, vector<16xf32>,
      %broadcast_in_dim3A_888 = arith.constant 8 : i32
      %broadcast_in_dim3A_889 = vector.broadcast %broadcast_in_dim3A_888 : i32 to vector<16xi32>
      %gather3A_890 = tpu.vector_load_idx %arg9[%broadcast_in_dim3A, %iota3A, %broadcast_in_dim3A_889, %and3A_817] : memref<2x16x16x128xf32, #tpu.memory_space<vmem>>[vector<16xi32>, vector<16xi32>, vector<16xi32>, vector<16xi32>], vector<16xf32>,
      %mul3A_891 = arith.constant 16 : i32
      %mul3A_892 = arith.muli %scan3A_566, %mul3A_891 : i32
      %swap3A_893 = arith.constant 8 : i32
      %swap3A_894 = arith.index_cast %swap3A_893 : i32 to index
      %swap3A_895 = arith.index_cast %mul3A_892 : i32 to index
      %swap3A_896 = tpu.vector_load %arg10[%swap3A_894, %swap3A_895] {strides = array<i32>} : memref<16x512xf32, #tpu.memory_space<vmem>>, vector<16xf32>,
      tpu.vector_store %arg10[%swap3A_894, %swap3A_895], %gather3A_890 {strides = array<i32>} : memref<16x512xf32, #tpu.memory_space<vmem>>, vector<16xf32>,
      %broadcast_in_dim3A_897 = arith.constant 9 : i32
      %broadcast_in_dim3A_898 = vector.broadcast %broadcast_in_dim3A_897 : i32 to vector<16xi32>
      %gather3A_899 = tpu.vector_load_idx %arg9[%broadcast_in_dim3A, %iota3A, %broadcast_in_dim3A_898, %and3A_817] : memref<2x16x16x128xf32, #tpu.memory_space<vmem>>[vector<16xi32>, vector<16xi32>, vector<16xi32>, vector<16xi32>], vector<16xf32>,
      %mul3A_900 = arith.constant 16 : i32
      %mul3A_901 = arith.muli %scan3A_566, %mul3A_900 : i32
      %swap3A_902 = arith.constant 9 : i32
      %swap3A_903 = arith.index_cast %swap3A_902 : i32 to index
      %swap3A_904 = arith.index_cast %mul3A_901 : i32 to index
      %swap3A_905 = tpu.vector_load %arg10[%swap3A_903, %swap3A_904] {strides = array<i32>} : memref<16x512xf32, #tpu.memory_space<vmem>>, vector<16xf32>,
      tpu.vector_store %arg10[%swap3A_903, %swap3A_904], %gather3A_899 {strides = array<i32>} : memref<16x512xf32, #tpu.memory_space<vmem>>, vector<16xf32>,
      %broadcast_in_dim3A_906 = arith.constant 10 : i32
      %broadcast_in_dim3A_907 = vector.broadcast %broadcast_in_dim3A_906 : i32 to vector<16xi32>
      %gather3A_908 = tpu.vector_load_idx %arg9[%broadcast_in_dim3A, %iota3A, %broadcast_in_dim3A_907, %and3A_817] : memref<2x16x16x128xf32, #tpu.memory_space<vmem>>[vector<16xi32>, vector<16xi32>, vector<16xi32>, vector<16xi32>], vector<16xf32>,
      %mul3A_909 = arith.constant 16 : i32
      %mul3A_910 = arith.muli %scan3A_566, %mul3A_909 : i32
      %swap3A_911 = arith.constant 10 : i32
      %swap3A_912 = arith.index_cast %swap3A_911 : i32 to index
      %swap3A_913 = arith.index_cast %mul3A_910 : i32 to index
      %swap3A_914 = tpu.vector_load %arg10[%swap3A_912, %swap3A_913] {strides = array<i32>} : memref<16x512xf32, #tpu.memory_space<vmem>>, vector<16xf32>,
      tpu.vector_store %arg10[%swap3A_912, %swap3A_913], %gather3A_908 {strides = array<i32>} : memref<16x512xf32, #tpu.memory_space<vmem>>, vector<16xf32>,
      %broadcast_in_dim3A_915 = arith.constant 11 : i32
      %broadcast_in_dim3A_916 = vector.broadcast %broadcast_in_dim3A_915 : i32 to vector<16xi32>
      %gather3A_917 = tpu.vector_load_idx %arg9[%broadcast_in_dim3A, %iota3A, %broadcast_in_dim3A_916, %and3A_817] : memref<2x16x16x128xf32, #tpu.memory_space<vmem>>[vector<16xi32>, vector<16xi32>, vector<16xi32>, vector<16xi32>], vector<16xf32>,
      %mul3A_918 = arith.constant 16 : i32
      %mul3A_919 = arith.muli %scan3A_566, %mul3A_918 : i32
      %swap3A_920 = arith.constant 11 : i32
      %swap3A_921 = arith.index_cast %swap3A_920 : i32 to index
      %swap3A_922 = arith.index_cast %mul3A_919 : i32 to index
      %swap3A_923 = tpu.vector_load %arg10[%swap3A_921, %swap3A_922] {strides = array<i32>} : memref<16x512xf32, #tpu.memory_space<vmem>>, vector<16xf32>,
      tpu.vector_store %arg10[%swap3A_921, %swap3A_922], %gather3A_917 {strides = array<i32>} : memref<16x512xf32, #tpu.memory_space<vmem>>, vector<16xf32>,
      %broadcast_in_dim3A_924 = arith.constant 12 : i32
      %broadcast_in_dim3A_925 = vector.broadcast %broadcast_in_dim3A_924 : i32 to vector<16xi32>
      %gather3A_926 = tpu.vector_load_idx %arg9[%broadcast_in_dim3A, %iota3A, %broadcast_in_dim3A_925, %and3A_817] : memref<2x16x16x128xf32, #tpu.memory_space<vmem>>[vector<16xi32>, vector<16xi32>, vector<16xi32>, vector<16xi32>], vector<16xf32>,
      %mul3A_927 = arith.constant 16 : i32
      %mul3A_928 = arith.muli %scan3A_566, %mul3A_927 : i32
      %swap3A_929 = arith.constant 12 : i32
      %swap3A_930 = arith.index_cast %swap3A_929 : i32 to index
      %swap3A_931 = arith.index_cast %mul3A_928 : i32 to index
      %swap3A_932 = tpu.vector_load %arg10[%swap3A_930, %swap3A_931] {strides = array<i32>} : memref<16x512xf32, #tpu.memory_space<vmem>>, vector<16xf32>,
      tpu.vector_store %arg10[%swap3A_930, %swap3A_931], %gather3A_926 {strides = array<i32>} : memref<16x512xf32, #tpu.memory_space<vmem>>, vector<16xf32>,
      %broadcast_in_dim3A_933 = arith.constant 13 : i32
      %broadcast_in_dim3A_934 = vector.broadcast %broadcast_in_dim3A_933 : i32 to vector<16xi32>
      %gather3A_935 = tpu.vector_load_idx %arg9[%broadcast_in_dim3A, %iota3A, %broadcast_in_dim3A_934, %and3A_817] : memref<2x16x16x128xf32, #tpu.memory_space<vmem>>[vector<16xi32>, vector<16xi32>, vector<16xi32>, vector<16xi32>], vector<16xf32>,
      %mul3A_936 = arith.constant 16 : i32
      %mul3A_937 = arith.muli %scan3A_566, %mul3A_936 : i32
      %swap3A_938 = arith.constant 13 : i32
      %swap3A_939 = arith.index_cast %swap3A_938 : i32 to index
      %swap3A_940 = arith.index_cast %mul3A_937 : i32 to index
      %swap3A_941 = tpu.vector_load %arg10[%swap3A_939, %swap3A_940] {strides = array<i32>} : memref<16x512xf32, #tpu.memory_space<vmem>>, vector<16xf32>,
      tpu.vector_store %arg10[%swap3A_939, %swap3A_940], %gather3A_935 {strides = array<i32>} : memref<16x512xf32, #tpu.memory_space<vmem>>, vector<16xf32>,
      %broadcast_in_dim3A_942 = arith.constant 14 : i32
      %broadcast_in_dim3A_943 = vector.broadcast %broadcast_in_dim3A_942 : i32 to vector<16xi32>
      %gather3A_944 = tpu.vector_load_idx %arg9[%broadcast_in_dim3A, %iota3A, %broadcast_in_dim3A_943, %and3A_817] : memref<2x16x16x128xf32, #tpu.memory_space<vmem>>[vector<16xi32>, vector<16xi32>, vector<16xi32>, vector<16xi32>], vector<16xf32>,
      %mul3A_945 = arith.constant 16 : i32
      %mul3A_946 = arith.muli %scan3A_566, %mul3A_945 : i32
      %swap3A_947 = arith.constant 14 : i32
      %swap3A_948 = arith.index_cast %swap3A_947 : i32 to index
      %swap3A_949 = arith.index_cast %mul3A_946 : i32 to index
      %swap3A_950 = tpu.vector_load %arg10[%swap3A_948, %swap3A_949] {strides = array<i32>} : memref<16x512xf32, #tpu.memory_space<vmem>>, vector<16xf32>,
      tpu.vector_store %arg10[%swap3A_948, %swap3A_949], %gather3A_944 {strides = array<i32>} : memref<16x512xf32, #tpu.memory_space<vmem>>, vector<16xf32>,
      %broadcast_in_dim3A_951 = arith.constant 15 : i32
      %broadcast_in_dim3A_952 = vector.broadcast %broadcast_in_dim3A_951 : i32 to vector<16xi32>
      %gather3A_953 = tpu.vector_load_idx %arg9[%broadcast_in_dim3A, %iota3A, %broadcast_in_dim3A_952, %and3A_817] : memref<2x16x16x128xf32, #tpu.memory_space<vmem>>[vector<16xi32>, vector<16xi32>, vector<16xi32>, vector<16xi32>], vector<16xf32>,
      %mul3A_954 = arith.constant 16 : i32
      %mul3A_955 = arith.muli %scan3A_566, %mul3A_954 : i32
      %swap3A_956 = arith.constant 15 : i32
      %swap3A_957 = arith.index_cast %swap3A_956 : i32 to index
      %swap3A_958 = arith.index_cast %mul3A_955 : i32 to index
      %swap3A_959 = tpu.vector_load %arg10[%swap3A_957, %swap3A_958] {strides = array<i32>} : memref<16x512xf32, #tpu.memory_space<vmem>>, vector<16xf32>,
      tpu.vector_store %arg10[%swap3A_957, %swap3A_958], %gather3A_953 {strides = array<i32>} : memref<16x512xf32, #tpu.memory_space<vmem>>, vector<16xf32>,
    }
    %scan3A_276 = arith.constant 32 : i32
    %get3A_277 = arith.constant 0 : index
    %get3A_278 = tpu.vector_load %arg8[%get3A_277] {strides = array<i32>} : memref<512xi32, #tpu.memory_space<vmem>>, vector<16xi32>,
    %and3A_279 = arith.constant -128 : i32
    %and3A_280 = vector.broadcast %and3A_279 : i32 to vector<16xi32>
    %and3A_281 = arith.andi %get3A_278, %and3A_280 : vector<16xi32>
    %slice3A_282 = vector.extract_strided_slice %and3A_281 {offsets = [0], sizes = [1], strides = [1]} : vector<16xi32> to vector<1xi32>
    %squeeze3A_283 = vector.extract %slice3A_282[0] : i32 from vector<1xi32>
    %multiple_of3A_284 = tpu.assume_multiple %squeeze3A_283, 128 : i32
    %dma_start3A_285 = arith.constant 0 : i32
    %dma_start3A_286 = arith.constant 0 : i32
    %dma_start3A_287 = arith.constant 0 : i32
    %dma_start3A_288 = arith.constant 0 : i32
    %dma_start3A_289 = tpu.memref_slice %arg9[%dma_start3A_285, %dma_start3A_286, %dma_start3A_287, %dma_start3A_288] : memref<2x16x16x128xf32, #tpu.memory_space<vmem>> -> memref<1x1x16x128xf32, #tpu.memory_space<vmem>>
    %dma_start3A_290 = tpu.memref_squeeze %dma_start3A_289 : memref<1x1x16x128xf32, #tpu.memory_space<vmem>> -> memref<16x128xf32, #tpu.memory_space<vmem>>
    %dma_start3A_291 = arith.constant 0 : i32
    %dma_start3A_292 = tpu.memref_slice %arg5[%dma_start3A_291, %multiple_of3A_284] : memref<16x1000000xf32, #tpu.memory_space<hbm>> -> memref<16x128xf32, #tpu.memory_space<hbm>>
    %dma_start3A_293 = arith.constant 0 : i32
    %dma_start3A_294 = arith.constant 0 : i32
    %dma_start3A_295 = tpu.memref_slice %arg9[%dma_start3A_285, %dma_start3A_286, %dma_start3A_293, %dma_start3A_294] : memref<2x16x16x128xf32, #tpu.memory_space<vmem>> -> memref<1x1x16x128xf32, #tpu.memory_space<vmem>>
    %dma_start3A_296 = tpu.memref_squeeze %dma_start3A_295 : memref<1x1x16x128xf32, #tpu.memory_space<vmem>> -> memref<16x128xf32, #tpu.memory_space<vmem>>
    %dma_start3A_297 = arith.constant 0 : i32
    %dma_start3A_298 = tpu.memref_slice %arg5[%dma_start3A_297, %multiple_of3A_284] : memref<16x1000000xf32, #tpu.memory_space<hbm>> -> memref<16x128xf32, #tpu.memory_space<hbm>>
    tpu.enqueue_dma source(%dma_start3A_298 : memref<16x128xf32, #tpu.memory_space<hbm>>) target(%dma_start3A_296 : memref<16x128xf32, #tpu.memory_space<vmem>>) target_semaphore(%arg13 : memref<!tpu.dma_semaphore, #tpu.memory_space<semaphore_mem>>)
    %slice3A_299 = vector.extract_strided_slice %and3A_281 {offsets = [1], sizes = [1], strides = [1]} : vector<16xi32> to vector<1xi32>
    %squeeze3A_300 = vector.extract %slice3A_299[0] : i32 from vector<1xi32>
    %multiple_of3A_301 = tpu.assume_multiple %squeeze3A_300, 128 : i32
    %dma_start3A_302 = arith.constant 0 : i32
    %dma_start3A_303 = arith.constant 1 : i32
    %dma_start3A_304 = arith.constant 0 : i32
    %dma_start3A_305 = arith.constant 0 : i32
    %dma_start3A_306 = tpu.memref_slice %arg9[%dma_start3A_302, %dma_start3A_303, %dma_start3A_304, %dma_start3A_305] : memref<2x16x16x128xf32, #tpu.memory_space<vmem>> -> memref<1x1x16x128xf32, #tpu.memory_space<vmem>>
    %dma_start3A_307 = tpu.memref_squeeze %dma_start3A_306 : memref<1x1x16x128xf32, #tpu.memory_space<vmem>> -> memref<16x128xf32, #tpu.memory_space<vmem>>
    %dma_start3A_308 = arith.constant 0 : i32
    %dma_start3A_309 = tpu.memref_slice %arg5[%dma_start3A_308, %multiple_of3A_301] : memref<16x1000000xf32, #tpu.memory_space<hbm>> -> memref<16x128xf32, #tpu.memory_space<hbm>>
    %dma_start3A_310 = arith.constant 0 : i32
    %dma_start3A_311 = arith.constant 0 : i32
    %dma_start3A_312 = tpu.memref_slice %arg9[%dma_start3A_302, %dma_start3A_303, %dma_start3A_310, %dma_start3A_311] : memref<2x16x16x128xf32, #tpu.memory_space<vmem>> -> memref<1x1x16x128xf32, #tpu.memory_space<vmem>>
    %dma_start3A_313 = tpu.memref_squeeze %dma_start3A_312 : memref<1x1x16x128xf32, #tpu.memory_space<vmem>> -> memref<16x128xf32, #tpu.memory_space<vmem>>
    %dma_start3A_314 = arith.constant 0 : i32
    %dma_start3A_315 = tpu.memref_slice %arg5[%dma_start3A_314, %multiple_of3A_301] : memref<16x1000000xf32, #tpu.memory_space<hbm>> -> memref<16x128xf32, #tpu.memory_space<hbm>>
    tpu.enqueue_dma source(%dma_start3A_315 : memref<16x128xf32, #tpu.memory_space<hbm>>) target(%dma_start3A_313 : memref<16x128xf32, #tpu.memory_space<vmem>>) target_semaphore(%arg13 : memref<!tpu.dma_semaphore, #tpu.memory_space<semaphore_mem>>)
    %slice3A_316 = vector.extract_strided_slice %and3A_281 {offsets = [2], sizes = [1], strides = [1]} : vector<16xi32> to vector<1xi32>
    %squeeze3A_317 = vector.extract %slice3A_316[0] : i32 from vector<1xi32>
    %multiple_of3A_318 = tpu.assume_multiple %squeeze3A_317, 128 : i32
    %dma_start3A_319 = arith.constant 0 : i32
    %dma_start3A_320 = arith.constant 2 : i32
    %dma_start3A_321 = arith.constant 0 : i32
    %dma_start3A_322 = arith.constant 0 : i32
    %dma_start3A_323 = tpu.memref_slice %arg9[%dma_start3A_319, %dma_start3A_320, %dma_start3A_321, %dma_start3A_322] : memref<2x16x16x128xf32, #tpu.memory_space<vmem>> -> memref<1x1x16x128xf32, #tpu.memory_space<vmem>>
    %dma_start3A_324 = tpu.memref_squeeze %dma_start3A_323 : memref<1x1x16x128xf32, #tpu.memory_space<vmem>> -> memref<16x128xf32, #tpu.memory_space<vmem>>
    %dma_start3A_325 = arith.constant 0 : i32
    %dma_start3A_326 = tpu.memref_slice %arg5[%dma_start3A_325, %multiple_of3A_318] : memref<16x1000000xf32, #tpu.memory_space<hbm>> -> memref<16x128xf32, #tpu.memory_space<hbm>>
    %dma_start3A_327 = arith.constant 0 : i32
    %dma_start3A_328 = arith.constant 0 : i32
    %dma_start3A_329 = tpu.memref_slice %arg9[%dma_start3A_319, %dma_start3A_320, %dma_start3A_327, %dma_start3A_328] : memref<2x16x16x128xf32, #tpu.memory_space<vmem>> -> memref<1x1x16x128xf32, #tpu.memory_space<vmem>>
    %dma_start3A_330 = tpu.memref_squeeze %dma_start3A_329 : memref<1x1x16x128xf32, #tpu.memory_space<vmem>> -> memref<16x128xf32, #tpu.memory_space<vmem>>
    %dma_start3A_331 = arith.constant 0 : i32
    %dma_start3A_332 = tpu.memref_slice %arg5[%dma_start3A_331, %multiple_of3A_318] : memref<16x1000000xf32, #tpu.memory_space<hbm>> -> memref<16x128xf32, #tpu.memory_space<hbm>>
    tpu.enqueue_dma source(%dma_start3A_332 : memref<16x128xf32, #tpu.memory_space<hbm>>) target(%dma_start3A_330 : memref<16x128xf32, #tpu.memory_space<vmem>>) target_semaphore(%arg13 : memref<!tpu.dma_semaphore, #tpu.memory_space<semaphore_mem>>)
    %slice3A_333 = vector.extract_strided_slice %and3A_281 {offsets = [3], sizes = [1], strides = [1]} : vector<16xi32> to vector<1xi32>
    %squeeze3A_334 = vector.extract %slice3A_333[0] : i32 from vector<1xi32>
    %multiple_of3A_335 = tpu.assume_multiple %squeeze3A_334, 128 : i32
    %dma_start3A_336 = arith.constant 0 : i32
    %dma_start3A_337 = arith.constant 3 : i32
    %dma_start3A_338 = arith.constant 0 : i32
    %dma_start3A_339 = arith.constant 0 : i32
    %dma_start3A_340 = tpu.memref_slice %arg9[%dma_start3A_336, %dma_start3A_337, %dma_start3A_338, %dma_start3A_339] : memref<2x16x16x128xf32, #tpu.memory_space<vmem>> -> memref<1x1x16x128xf32, #tpu.memory_space<vmem>>
    %dma_start3A_341 = tpu.memref_squeeze %dma_start3A_340 : memref<1x1x16x128xf32, #tpu.memory_space<vmem>> -> memref<16x128xf32, #tpu.memory_space<vmem>>
    %dma_start3A_342 = arith.constant 0 : i32
    %dma_start3A_343 = tpu.memref_slice %arg5[%dma_start3A_342, %multiple_of3A_335] : memref<16x1000000xf32, #tpu.memory_space<hbm>> -> memref<16x128xf32, #tpu.memory_space<hbm>>
    %dma_start3A_344 = arith.constant 0 : i32
    %dma_start3A_345 = arith.constant 0 : i32
    %dma_start3A_346 = tpu.memref_slice %arg9[%dma_start3A_336, %dma_start3A_337, %dma_start3A_344, %dma_start3A_345] : memref<2x16x16x128xf32, #tpu.memory_space<vmem>> -> memref<1x1x16x128xf32, #tpu.memory_space<vmem>>
    %dma_start3A_347 = tpu.memref_squeeze %dma_start3A_346 : memref<1x1x16x128xf32, #tpu.memory_space<vmem>> -> memref<16x128xf32, #tpu.memory_space<vmem>>
    %dma_start3A_348 = arith.constant 0 : i32
    %dma_start3A_349 = tpu.memref_slice %arg5[%dma_start3A_348, %multiple_of3A_335] : memref<16x1000000xf32, #tpu.memory_space<hbm>> -> memref<16x128xf32, #tpu.memory_space<hbm>>
    tpu.enqueue_dma source(%dma_start3A_349 : memref<16x128xf32, #tpu.memory_space<hbm>>) target(%dma_start3A_347 : memref<16x128xf32, #tpu.memory_space<vmem>>) target_semaphore(%arg13 : memref<!tpu.dma_semaphore, #tpu.memory_space<semaphore_mem>>)
    %slice3A_350 = vector.extract_strided_slice %and3A_281 {offsets = [4], sizes = [1], strides = [1]} : vector<16xi32> to vector<1xi32>
    %squeeze3A_351 = vector.extract %slice3A_350[0] : i32 from vector<1xi32>
    %multiple_of3A_352 = tpu.assume_multiple %squeeze3A_351, 128 : i32
    %dma_start3A_353 = arith.constant 0 : i32
    %dma_start3A_354 = arith.constant 4 : i32
    %dma_start3A_355 = arith.constant 0 : i32
    %dma_start3A_356 = arith.constant 0 : i32
    %dma_start3A_357 = tpu.memref_slice %arg9[%dma_start3A_353, %dma_start3A_354, %dma_start3A_355, %dma_start3A_356] : memref<2x16x16x128xf32, #tpu.memory_space<vmem>> -> memref<1x1x16x128xf32, #tpu.memory_space<vmem>>
    %dma_start3A_358 = tpu.memref_squeeze %dma_start3A_357 : memref<1x1x16x128xf32, #tpu.memory_space<vmem>> -> memref<16x128xf32, #tpu.memory_space<vmem>>
    %dma_start3A_359 = arith.constant 0 : i32
    %dma_start3A_360 = tpu.memref_slice %arg5[%dma_start3A_359, %multiple_of3A_352] : memref<16x1000000xf32, #tpu.memory_space<hbm>> -> memref<16x128xf32, #tpu.memory_space<hbm>>
    %dma_start3A_361 = arith.constant 0 : i32
    %dma_start3A_362 = arith.constant 0 : i32
    %dma_start3A_363 = tpu.memref_slice %arg9[%dma_start3A_353, %dma_start3A_354, %dma_start3A_361, %dma_start3A_362] : memref<2x16x16x128xf32, #tpu.memory_space<vmem>> -> memref<1x1x16x128xf32, #tpu.memory_space<vmem>>
    %dma_start3A_364 = tpu.memref_squeeze %dma_start3A_363 : memref<1x1x16x128xf32, #tpu.memory_space<vmem>> -> memref<16x128xf32, #tpu.memory_space<vmem>>
    %dma_start3A_365 = arith.constant 0 : i32
    %dma_start3A_366 = tpu.memref_slice %arg5[%dma_start3A_365, %multiple_of3A_352] : memref<16x1000000xf32, #tpu.memory_space<hbm>> -> memref<16x128xf32, #tpu.memory_space<hbm>>
    tpu.enqueue_dma source(%dma_start3A_366 : memref<16x128xf32, #tpu.memory_space<hbm>>) target(%dma_start3A_364 : memref<16x128xf32, #tpu.memory_space<vmem>>) target_semaphore(%arg13 : memref<!tpu.dma_semaphore, #tpu.memory_space<semaphore_mem>>)
    %slice3A_367 = vector.extract_strided_slice %and3A_281 {offsets = [5], sizes = [1], strides = [1]} : vector<16xi32> to vector<1xi32>
    %squeeze3A_368 = vector.extract %slice3A_367[0] : i32 from vector<1xi32>
    %multiple_of3A_369 = tpu.assume_multiple %squeeze3A_368, 128 : i32
    %dma_start3A_370 = arith.constant 0 : i32
    %dma_start3A_371 = arith.constant 5 : i32
    %dma_start3A_372 = arith.constant 0 : i32
    %dma_start3A_373 = arith.constant 0 : i32
    %dma_start3A_374 = tpu.memref_slice %arg9[%dma_start3A_370, %dma_start3A_371, %dma_start3A_372, %dma_start3A_373] : memref<2x16x16x128xf32, #tpu.memory_space<vmem>> -> memref<1x1x16x128xf32, #tpu.memory_space<vmem>>
    %dma_start3A_375 = tpu.memref_squeeze %dma_start3A_374 : memref<1x1x16x128xf32, #tpu.memory_space<vmem>> -> memref<16x128xf32, #tpu.memory_space<vmem>>
    %dma_start3A_376 = arith.constant 0 : i32
    %dma_start3A_377 = tpu.memref_slice %arg5[%dma_start3A_376, %multiple_of3A_369] : memref<16x1000000xf32, #tpu.memory_space<hbm>> -> memref<16x128xf32, #tpu.memory_space<hbm>>
    %dma_start3A_378 = arith.constant 0 : i32
    %dma_start3A_379 = arith.constant 0 : i32
    %dma_start3A_380 = tpu.memref_slice %arg9[%dma_start3A_370, %dma_start3A_371, %dma_start3A_378, %dma_start3A_379] : memref<2x16x16x128xf32, #tpu.memory_space<vmem>> -> memref<1x1x16x128xf32, #tpu.memory_space<vmem>>
    %dma_start3A_381 = tpu.memref_squeeze %dma_start3A_380 : memref<1x1x16x128xf32, #tpu.memory_space<vmem>> -> memref<16x128xf32, #tpu.memory_space<vmem>>
    %dma_start3A_382 = arith.constant 0 : i32
    %dma_start3A_383 = tpu.memref_slice %arg5[%dma_start3A_382, %multiple_of3A_369] : memref<16x1000000xf32, #tpu.memory_space<hbm>> -> memref<16x128xf32, #tpu.memory_space<hbm>>
    tpu.enqueue_dma source(%dma_start3A_383 : memref<16x128xf32, #tpu.memory_space<hbm>>) target(%dma_start3A_381 : memref<16x128xf32, #tpu.memory_space<vmem>>) target_semaphore(%arg13 : memref<!tpu.dma_semaphore, #tpu.memory_space<semaphore_mem>>)
    %slice3A_384 = vector.extract_strided_slice %and3A_281 {offsets = [6], sizes = [1], strides = [1]} : vector<16xi32> to vector<1xi32>
    %squeeze3A_385 = vector.extract %slice3A_384[0] : i32 from vector<1xi32>
    %multiple_of3A_386 = tpu.assume_multiple %squeeze3A_385, 128 : i32
    %dma_start3A_387 = arith.constant 0 : i32
    %dma_start3A_388 = arith.constant 6 : i32
    %dma_start3A_389 = arith.constant 0 : i32
    %dma_start3A_390 = arith.constant 0 : i32
    %dma_start3A_391 = tpu.memref_slice %arg9[%dma_start3A_387, %dma_start3A_388, %dma_start3A_389, %dma_start3A_390] : memref<2x16x16x128xf32, #tpu.memory_space<vmem>> -> memref<1x1x16x128xf32, #tpu.memory_space<vmem>>
    %dma_start3A_392 = tpu.memref_squeeze %dma_start3A_391 : memref<1x1x16x128xf32, #tpu.memory_space<vmem>> -> memref<16x128xf32, #tpu.memory_space<vmem>>
    %dma_start3A_393 = arith.constant 0 : i32
    %dma_start3A_394 = tpu.memref_slice %arg5[%dma_start3A_393, %multiple_of3A_386] : memref<16x1000000xf32, #tpu.memory_space<hbm>> -> memref<16x128xf32, #tpu.memory_space<hbm>>
    %dma_start3A_395 = arith.constant 0 : i32
    %dma_start3A_396 = arith.constant 0 : i32
    %dma_start3A_397 = tpu.memref_slice %arg9[%dma_start3A_387, %dma_start3A_388, %dma_start3A_395, %dma_start3A_396] : memref<2x16x16x128xf32, #tpu.memory_space<vmem>> -> memref<1x1x16x128xf32, #tpu.memory_space<vmem>>
    %dma_start3A_398 = tpu.memref_squeeze %dma_start3A_397 : memref<1x1x16x128xf32, #tpu.memory_space<vmem>> -> memref<16x128xf32, #tpu.memory_space<vmem>>
    %dma_start3A_399 = arith.constant 0 : i32
    %dma_start3A_400 = tpu.memref_slice %arg5[%dma_start3A_399, %multiple_of3A_386] : memref<16x1000000xf32, #tpu.memory_space<hbm>> -> memref<16x128xf32, #tpu.memory_space<hbm>>
    tpu.enqueue_dma source(%dma_start3A_400 : memref<16x128xf32, #tpu.memory_space<hbm>>) target(%dma_start3A_398 : memref<16x128xf32, #tpu.memory_space<vmem>>) target_semaphore(%arg13 : memref<!tpu.dma_semaphore, #tpu.memory_space<semaphore_mem>>)
    %slice3A_401 = vector.extract_strided_slice %and3A_281 {offsets = [7], sizes = [1], strides = [1]} : vector<16xi32> to vector<1xi32>
    %squeeze3A_402 = vector.extract %slice3A_401[0] : i32 from vector<1xi32>
    %multiple_of3A_403 = tpu.assume_multiple %squeeze3A_402, 128 : i32
    %dma_start3A_404 = arith.constant 0 : i32
    %dma_start3A_405 = arith.constant 7 : i32
    %dma_start3A_406 = arith.constant 0 : i32
    %dma_start3A_407 = arith.constant 0 : i32
    %dma_start3A_408 = tpu.memref_slice %arg9[%dma_start3A_404, %dma_start3A_405, %dma_start3A_406, %dma_start3A_407] : memref<2x16x16x128xf32, #tpu.memory_space<vmem>> -> memref<1x1x16x128xf32, #tpu.memory_space<vmem>>
    %dma_start3A_409 = tpu.memref_squeeze %dma_start3A_408 : memref<1x1x16x128xf32, #tpu.memory_space<vmem>> -> memref<16x128xf32, #tpu.memory_space<vmem>>
    %dma_start3A_410 = arith.constant 0 : i32
    %dma_start3A_411 = tpu.memref_slice %arg5[%dma_start3A_410, %multiple_of3A_403] : memref<16x1000000xf32, #tpu.memory_space<hbm>> -> memref<16x128xf32, #tpu.memory_space<hbm>>
    %dma_start3A_412 = arith.constant 0 : i32
    %dma_start3A_413 = arith.constant 0 : i32
    %dma_start3A_414 = tpu.memref_slice %arg9[%dma_start3A_404, %dma_start3A_405, %dma_start3A_412, %dma_start3A_413] : memref<2x16x16x128xf32, #tpu.memory_space<vmem>> -> memref<1x1x16x128xf32, #tpu.memory_space<vmem>>
    %dma_start3A_415 = tpu.memref_squeeze %dma_start3A_414 : memref<1x1x16x128xf32, #tpu.memory_space<vmem>> -> memref<16x128xf32, #tpu.memory_space<vmem>>
    %dma_start3A_416 = arith.constant 0 : i32
    %dma_start3A_417 = tpu.memref_slice %arg5[%dma_start3A_416, %multiple_of3A_403] : memref<16x1000000xf32, #tpu.memory_space<hbm>> -> memref<16x128xf32, #tpu.memory_space<hbm>>
    tpu.enqueue_dma source(%dma_start3A_417 : memref<16x128xf32, #tpu.memory_space<hbm>>) target(%dma_start3A_415 : memref<16x128xf32, #tpu.memory_space<vmem>>) target_semaphore(%arg13 : memref<!tpu.dma_semaphore, #tpu.memory_space<semaphore_mem>>)
    %slice3A_418 = vector.extract_strided_slice %and3A_281 {offsets = [8], sizes = [1], strides = [1]} : vector<16xi32> to vector<1xi32>
    %squeeze3A_419 = vector.extract %slice3A_418[0] : i32 from vector<1xi32>
    %multiple_of3A_420 = tpu.assume_multiple %squeeze3A_419, 128 : i32
    %dma_start3A_421 = arith.constant 0 : i32
    %dma_start3A_422 = arith.constant 8 : i32
    %dma_start3A_423 = arith.constant 0 : i32
    %dma_start3A_424 = arith.constant 0 : i32
    %dma_start3A_425 = tpu.memref_slice %arg9[%dma_start3A_421, %dma_start3A_422, %dma_start3A_423, %dma_start3A_424] : memref<2x16x16x128xf32, #tpu.memory_space<vmem>> -> memref<1x1x16x128xf32, #tpu.memory_space<vmem>>
    %dma_start3A_426 = tpu.memref_squeeze %dma_start3A_425 : memref<1x1x16x128xf32, #tpu.memory_space<vmem>> -> memref<16x128xf32, #tpu.memory_space<vmem>>
    %dma_start3A_427 = arith.constant 0 : i32
    %dma_start3A_428 = tpu.memref_slice %arg5[%dma_start3A_427, %multiple_of3A_420] : memref<16x1000000xf32, #tpu.memory_space<hbm>> -> memref<16x128xf32, #tpu.memory_space<hbm>>
    %dma_start3A_429 = arith.constant 0 : i32
    %dma_start3A_430 = arith.constant 0 : i32
    %dma_start3A_431 = tpu.memref_slice %arg9[%dma_start3A_421, %dma_start3A_422, %dma_start3A_429, %dma_start3A_430] : memref<2x16x16x128xf32, #tpu.memory_space<vmem>> -> memref<1x1x16x128xf32, #tpu.memory_space<vmem>>
    %dma_start3A_432 = tpu.memref_squeeze %dma_start3A_431 : memref<1x1x16x128xf32, #tpu.memory_space<vmem>> -> memref<16x128xf32, #tpu.memory_space<vmem>>
    %dma_start3A_433 = arith.constant 0 : i32
    %dma_start3A_434 = tpu.memref_slice %arg5[%dma_start3A_433, %multiple_of3A_420] : memref<16x1000000xf32, #tpu.memory_space<hbm>> -> memref<16x128xf32, #tpu.memory_space<hbm>>
    tpu.enqueue_dma source(%dma_start3A_434 : memref<16x128xf32, #tpu.memory_space<hbm>>) target(%dma_start3A_432 : memref<16x128xf32, #tpu.memory_space<vmem>>) target_semaphore(%arg13 : memref<!tpu.dma_semaphore, #tpu.memory_space<semaphore_mem>>)
    %slice3A_435 = vector.extract_strided_slice %and3A_281 {offsets = [9], sizes = [1], strides = [1]} : vector<16xi32> to vector<1xi32>
    %squeeze3A_436 = vector.extract %slice3A_435[0] : i32 from vector<1xi32>
    %multiple_of3A_437 = tpu.assume_multiple %squeeze3A_436, 128 : i32
    %dma_start3A_438 = arith.constant 0 : i32
    %dma_start3A_439 = arith.constant 9 : i32
    %dma_start3A_440 = arith.constant 0 : i32
    %dma_start3A_441 = arith.constant 0 : i32
    %dma_start3A_442 = tpu.memref_slice %arg9[%dma_start3A_438, %dma_start3A_439, %dma_start3A_440, %dma_start3A_441] : memref<2x16x16x128xf32, #tpu.memory_space<vmem>> -> memref<1x1x16x128xf32, #tpu.memory_space<vmem>>
    %dma_start3A_443 = tpu.memref_squeeze %dma_start3A_442 : memref<1x1x16x128xf32, #tpu.memory_space<vmem>> -> memref<16x128xf32, #tpu.memory_space<vmem>>
    %dma_start3A_444 = arith.constant 0 : i32
    %dma_start3A_445 = tpu.memref_slice %arg5[%dma_start3A_444, %multiple_of3A_437] : memref<16x1000000xf32, #tpu.memory_space<hbm>> -> memref<16x128xf32, #tpu.memory_space<hbm>>
    %dma_start3A_446 = arith.constant 0 : i32
    %dma_start3A_447 = arith.constant 0 : i32
    %dma_start3A_448 = tpu.memref_slice %arg9[%dma_start3A_438, %dma_start3A_439, %dma_start3A_446, %dma_start3A_447] : memref<2x16x16x128xf32, #tpu.memory_space<vmem>> -> memref<1x1x16x128xf32, #tpu.memory_space<vmem>>
    %dma_start3A_449 = tpu.memref_squeeze %dma_start3A_448 : memref<1x1x16x128xf32, #tpu.memory_space<vmem>> -> memref<16x128xf32, #tpu.memory_space<vmem>>
    %dma_start3A_450 = arith.constant 0 : i32
    %dma_start3A_451 = tpu.memref_slice %arg5[%dma_start3A_450, %multiple_of3A_437] : memref<16x1000000xf32, #tpu.memory_space<hbm>> -> memref<16x128xf32, #tpu.memory_space<hbm>>
    tpu.enqueue_dma source(%dma_start3A_451 : memref<16x128xf32, #tpu.memory_space<hbm>>) target(%dma_start3A_449 : memref<16x128xf32, #tpu.memory_space<vmem>>) target_semaphore(%arg13 : memref<!tpu.dma_semaphore, #tpu.memory_space<semaphore_mem>>)
    %slice3A_452 = vector.extract_strided_slice %and3A_281 {offsets = [10], sizes = [1], strides = [1]} : vector<16xi32> to vector<1xi32>
    %squeeze3A_453 = vector.extract %slice3A_452[0] : i32 from vector<1xi32>
    %multiple_of3A_454 = tpu.assume_multiple %squeeze3A_453, 128 : i32
    %dma_start3A_455 = arith.constant 0 : i32
    %dma_start3A_456 = arith.constant 10 : i32
    %dma_start3A_457 = arith.constant 0 : i32
    %dma_start3A_458 = arith.constant 0 : i32
    %dma_start3A_459 = tpu.memref_slice %arg9[%dma_start3A_455, %dma_start3A_456, %dma_start3A_457, %dma_start3A_458] : memref<2x16x16x128xf32, #tpu.memory_space<vmem>> -> memref<1x1x16x128xf32, #tpu.memory_space<vmem>>
    %dma_start3A_460 = tpu.memref_squeeze %dma_start3A_459 : memref<1x1x16x128xf32, #tpu.memory_space<vmem>> -> memref<16x128xf32, #tpu.memory_space<vmem>>
    %dma_start3A_461 = arith.constant 0 : i32
    %dma_start3A_462 = tpu.memref_slice %arg5[%dma_start3A_461, %multiple_of3A_454] : memref<16x1000000xf32, #tpu.memory_space<hbm>> -> memref<16x128xf32, #tpu.memory_space<hbm>>
    %dma_start3A_463 = arith.constant 0 : i32
    %dma_start3A_464 = arith.constant 0 : i32
    %dma_start3A_465 = tpu.memref_slice %arg9[%dma_start3A_455, %dma_start3A_456, %dma_start3A_463, %dma_start3A_464] : memref<2x16x16x128xf32, #tpu.memory_space<vmem>> -> memref<1x1x16x128xf32, #tpu.memory_space<vmem>>
    %dma_start3A_466 = tpu.memref_squeeze %dma_start3A_465 : memref<1x1x16x128xf32, #tpu.memory_space<vmem>> -> memref<16x128xf32, #tpu.memory_space<vmem>>
    %dma_start3A_467 = arith.constant 0 : i32
    %dma_start3A_468 = tpu.memref_slice %arg5[%dma_start3A_467, %multiple_of3A_454] : memref<16x1000000xf32, #tpu.memory_space<hbm>> -> memref<16x128xf32, #tpu.memory_space<hbm>>
    tpu.enqueue_dma source(%dma_start3A_468 : memref<16x128xf32, #tpu.memory_space<hbm>>) target(%dma_start3A_466 : memref<16x128xf32, #tpu.memory_space<vmem>>) target_semaphore(%arg13 : memref<!tpu.dma_semaphore, #tpu.memory_space<semaphore_mem>>)
    %slice3A_469 = vector.extract_strided_slice %and3A_281 {offsets = [11], sizes = [1], strides = [1]} : vector<16xi32> to vector<1xi32>
    %squeeze3A_470 = vector.extract %slice3A_469[0] : i32 from vector<1xi32>
    %multiple_of3A_471 = tpu.assume_multiple %squeeze3A_470, 128 : i32
    %dma_start3A_472 = arith.constant 0 : i32
    %dma_start3A_473 = arith.constant 11 : i32
    %dma_start3A_474 = arith.constant 0 : i32
    %dma_start3A_475 = arith.constant 0 : i32
    %dma_start3A_476 = tpu.memref_slice %arg9[%dma_start3A_472, %dma_start3A_473, %dma_start3A_474, %dma_start3A_475] : memref<2x16x16x128xf32, #tpu.memory_space<vmem>> -> memref<1x1x16x128xf32, #tpu.memory_space<vmem>>
    %dma_start3A_477 = tpu.memref_squeeze %dma_start3A_476 : memref<1x1x16x128xf32, #tpu.memory_space<vmem>> -> memref<16x128xf32, #tpu.memory_space<vmem>>
    %dma_start3A_478 = arith.constant 0 : i32
    %dma_start3A_479 = tpu.memref_slice %arg5[%dma_start3A_478, %multiple_of3A_471] : memref<16x1000000xf32, #tpu.memory_space<hbm>> -> memref<16x128xf32, #tpu.memory_space<hbm>>
    %dma_start3A_480 = arith.constant 0 : i32
    %dma_start3A_481 = arith.constant 0 : i32
    %dma_start3A_482 = tpu.memref_slice %arg9[%dma_start3A_472, %dma_start3A_473, %dma_start3A_480, %dma_start3A_481] : memref<2x16x16x128xf32, #tpu.memory_space<vmem>> -> memref<1x1x16x128xf32, #tpu.memory_space<vmem>>
    %dma_start3A_483 = tpu.memref_squeeze %dma_start3A_482 : memref<1x1x16x128xf32, #tpu.memory_space<vmem>> -> memref<16x128xf32, #tpu.memory_space<vmem>>
    %dma_start3A_484 = arith.constant 0 : i32
    %dma_start3A_485 = tpu.memref_slice %arg5[%dma_start3A_484, %multiple_of3A_471] : memref<16x1000000xf32, #tpu.memory_space<hbm>> -> memref<16x128xf32, #tpu.memory_space<hbm>>
    tpu.enqueue_dma source(%dma_start3A_485 : memref<16x128xf32, #tpu.memory_space<hbm>>) target(%dma_start3A_483 : memref<16x128xf32, #tpu.memory_space<vmem>>) target_semaphore(%arg13 : memref<!tpu.dma_semaphore, #tpu.memory_space<semaphore_mem>>)
    %slice3A_486 = vector.extract_strided_slice %and3A_281 {offsets = [12], sizes = [1], strides = [1]} : vector<16xi32> to vector<1xi32>
    %squeeze3A_487 = vector.extract %slice3A_486[0] : i32 from vector<1xi32>
    %multiple_of3A_488 = tpu.assume_multiple %squeeze3A_487, 128 : i32
    %dma_start3A_489 = arith.constant 0 : i32
    %dma_start3A_490 = arith.constant 12 : i32
    %dma_start3A_491 = arith.constant 0 : i32
    %dma_start3A_492 = arith.constant 0 : i32
    %dma_start3A_493 = tpu.memref_slice %arg9[%dma_start3A_489, %dma_start3A_490, %dma_start3A_491, %dma_start3A_492] : memref<2x16x16x128xf32, #tpu.memory_space<vmem>> -> memref<1x1x16x128xf32, #tpu.memory_space<vmem>>
    %dma_start3A_494 = tpu.memref_squeeze %dma_start3A_493 : memref<1x1x16x128xf32, #tpu.memory_space<vmem>> -> memref<16x128xf32, #tpu.memory_space<vmem>>
    %dma_start3A_495 = arith.constant 0 : i32
    %dma_start3A_496 = tpu.memref_slice %arg5[%dma_start3A_495, %multiple_of3A_488] : memref<16x1000000xf32, #tpu.memory_space<hbm>> -> memref<16x128xf32, #tpu.memory_space<hbm>>
    %dma_start3A_497 = arith.constant 0 : i32
    %dma_start3A_498 = arith.constant 0 : i32
    %dma_start3A_499 = tpu.memref_slice %arg9[%dma_start3A_489, %dma_start3A_490, %dma_start3A_497, %dma_start3A_498] : memref<2x16x16x128xf32, #tpu.memory_space<vmem>> -> memref<1x1x16x128xf32, #tpu.memory_space<vmem>>
    %dma_start3A_500 = tpu.memref_squeeze %dma_start3A_499 : memref<1x1x16x128xf32, #tpu.memory_space<vmem>> -> memref<16x128xf32, #tpu.memory_space<vmem>>
    %dma_start3A_501 = arith.constant 0 : i32
    %dma_start3A_502 = tpu.memref_slice %arg5[%dma_start3A_501, %multiple_of3A_488] : memref<16x1000000xf32, #tpu.memory_space<hbm>> -> memref<16x128xf32, #tpu.memory_space<hbm>>
    tpu.enqueue_dma source(%dma_start3A_502 : memref<16x128xf32, #tpu.memory_space<hbm>>) target(%dma_start3A_500 : memref<16x128xf32, #tpu.memory_space<vmem>>) target_semaphore(%arg13 : memref<!tpu.dma_semaphore, #tpu.memory_space<semaphore_mem>>)
    %slice3A_503 = vector.extract_strided_slice %and3A_281 {offsets = [13], sizes = [1], strides = [1]} : vector<16xi32> to vector<1xi32>
    %squeeze3A_504 = vector.extract %slice3A_503[0] : i32 from vector<1xi32>
    %multiple_of3A_505 = tpu.assume_multiple %squeeze3A_504, 128 : i32
    %dma_start3A_506 = arith.constant 0 : i32
    %dma_start3A_507 = arith.constant 13 : i32
    %dma_start3A_508 = arith.constant 0 : i32
    %dma_start3A_509 = arith.constant 0 : i32
    %dma_start3A_510 = tpu.memref_slice %arg9[%dma_start3A_506, %dma_start3A_507, %dma_start3A_508, %dma_start3A_509] : memref<2x16x16x128xf32, #tpu.memory_space<vmem>> -> memref<1x1x16x128xf32, #tpu.memory_space<vmem>>
    %dma_start3A_511 = tpu.memref_squeeze %dma_start3A_510 : memref<1x1x16x128xf32, #tpu.memory_space<vmem>> -> memref<16x128xf32, #tpu.memory_space<vmem>>
    %dma_start3A_512 = arith.constant 0 : i32
    %dma_start3A_513 = tpu.memref_slice %arg5[%dma_start3A_512, %multiple_of3A_505] : memref<16x1000000xf32, #tpu.memory_space<hbm>> -> memref<16x128xf32, #tpu.memory_space<hbm>>
    %dma_start3A_514 = arith.constant 0 : i32
    %dma_start3A_515 = arith.constant 0 : i32
    %dma_start3A_516 = tpu.memref_slice %arg9[%dma_start3A_506, %dma_start3A_507, %dma_start3A_514, %dma_start3A_515] : memref<2x16x16x128xf32, #tpu.memory_space<vmem>> -> memref<1x1x16x128xf32, #tpu.memory_space<vmem>>
    %dma_start3A_517 = tpu.memref_squeeze %dma_start3A_516 : memref<1x1x16x128xf32, #tpu.memory_space<vmem>> -> memref<16x128xf32, #tpu.memory_space<vmem>>
    %dma_start3A_518 = arith.constant 0 : i32
    %dma_start3A_519 = tpu.memref_slice %arg5[%dma_start3A_518, %multiple_of3A_505] : memref<16x1000000xf32, #tpu.memory_space<hbm>> -> memref<16x128xf32, #tpu.memory_space<hbm>>
    tpu.enqueue_dma source(%dma_start3A_519 : memref<16x128xf32, #tpu.memory_space<hbm>>) target(%dma_start3A_517 : memref<16x128xf32, #tpu.memory_space<vmem>>) target_semaphore(%arg13 : memref<!tpu.dma_semaphore, #tpu.memory_space<semaphore_mem>>)
    %slice3A_520 = vector.extract_strided_slice %and3A_281 {offsets = [14], sizes = [1], strides = [1]} : vector<16xi32> to vector<1xi32>
    %squeeze3A_521 = vector.extract %slice3A_520[0] : i32 from vector<1xi32>
    %multiple_of3A_522 = tpu.assume_multiple %squeeze3A_521, 128 : i32
    %dma_start3A_523 = arith.constant 0 : i32
    %dma_start3A_524 = arith.constant 14 : i32
    %dma_start3A_525 = arith.constant 0 : i32
    %dma_start3A_526 = arith.constant 0 : i32
    %dma_start3A_527 = tpu.memref_slice %arg9[%dma_start3A_523, %dma_start3A_524, %dma_start3A_525, %dma_start3A_526] : memref<2x16x16x128xf32, #tpu.memory_space<vmem>> -> memref<1x1x16x128xf32, #tpu.memory_space<vmem>>
    %dma_start3A_528 = tpu.memref_squeeze %dma_start3A_527 : memref<1x1x16x128xf32, #tpu.memory_space<vmem>> -> memref<16x128xf32, #tpu.memory_space<vmem>>
    %dma_start3A_529 = arith.constant 0 : i32
    %dma_start3A_530 = tpu.memref_slice %arg5[%dma_start3A_529, %multiple_of3A_522] : memref<16x1000000xf32, #tpu.memory_space<hbm>> -> memref<16x128xf32, #tpu.memory_space<hbm>>
    %dma_start3A_531 = arith.constant 0 : i32
    %dma_start3A_532 = arith.constant 0 : i32
    %dma_start3A_533 = tpu.memref_slice %arg9[%dma_start3A_523, %dma_start3A_524, %dma_start3A_531, %dma_start3A_532] : memref<2x16x16x128xf32, #tpu.memory_space<vmem>> -> memref<1x1x16x128xf32, #tpu.memory_space<vmem>>
    %dma_start3A_534 = tpu.memref_squeeze %dma_start3A_533 : memref<1x1x16x128xf32, #tpu.memory_space<vmem>> -> memref<16x128xf32, #tpu.memory_space<vmem>>
    %dma_start3A_535 = arith.constant 0 : i32
    %dma_start3A_536 = tpu.memref_slice %arg5[%dma_start3A_535, %multiple_of3A_522] : memref<16x1000000xf32, #tpu.memory_space<hbm>> -> memref<16x128xf32, #tpu.memory_space<hbm>>
    tpu.enqueue_dma source(%dma_start3A_536 : memref<16x128xf32, #tpu.memory_space<hbm>>) target(%dma_start3A_534 : memref<16x128xf32, #tpu.memory_space<vmem>>) target_semaphore(%arg13 : memref<!tpu.dma_semaphore, #tpu.memory_space<semaphore_mem>>)
    %slice3A_537 = vector.extract_strided_slice %and3A_281 {offsets = [15], sizes = [1], strides = [1]} : vector<16xi32> to vector<1xi32>
    %squeeze3A_538 = vector.extract %slice3A_537[0] : i32 from vector<1xi32>
    %multiple_of3A_539 = tpu.assume_multiple %squeeze3A_538, 128 : i32
    %dma_start3A_540 = arith.constant 0 : i32
    %dma_start3A_541 = arith.constant 15 : i32
    %dma_start3A_542 = arith.constant 0 : i32
    %dma_start3A_543 = arith.constant 0 : i32
    %dma_start3A_544 = tpu.memref_slice %arg9[%dma_start3A_540, %dma_start3A_541, %dma_start3A_542, %dma_start3A_543] : memref<2x16x16x128xf32, #tpu.memory_space<vmem>> -> memref<1x1x16x128xf32, #tpu.memory_space<vmem>>
    %dma_start3A_545 = tpu.memref_squeeze %dma_start3A_544 : memref<1x1x16x128xf32, #tpu.memory_space<vmem>> -> memref<16x128xf32, #tpu.memory_space<vmem>>
    %dma_start3A_546 = arith.constant 0 : i32
    %dma_start3A_547 = tpu.memref_slice %arg5[%dma_start3A_546, %multiple_of3A_539] : memref<16x1000000xf32, #tpu.memory_space<hbm>> -> memref<16x128xf32, #tpu.memory_space<hbm>>
    %dma_start3A_548 = arith.constant 0 : i32
    %dma_start3A_549 = arith.constant 0 : i32
    %dma_start3A_550 = tpu.memref_slice %arg9[%dma_start3A_540, %dma_start3A_541, %dma_start3A_548, %dma_start3A_549] : memref<2x16x16x128xf32, #tpu.memory_space<vmem>> -> memref<1x1x16x128xf32, #tpu.memory_space<vmem>>
    %dma_start3A_551 = tpu.memref_squeeze %dma_start3A_550 : memref<1x1x16x128xf32, #tpu.memory_space<vmem>> -> memref<16x128xf32, #tpu.memory_space<vmem>>
    %dma_start3A_552 = arith.constant 0 : i32
    %dma_start3A_553 = tpu.memref_slice %arg5[%dma_start3A_552, %multiple_of3A_539] : memref<16x1000000xf32, #tpu.memory_space<hbm>> -> memref<16x128xf32, #tpu.memory_space<hbm>>
    tpu.enqueue_dma source(%dma_start3A_553 : memref<16x128xf32, #tpu.memory_space<hbm>>) target(%dma_start3A_551 : memref<16x128xf32, #tpu.memory_space<vmem>>) target_semaphore(%arg13 : memref<!tpu.dma_semaphore, #tpu.memory_space<semaphore_mem>>)
    %scan3A_554 = arith.constant 0 : i32
    %scan3A_555 = arith.constant 0 : i32
    %scan3A_556 = arith.constant 32 : i32
    %scan3A_557 = arith.addi %scan3A_555, %scan3A_556 : i32
    %scan3A_558 = arith.constant 1 : i32
    scf.for %scan3A_566 = %scan3A_555 to %scan3A_557 step %scan3A_558  : i32 {
      %rem3A = arith.constant 2 : i32
      %rem3A_567 = arith.remsi %scan3A_566, %rem3A : i32
      %add3A_568 = arith.constant 1 : i32
      %add3A_569 = arith.addi %scan3A_566, %add3A_568 : i32
      %lt3A = arith.constant 32 : i32
      %lt3A_570 = arith.cmpi slt, %add3A_569, %lt3A : i32
      %convert_element_type3A = arith.extui %lt3A_570 : i1 to i32
      %cond3A = arith.constant 0 : i32
      %cond3A_571 = arith.cmpi ne, %convert_element_type3A, %cond3A : i32
      scf.if %cond3A_571 {
        %add3A_960 = arith.constant 1 : i32
        %add3A_961 = arith.addi %scan3A_566, %add3A_960 : i32
        %add3A_962 = arith.constant 1 : i32
        %add3A_963 = arith.addi %scan3A_566, %add3A_962 : i32
        %rem3A_964 = arith.constant 2 : i32
        %rem3A_965 = arith.remsi %add3A_963, %rem3A_964 : i32
        %mul3A_966 = arith.constant 16 : i32
        %mul3A_967 = arith.muli %add3A_961, %mul3A_966 : i32
        %get3A_968 = arith.index_cast %mul3A_967 : i32 to index
        %get3A_969 = tpu.vector_load %arg8[%get3A_968] {strides = array<i32>} : memref<512xi32, #tpu.memory_space<vmem>>, vector<16xi32>,
        %and3A_970 = arith.constant -128 : i32
        %and3A_971 = vector.broadcast %and3A_970 : i32 to vector<16xi32>
        %and3A_972 = arith.andi %get3A_969, %and3A_971 : vector<16xi32>
        %slice3A_973 = vector.extract_strided_slice %and3A_972 {offsets = [0], sizes = [1], strides = [1]} : vector<16xi32> to vector<1xi32>
        %squeeze3A_974 = vector.extract %slice3A_973[0] : i32 from vector<1xi32>
        %multiple_of3A_975 = tpu.assume_multiple %squeeze3A_974, 128 : i32
        %dma_start3A_976 = arith.constant 0 : i32
        %dma_start3A_977 = arith.constant 0 : i32
        %dma_start3A_978 = arith.constant 0 : i32
        %dma_start3A_979 = tpu.memref_slice %arg9[%rem3A_965, %dma_start3A_976, %dma_start3A_977, %dma_start3A_978] : memref<2x16x16x128xf32, #tpu.memory_space<vmem>> -> memref<1x1x16x128xf32, #tpu.memory_space<vmem>>
        %dma_start3A_980 = tpu.memref_squeeze %dma_start3A_979 : memref<1x1x16x128xf32, #tpu.memory_space<vmem>> -> memref<16x128xf32, #tpu.memory_space<vmem>>
        %dma_start3A_981 = arith.constant 0 : i32
        %dma_start3A_982 = tpu.memref_slice %arg5[%dma_start3A_981, %multiple_of3A_975] : memref<16x1000000xf32, #tpu.memory_space<hbm>> -> memref<16x128xf32, #tpu.memory_space<hbm>>
        %dma_start3A_983 = arith.constant 0 : i32
        %dma_start3A_984 = arith.constant 0 : i32
        %dma_start3A_985 = tpu.memref_slice %arg9[%rem3A_965, %dma_start3A_976, %dma_start3A_983, %dma_start3A_984] : memref<2x16x16x128xf32, #tpu.memory_space<vmem>> -> memref<1x1x16x128xf32, #tpu.memory_space<vmem>>
        %dma_start3A_986 = tpu.memref_squeeze %dma_start3A_985 : memref<1x1x16x128xf32, #tpu.memory_space<vmem>> -> memref<16x128xf32, #tpu.memory_space<vmem>>
        %dma_start3A_987 = arith.constant 0 : i32
        %dma_start3A_988 = tpu.memref_slice %arg5[%dma_start3A_987, %multiple_of3A_975] : memref<16x1000000xf32, #tpu.memory_space<hbm>> -> memref<16x128xf32, #tpu.memory_space<hbm>>
        tpu.enqueue_dma source(%dma_start3A_988 : memref<16x128xf32, #tpu.memory_space<hbm>>) target(%dma_start3A_986 : memref<16x128xf32, #tpu.memory_space<vmem>>) target_semaphore(%arg13 : memref<!tpu.dma_semaphore, #tpu.memory_space<semaphore_mem>>)
        %slice3A_989 = vector.extract_strided_slice %and3A_972 {offsets = [1], sizes = [1], strides = [1]} : vector<16xi32> to vector<1xi32>
        %squeeze3A_990 = vector.extract %slice3A_989[0] : i32 from vector<1xi32>
        %multiple_of3A_991 = tpu.assume_multiple %squeeze3A_990, 128 : i32
        %dma_start3A_992 = arith.constant 1 : i32
        %dma_start3A_993 = arith.constant 0 : i32
        %dma_start3A_994 = arith.constant 0 : i32
        %dma_start3A_995 = tpu.memref_slice %arg9[%rem3A_965, %dma_start3A_992, %dma_start3A_993, %dma_start3A_994] : memref<2x16x16x128xf32, #tpu.memory_space<vmem>> -> memref<1x1x16x128xf32, #tpu.memory_space<vmem>>
        %dma_start3A_996 = tpu.memref_squeeze %dma_start3A_995 : memref<1x1x16x128xf32, #tpu.memory_space<vmem>> -> memref<16x128xf32, #tpu.memory_space<vmem>>
        %dma_start3A_997 = arith.constant 0 : i32
        %dma_start3A_998 = tpu.memref_slice %arg5[%dma_start3A_997, %multiple_of3A_991] : memref<16x1000000xf32, #tpu.memory_space<hbm>> -> memref<16x128xf32, #tpu.memory_space<hbm>>
        %dma_start3A_999 = arith.constant 0 : i32
        %dma_start3A_1000 = arith.constant 0 : i32
        %dma_start3A_1001 = tpu.memref_slice %arg9[%rem3A_965, %dma_start3A_992, %dma_start3A_999, %dma_start3A_1000] : memref<2x16x16x128xf32, #tpu.memory_space<vmem>> -> memref<1x1x16x128xf32, #tpu.memory_space<vmem>>
        %dma_start3A_1002 = tpu.memref_squeeze %dma_start3A_1001 : memref<1x1x16x128xf32, #tpu.memory_space<vmem>> -> memref<16x128xf32, #tpu.memory_space<vmem>>
        %dma_start3A_1003 = arith.constant 0 : i32
        %dma_start3A_1004 = tpu.memref_slice %arg5[%dma_start3A_1003, %multiple_of3A_991] : memref<16x1000000xf32, #tpu.memory_space<hbm>> -> memref<16x128xf32, #tpu.memory_space<hbm>>
        tpu.enqueue_dma source(%dma_start3A_1004 : memref<16x128xf32, #tpu.memory_space<hbm>>) target(%dma_start3A_1002 : memref<16x128xf32, #tpu.memory_space<vmem>>) target_semaphore(%arg13 : memref<!tpu.dma_semaphore, #tpu.memory_space<semaphore_mem>>)
        %slice3A_1005 = vector.extract_strided_slice %and3A_972 {offsets = [2], sizes = [1], strides = [1]} : vector<16xi32> to vector<1xi32>
        %squeeze3A_1006 = vector.extract %slice3A_1005[0] : i32 from vector<1xi32>
        %multiple_of3A_1007 = tpu.assume_multiple %squeeze3A_1006, 128 : i32
        %dma_start3A_1008 = arith.constant 2 : i32
        %dma_start3A_1009 = arith.constant 0 : i32
        %dma_start3A_1010 = arith.constant 0 : i32
        %dma_start3A_1011 = tpu.memref_slice %arg9[%rem3A_965, %dma_start3A_1008, %dma_start3A_1009, %dma_start3A_1010] : memref<2x16x16x128xf32, #tpu.memory_space<vmem>> -> memref<1x1x16x128xf32, #tpu.memory_space<vmem>>
        %dma_start3A_1012 = tpu.memref_squeeze %dma_start3A_1011 : memref<1x1x16x128xf32, #tpu.memory_space<vmem>> -> memref<16x128xf32, #tpu.memory_space<vmem>>
        %dma_start3A_1013 = arith.constant 0 : i32
        %dma_start3A_1014 = tpu.memref_slice %arg5[%dma_start3A_1013, %multiple_of3A_1007] : memref<16x1000000xf32, #tpu.memory_space<hbm>> -> memref<16x128xf32, #tpu.memory_space<hbm>>
        %dma_start3A_1015 = arith.constant 0 : i32
        %dma_start3A_1016 = arith.constant 0 : i32
        %dma_start3A_1017 = tpu.memref_slice %arg9[%rem3A_965, %dma_start3A_1008, %dma_start3A_1015, %dma_start3A_1016] : memref<2x16x16x128xf32, #tpu.memory_space<vmem>> -> memref<1x1x16x128xf32, #tpu.memory_space<vmem>>
        %dma_start3A_1018 = tpu.memref_squeeze %dma_start3A_1017 : memref<1x1x16x128xf32, #tpu.memory_space<vmem>> -> memref<16x128xf32, #tpu.memory_space<vmem>>
        %dma_start3A_1019 = arith.constant 0 : i32
        %dma_start3A_1020 = tpu.memref_slice %arg5[%dma_start3A_1019, %multiple_of3A_1007] : memref<16x1000000xf32, #tpu.memory_space<hbm>> -> memref<16x128xf32, #tpu.memory_space<hbm>>
        tpu.enqueue_dma source(%dma_start3A_1020 : memref<16x128xf32, #tpu.memory_space<hbm>>) target(%dma_start3A_1018 : memref<16x128xf32, #tpu.memory_space<vmem>>) target_semaphore(%arg13 : memref<!tpu.dma_semaphore, #tpu.memory_space<semaphore_mem>>)
        %slice3A_1021 = vector.extract_strided_slice %and3A_972 {offsets = [3], sizes = [1], strides = [1]} : vector<16xi32> to vector<1xi32>
        %squeeze3A_1022 = vector.extract %slice3A_1021[0] : i32 from vector<1xi32>
        %multiple_of3A_1023 = tpu.assume_multiple %squeeze3A_1022, 128 : i32
        %dma_start3A_1024 = arith.constant 3 : i32
        %dma_start3A_1025 = arith.constant 0 : i32
        %dma_start3A_1026 = arith.constant 0 : i32
        %dma_start3A_1027 = tpu.memref_slice %arg9[%rem3A_965, %dma_start3A_1024, %dma_start3A_1025, %dma_start3A_1026] : memref<2x16x16x128xf32, #tpu.memory_space<vmem>> -> memref<1x1x16x128xf32, #tpu.memory_space<vmem>>
        %dma_start3A_1028 = tpu.memref_squeeze %dma_start3A_1027 : memref<1x1x16x128xf32, #tpu.memory_space<vmem>> -> memref<16x128xf32, #tpu.memory_space<vmem>>
        %dma_start3A_1029 = arith.constant 0 : i32
        %dma_start3A_1030 = tpu.memref_slice %arg5[%dma_start3A_1029, %multiple_of3A_1023] : memref<16x1000000xf32, #tpu.memory_space<hbm>> -> memref<16x128xf32, #tpu.memory_space<hbm>>
        %dma_start3A_1031 = arith.constant 0 : i32
        %dma_start3A_1032 = arith.constant 0 : i32
        %dma_start3A_1033 = tpu.memref_slice %arg9[%rem3A_965, %dma_start3A_1024, %dma_start3A_1031, %dma_start3A_1032] : memref<2x16x16x128xf32, #tpu.memory_space<vmem>> -> memref<1x1x16x128xf32, #tpu.memory_space<vmem>>
        %dma_start3A_1034 = tpu.memref_squeeze %dma_start3A_1033 : memref<1x1x16x128xf32, #tpu.memory_space<vmem>> -> memref<16x128xf32, #tpu.memory_space<vmem>>
        %dma_start3A_1035 = arith.constant 0 : i32
        %dma_start3A_1036 = tpu.memref_slice %arg5[%dma_start3A_1035, %multiple_of3A_1023] : memref<16x1000000xf32, #tpu.memory_space<hbm>> -> memref<16x128xf32, #tpu.memory_space<hbm>>
        tpu.enqueue_dma source(%dma_start3A_1036 : memref<16x128xf32, #tpu.memory_space<hbm>>) target(%dma_start3A_1034 : memref<16x128xf32, #tpu.memory_space<vmem>>) target_semaphore(%arg13 : memref<!tpu.dma_semaphore, #tpu.memory_space<semaphore_mem>>)
        %slice3A_1037 = vector.extract_strided_slice %and3A_972 {offsets = [4], sizes = [1], strides = [1]} : vector<16xi32> to vector<1xi32>
        %squeeze3A_1038 = vector.extract %slice3A_1037[0] : i32 from vector<1xi32>
        %multiple_of3A_1039 = tpu.assume_multiple %squeeze3A_1038, 128 : i32
        %dma_start3A_1040 = arith.constant 4 : i32
        %dma_start3A_1041 = arith.constant 0 : i32
        %dma_start3A_1042 = arith.constant 0 : i32
        %dma_start3A_1043 = tpu.memref_slice %arg9[%rem3A_965, %dma_start3A_1040, %dma_start3A_1041, %dma_start3A_1042] : memref<2x16x16x128xf32, #tpu.memory_space<vmem>> -> memref<1x1x16x128xf32, #tpu.memory_space<vmem>>
        %dma_start3A_1044 = tpu.memref_squeeze %dma_start3A_1043 : memref<1x1x16x128xf32, #tpu.memory_space<vmem>> -> memref<16x128xf32, #tpu.memory_space<vmem>>
        %dma_start3A_1045 = arith.constant 0 : i32
        %dma_start3A_1046 = tpu.memref_slice %arg5[%dma_start3A_1045, %multiple_of3A_1039] : memref<16x1000000xf32, #tpu.memory_space<hbm>> -> memref<16x128xf32, #tpu.memory_space<hbm>>
        %dma_start3A_1047 = arith.constant 0 : i32
        %dma_start3A_1048 = arith.constant 0 : i32
        %dma_start3A_1049 = tpu.memref_slice %arg9[%rem3A_965, %dma_start3A_1040, %dma_start3A_1047, %dma_start3A_1048] : memref<2x16x16x128xf32, #tpu.memory_space<vmem>> -> memref<1x1x16x128xf32, #tpu.memory_space<vmem>>
        %dma_start3A_1050 = tpu.memref_squeeze %dma_start3A_1049 : memref<1x1x16x128xf32, #tpu.memory_space<vmem>> -> memref<16x128xf32, #tpu.memory_space<vmem>>
        %dma_start3A_1051 = arith.constant 0 : i32
        %dma_start3A_1052 = tpu.memref_slice %arg5[%dma_start3A_1051, %multiple_of3A_1039] : memref<16x1000000xf32, #tpu.memory_space<hbm>> -> memref<16x128xf32, #tpu.memory_space<hbm>>
        tpu.enqueue_dma source(%dma_start3A_1052 : memref<16x128xf32, #tpu.memory_space<hbm>>) target(%dma_start3A_1050 : memref<16x128xf32, #tpu.memory_space<vmem>>) target_semaphore(%arg13 : memref<!tpu.dma_semaphore, #tpu.memory_space<semaphore_mem>>)
        %slice3A_1053 = vector.extract_strided_slice %and3A_972 {offsets = [5], sizes = [1], strides = [1]} : vector<16xi32> to vector<1xi32>
        %squeeze3A_1054 = vector.extract %slice3A_1053[0] : i32 from vector<1xi32>
        %multiple_of3A_1055 = tpu.assume_multiple %squeeze3A_1054, 128 : i32
        %dma_start3A_1056 = arith.constant 5 : i32
        %dma_start3A_1057 = arith.constant 0 : i32
        %dma_start3A_1058 = arith.constant 0 : i32
        %dma_start3A_1059 = tpu.memref_slice %arg9[%rem3A_965, %dma_start3A_1056, %dma_start3A_1057, %dma_start3A_1058] : memref<2x16x16x128xf32, #tpu.memory_space<vmem>> -> memref<1x1x16x128xf32, #tpu.memory_space<vmem>>
        %dma_start3A_1060 = tpu.memref_squeeze %dma_start3A_1059 : memref<1x1x16x128xf32, #tpu.memory_space<vmem>> -> memref<16x128xf32, #tpu.memory_space<vmem>>
        %dma_start3A_1061 = arith.constant 0 : i32
        %dma_start3A_1062 = tpu.memref_slice %arg5[%dma_start3A_1061, %multiple_of3A_1055] : memref<16x1000000xf32, #tpu.memory_space<hbm>> -> memref<16x128xf32, #tpu.memory_space<hbm>>
        %dma_start3A_1063 = arith.constant 0 : i32
        %dma_start3A_1064 = arith.constant 0 : i32
        %dma_start3A_1065 = tpu.memref_slice %arg9[%rem3A_965, %dma_start3A_1056, %dma_start3A_1063, %dma_start3A_1064] : memref<2x16x16x128xf32, #tpu.memory_space<vmem>> -> memref<1x1x16x128xf32, #tpu.memory_space<vmem>>
        %dma_start3A_1066 = tpu.memref_squeeze %dma_start3A_1065 : memref<1x1x16x128xf32, #tpu.memory_space<vmem>> -> memref<16x128xf32, #tpu.memory_space<vmem>>
        %dma_start3A_1067 = arith.constant 0 : i32
        %dma_start3A_1068 = tpu.memref_slice %arg5[%dma_start3A_1067, %multiple_of3A_1055] : memref<16x1000000xf32, #tpu.memory_space<hbm>> -> memref<16x128xf32, #tpu.memory_space<hbm>>
        tpu.enqueue_dma source(%dma_start3A_1068 : memref<16x128xf32, #tpu.memory_space<hbm>>) target(%dma_start3A_1066 : memref<16x128xf32, #tpu.memory_space<vmem>>) target_semaphore(%arg13 : memref<!tpu.dma_semaphore, #tpu.memory_space<semaphore_mem>>)
        %slice3A_1069 = vector.extract_strided_slice %and3A_972 {offsets = [6], sizes = [1], strides = [1]} : vector<16xi32> to vector<1xi32>
        %squeeze3A_1070 = vector.extract %slice3A_1069[0] : i32 from vector<1xi32>
        %multiple_of3A_1071 = tpu.assume_multiple %squeeze3A_1070, 128 : i32
        %dma_start3A_1072 = arith.constant 6 : i32
        %dma_start3A_1073 = arith.constant 0 : i32
        %dma_start3A_1074 = arith.constant 0 : i32
        %dma_start3A_1075 = tpu.memref_slice %arg9[%rem3A_965, %dma_start3A_1072, %dma_start3A_1073, %dma_start3A_1074] : memref<2x16x16x128xf32, #tpu.memory_space<vmem>> -> memref<1x1x16x128xf32, #tpu.memory_space<vmem>>
        %dma_start3A_1076 = tpu.memref_squeeze %dma_start3A_1075 : memref<1x1x16x128xf32, #tpu.memory_space<vmem>> -> memref<16x128xf32, #tpu.memory_space<vmem>>
        %dma_start3A_1077 = arith.constant 0 : i32
        %dma_start3A_1078 = tpu.memref_slice %arg5[%dma_start3A_1077, %multiple_of3A_1071] : memref<16x1000000xf32, #tpu.memory_space<hbm>> -> memref<16x128xf32, #tpu.memory_space<hbm>>
        %dma_start3A_1079 = arith.constant 0 : i32
        %dma_start3A_1080 = arith.constant 0 : i32
        %dma_start3A_1081 = tpu.memref_slice %arg9[%rem3A_965, %dma_start3A_1072, %dma_start3A_1079, %dma_start3A_1080] : memref<2x16x16x128xf32, #tpu.memory_space<vmem>> -> memref<1x1x16x128xf32, #tpu.memory_space<vmem>>
        %dma_start3A_1082 = tpu.memref_squeeze %dma_start3A_1081 : memref<1x1x16x128xf32, #tpu.memory_space<vmem>> -> memref<16x128xf32, #tpu.memory_space<vmem>>
        %dma_start3A_1083 = arith.constant 0 : i32
        %dma_start3A_1084 = tpu.memref_slice %arg5[%dma_start3A_1083, %multiple_of3A_1071] : memref<16x1000000xf32, #tpu.memory_space<hbm>> -> memref<16x128xf32, #tpu.memory_space<hbm>>
        tpu.enqueue_dma source(%dma_start3A_1084 : memref<16x128xf32, #tpu.memory_space<hbm>>) target(%dma_start3A_1082 : memref<16x128xf32, #tpu.memory_space<vmem>>) target_semaphore(%arg13 : memref<!tpu.dma_semaphore, #tpu.memory_space<semaphore_mem>>)
        %slice3A_1085 = vector.extract_strided_slice %and3A_972 {offsets = [7], sizes = [1], strides = [1]} : vector<16xi32> to vector<1xi32>
        %squeeze3A_1086 = vector.extract %slice3A_1085[0] : i32 from vector<1xi32>
        %multiple_of3A_1087 = tpu.assume_multiple %squeeze3A_1086, 128 : i32
        %dma_start3A_1088 = arith.constant 7 : i32
        %dma_start3A_1089 = arith.constant 0 : i32
        %dma_start3A_1090 = arith.constant 0 : i32
        %dma_start3A_1091 = tpu.memref_slice %arg9[%rem3A_965, %dma_start3A_1088, %dma_start3A_1089, %dma_start3A_1090] : memref<2x16x16x128xf32, #tpu.memory_space<vmem>> -> memref<1x1x16x128xf32, #tpu.memory_space<vmem>>
        %dma_start3A_1092 = tpu.memref_squeeze %dma_start3A_1091 : memref<1x1x16x128xf32, #tpu.memory_space<vmem>> -> memref<16x128xf32, #tpu.memory_space<vmem>>
        %dma_start3A_1093 = arith.constant 0 : i32
        %dma_start3A_1094 = tpu.memref_slice %arg5[%dma_start3A_1093, %multiple_of3A_1087] : memref<16x1000000xf32, #tpu.memory_space<hbm>> -> memref<16x128xf32, #tpu.memory_space<hbm>>
        %dma_start3A_1095 = arith.constant 0 : i32
        %dma_start3A_1096 = arith.constant 0 : i32
        %dma_start3A_1097 = tpu.memref_slice %arg9[%rem3A_965, %dma_start3A_1088, %dma_start3A_1095, %dma_start3A_1096] : memref<2x16x16x128xf32, #tpu.memory_space<vmem>> -> memref<1x1x16x128xf32, #tpu.memory_space<vmem>>
        %dma_start3A_1098 = tpu.memref_squeeze %dma_start3A_1097 : memref<1x1x16x128xf32, #tpu.memory_space<vmem>> -> memref<16x128xf32, #tpu.memory_space<vmem>>
        %dma_start3A_1099 = arith.constant 0 : i32
        %dma_start3A_1100 = tpu.memref_slice %arg5[%dma_start3A_1099, %multiple_of3A_1087] : memref<16x1000000xf32, #tpu.memory_space<hbm>> -> memref<16x128xf32, #tpu.memory_space<hbm>>
        tpu.enqueue_dma source(%dma_start3A_1100 : memref<16x128xf32, #tpu.memory_space<hbm>>) target(%dma_start3A_1098 : memref<16x128xf32, #tpu.memory_space<vmem>>) target_semaphore(%arg13 : memref<!tpu.dma_semaphore, #tpu.memory_space<semaphore_mem>>)
        %slice3A_1101 = vector.extract_strided_slice %and3A_972 {offsets = [8], sizes = [1], strides = [1]} : vector<16xi32> to vector<1xi32>
        %squeeze3A_1102 = vector.extract %slice3A_1101[0] : i32 from vector<1xi32>
        %multiple_of3A_1103 = tpu.assume_multiple %squeeze3A_1102, 128 : i32
        %dma_start3A_1104 = arith.constant 8 : i32
        %dma_start3A_1105 = arith.constant 0 : i32
        %dma_start3A_1106 = arith.constant 0 : i32
        %dma_start3A_1107 = tpu.memref_slice %arg9[%rem3A_965, %dma_start3A_1104, %dma_start3A_1105, %dma_start3A_1106] : memref<2x16x16x128xf32, #tpu.memory_space<vmem>> -> memref<1x1x16x128xf32, #tpu.memory_space<vmem>>
        %dma_start3A_1108 = tpu.memref_squeeze %dma_start3A_1107 : memref<1x1x16x128xf32, #tpu.memory_space<vmem>> -> memref<16x128xf32, #tpu.memory_space<vmem>>
        %dma_start3A_1109 = arith.constant 0 : i32
        %dma_start3A_1110 = tpu.memref_slice %arg5[%dma_start3A_1109, %multiple_of3A_1103] : memref<16x1000000xf32, #tpu.memory_space<hbm>> -> memref<16x128xf32, #tpu.memory_space<hbm>>
        %dma_start3A_1111 = arith.constant 0 : i32
        %dma_start3A_1112 = arith.constant 0 : i32
        %dma_start3A_1113 = tpu.memref_slice %arg9[%rem3A_965, %dma_start3A_1104, %dma_start3A_1111, %dma_start3A_1112] : memref<2x16x16x128xf32, #tpu.memory_space<vmem>> -> memref<1x1x16x128xf32, #tpu.memory_space<vmem>>
        %dma_start3A_1114 = tpu.memref_squeeze %dma_start3A_1113 : memref<1x1x16x128xf32, #tpu.memory_space<vmem>> -> memref<16x128xf32, #tpu.memory_space<vmem>>
        %dma_start3A_1115 = arith.constant 0 : i32
        %dma_start3A_1116 = tpu.memref_slice %arg5[%dma_start3A_1115, %multiple_of3A_1103] : memref<16x1000000xf32, #tpu.memory_space<hbm>> -> memref<16x128xf32, #tpu.memory_space<hbm>>
        tpu.enqueue_dma source(%dma_start3A_1116 : memref<16x128xf32, #tpu.memory_space<hbm>>) target(%dma_start3A_1114 : memref<16x128xf32, #tpu.memory_space<vmem>>) target_semaphore(%arg13 : memref<!tpu.dma_semaphore, #tpu.memory_space<semaphore_mem>>)
        %slice3A_1117 = vector.extract_strided_slice %and3A_972 {offsets = [9], sizes = [1], strides = [1]} : vector<16xi32> to vector<1xi32>
        %squeeze3A_1118 = vector.extract %slice3A_1117[0] : i32 from vector<1xi32>
        %multiple_of3A_1119 = tpu.assume_multiple %squeeze3A_1118, 128 : i32
        %dma_start3A_1120 = arith.constant 9 : i32
        %dma_start3A_1121 = arith.constant 0 : i32
        %dma_start3A_1122 = arith.constant 0 : i32
        %dma_start3A_1123 = tpu.memref_slice %arg9[%rem3A_965, %dma_start3A_1120, %dma_start3A_1121, %dma_start3A_1122] : memref<2x16x16x128xf32, #tpu.memory_space<vmem>> -> memref<1x1x16x128xf32, #tpu.memory_space<vmem>>
        %dma_start3A_1124 = tpu.memref_squeeze %dma_start3A_1123 : memref<1x1x16x128xf32, #tpu.memory_space<vmem>> -> memref<16x128xf32, #tpu.memory_space<vmem>>
        %dma_start3A_1125 = arith.constant 0 : i32
        %dma_start3A_1126 = tpu.memref_slice %arg5[%dma_start3A_1125, %multiple_of3A_1119] : memref<16x1000000xf32, #tpu.memory_space<hbm>> -> memref<16x128xf32, #tpu.memory_space<hbm>>
        %dma_start3A_1127 = arith.constant 0 : i32
        %dma_start3A_1128 = arith.constant 0 : i32
        %dma_start3A_1129 = tpu.memref_slice %arg9[%rem3A_965, %dma_start3A_1120, %dma_start3A_1127, %dma_start3A_1128] : memref<2x16x16x128xf32, #tpu.memory_space<vmem>> -> memref<1x1x16x128xf32, #tpu.memory_space<vmem>>
        %dma_start3A_1130 = tpu.memref_squeeze %dma_start3A_1129 : memref<1x1x16x128xf32, #tpu.memory_space<vmem>> -> memref<16x128xf32, #tpu.memory_space<vmem>>
        %dma_start3A_1131 = arith.constant 0 : i32
        %dma_start3A_1132 = tpu.memref_slice %arg5[%dma_start3A_1131, %multiple_of3A_1119] : memref<16x1000000xf32, #tpu.memory_space<hbm>> -> memref<16x128xf32, #tpu.memory_space<hbm>>
        tpu.enqueue_dma source(%dma_start3A_1132 : memref<16x128xf32, #tpu.memory_space<hbm>>) target(%dma_start3A_1130 : memref<16x128xf32, #tpu.memory_space<vmem>>) target_semaphore(%arg13 : memref<!tpu.dma_semaphore, #tpu.memory_space<semaphore_mem>>)
        %slice3A_1133 = vector.extract_strided_slice %and3A_972 {offsets = [10], sizes = [1], strides = [1]} : vector<16xi32> to vector<1xi32>
        %squeeze3A_1134 = vector.extract %slice3A_1133[0] : i32 from vector<1xi32>
        %multiple_of3A_1135 = tpu.assume_multiple %squeeze3A_1134, 128 : i32
        %dma_start3A_1136 = arith.constant 10 : i32
        %dma_start3A_1137 = arith.constant 0 : i32
        %dma_start3A_1138 = arith.constant 0 : i32
        %dma_start3A_1139 = tpu.memref_slice %arg9[%rem3A_965, %dma_start3A_1136, %dma_start3A_1137, %dma_start3A_1138] : memref<2x16x16x128xf32, #tpu.memory_space<vmem>> -> memref<1x1x16x128xf32, #tpu.memory_space<vmem>>
        %dma_start3A_1140 = tpu.memref_squeeze %dma_start3A_1139 : memref<1x1x16x128xf32, #tpu.memory_space<vmem>> -> memref<16x128xf32, #tpu.memory_space<vmem>>
        %dma_start3A_1141 = arith.constant 0 : i32
        %dma_start3A_1142 = tpu.memref_slice %arg5[%dma_start3A_1141, %multiple_of3A_1135] : memref<16x1000000xf32, #tpu.memory_space<hbm>> -> memref<16x128xf32, #tpu.memory_space<hbm>>
        %dma_start3A_1143 = arith.constant 0 : i32
        %dma_start3A_1144 = arith.constant 0 : i32
        %dma_start3A_1145 = tpu.memref_slice %arg9[%rem3A_965, %dma_start3A_1136, %dma_start3A_1143, %dma_start3A_1144] : memref<2x16x16x128xf32, #tpu.memory_space<vmem>> -> memref<1x1x16x128xf32, #tpu.memory_space<vmem>>
        %dma_start3A_1146 = tpu.memref_squeeze %dma_start3A_1145 : memref<1x1x16x128xf32, #tpu.memory_space<vmem>> -> memref<16x128xf32, #tpu.memory_space<vmem>>
        %dma_start3A_1147 = arith.constant 0 : i32
        %dma_start3A_1148 = tpu.memref_slice %arg5[%dma_start3A_1147, %multiple_of3A_1135] : memref<16x1000000xf32, #tpu.memory_space<hbm>> -> memref<16x128xf32, #tpu.memory_space<hbm>>
        tpu.enqueue_dma source(%dma_start3A_1148 : memref<16x128xf32, #tpu.memory_space<hbm>>) target(%dma_start3A_1146 : memref<16x128xf32, #tpu.memory_space<vmem>>) target_semaphore(%arg13 : memref<!tpu.dma_semaphore, #tpu.memory_space<semaphore_mem>>)
        %slice3A_1149 = vector.extract_strided_slice %and3A_972 {offsets = [11], sizes = [1], strides = [1]} : vector<16xi32> to vector<1xi32>
        %squeeze3A_1150 = vector.extract %slice3A_1149[0] : i32 from vector<1xi32>
        %multiple_of3A_1151 = tpu.assume_multiple %squeeze3A_1150, 128 : i32
        %dma_start3A_1152 = arith.constant 11 : i32
        %dma_start3A_1153 = arith.constant 0 : i32
        %dma_start3A_1154 = arith.constant 0 : i32
        %dma_start3A_1155 = tpu.memref_slice %arg9[%rem3A_965, %dma_start3A_1152, %dma_start3A_1153, %dma_start3A_1154] : memref<2x16x16x128xf32, #tpu.memory_space<vmem>> -> memref<1x1x16x128xf32, #tpu.memory_space<vmem>>
        %dma_start3A_1156 = tpu.memref_squeeze %dma_start3A_1155 : memref<1x1x16x128xf32, #tpu.memory_space<vmem>> -> memref<16x128xf32, #tpu.memory_space<vmem>>
        %dma_start3A_1157 = arith.constant 0 : i32
        %dma_start3A_1158 = tpu.memref_slice %arg5[%dma_start3A_1157, %multiple_of3A_1151] : memref<16x1000000xf32, #tpu.memory_space<hbm>> -> memref<16x128xf32, #tpu.memory_space<hbm>>
        %dma_start3A_1159 = arith.constant 0 : i32
        %dma_start3A_1160 = arith.constant 0 : i32
        %dma_start3A_1161 = tpu.memref_slice %arg9[%rem3A_965, %dma_start3A_1152, %dma_start3A_1159, %dma_start3A_1160] : memref<2x16x16x128xf32, #tpu.memory_space<vmem>> -> memref<1x1x16x128xf32, #tpu.memory_space<vmem>>
        %dma_start3A_1162 = tpu.memref_squeeze %dma_start3A_1161 : memref<1x1x16x128xf32, #tpu.memory_space<vmem>> -> memref<16x128xf32, #tpu.memory_space<vmem>>
        %dma_start3A_1163 = arith.constant 0 : i32
        %dma_start3A_1164 = tpu.memref_slice %arg5[%dma_start3A_1163, %multiple_of3A_1151] : memref<16x1000000xf32, #tpu.memory_space<hbm>> -> memref<16x128xf32, #tpu.memory_space<hbm>>
        tpu.enqueue_dma source(%dma_start3A_1164 : memref<16x128xf32, #tpu.memory_space<hbm>>) target(%dma_start3A_1162 : memref<16x128xf32, #tpu.memory_space<vmem>>) target_semaphore(%arg13 : memref<!tpu.dma_semaphore, #tpu.memory_space<semaphore_mem>>)
        %slice3A_1165 = vector.extract_strided_slice %and3A_972 {offsets = [12], sizes = [1], strides = [1]} : vector<16xi32> to vector<1xi32>
        %squeeze3A_1166 = vector.extract %slice3A_1165[0] : i32 from vector<1xi32>
        %multiple_of3A_1167 = tpu.assume_multiple %squeeze3A_1166, 128 : i32
        %dma_start3A_1168 = arith.constant 12 : i32
        %dma_start3A_1169 = arith.constant 0 : i32
        %dma_start3A_1170 = arith.constant 0 : i32
        %dma_start3A_1171 = tpu.memref_slice %arg9[%rem3A_965, %dma_start3A_1168, %dma_start3A_1169, %dma_start3A_1170] : memref<2x16x16x128xf32, #tpu.memory_space<vmem>> -> memref<1x1x16x128xf32, #tpu.memory_space<vmem>>
        %dma_start3A_1172 = tpu.memref_squeeze %dma_start3A_1171 : memref<1x1x16x128xf32, #tpu.memory_space<vmem>> -> memref<16x128xf32, #tpu.memory_space<vmem>>
        %dma_start3A_1173 = arith.constant 0 : i32
        %dma_start3A_1174 = tpu.memref_slice %arg5[%dma_start3A_1173, %multiple_of3A_1167] : memref<16x1000000xf32, #tpu.memory_space<hbm>> -> memref<16x128xf32, #tpu.memory_space<hbm>>
        %dma_start3A_1175 = arith.constant 0 : i32
        %dma_start3A_1176 = arith.constant 0 : i32
        %dma_start3A_1177 = tpu.memref_slice %arg9[%rem3A_965, %dma_start3A_1168, %dma_start3A_1175, %dma_start3A_1176] : memref<2x16x16x128xf32, #tpu.memory_space<vmem>> -> memref<1x1x16x128xf32, #tpu.memory_space<vmem>>
        %dma_start3A_1178 = tpu.memref_squeeze %dma_start3A_1177 : memref<1x1x16x128xf32, #tpu.memory_space<vmem>> -> memref<16x128xf32, #tpu.memory_space<vmem>>
        %dma_start3A_1179 = arith.constant 0 : i32
        %dma_start3A_1180 = tpu.memref_slice %arg5[%dma_start3A_1179, %multiple_of3A_1167] : memref<16x1000000xf32, #tpu.memory_space<hbm>> -> memref<16x128xf32, #tpu.memory_space<hbm>>
        tpu.enqueue_dma source(%dma_start3A_1180 : memref<16x128xf32, #tpu.memory_space<hbm>>) target(%dma_start3A_1178 : memref<16x128xf32, #tpu.memory_space<vmem>>) target_semaphore(%arg13 : memref<!tpu.dma_semaphore, #tpu.memory_space<semaphore_mem>>)
        %slice3A_1181 = vector.extract_strided_slice %and3A_972 {offsets = [13], sizes = [1], strides = [1]} : vector<16xi32> to vector<1xi32>
        %squeeze3A_1182 = vector.extract %slice3A_1181[0] : i32 from vector<1xi32>
        %multiple_of3A_1183 = tpu.assume_multiple %squeeze3A_1182, 128 : i32
        %dma_start3A_1184 = arith.constant 13 : i32
        %dma_start3A_1185 = arith.constant 0 : i32
        %dma_start3A_1186 = arith.constant 0 : i32
        %dma_start3A_1187 = tpu.memref_slice %arg9[%rem3A_965, %dma_start3A_1184, %dma_start3A_1185, %dma_start3A_1186] : memref<2x16x16x128xf32, #tpu.memory_space<vmem>> -> memref<1x1x16x128xf32, #tpu.memory_space<vmem>>
        %dma_start3A_1188 = tpu.memref_squeeze %dma_start3A_1187 : memref<1x1x16x128xf32, #tpu.memory_space<vmem>> -> memref<16x128xf32, #tpu.memory_space<vmem>>
        %dma_start3A_1189 = arith.constant 0 : i32
        %dma_start3A_1190 = tpu.memref_slice %arg5[%dma_start3A_1189, %multiple_of3A_1183] : memref<16x1000000xf32, #tpu.memory_space<hbm>> -> memref<16x128xf32, #tpu.memory_space<hbm>>
        %dma_start3A_1191 = arith.constant 0 : i32
        %dma_start3A_1192 = arith.constant 0 : i32
        %dma_start3A_1193 = tpu.memref_slice %arg9[%rem3A_965, %dma_start3A_1184, %dma_start3A_1191, %dma_start3A_1192] : memref<2x16x16x128xf32, #tpu.memory_space<vmem>> -> memref<1x1x16x128xf32, #tpu.memory_space<vmem>>
        %dma_start3A_1194 = tpu.memref_squeeze %dma_start3A_1193 : memref<1x1x16x128xf32, #tpu.memory_space<vmem>> -> memref<16x128xf32, #tpu.memory_space<vmem>>
        %dma_start3A_1195 = arith.constant 0 : i32
        %dma_start3A_1196 = tpu.memref_slice %arg5[%dma_start3A_1195, %multiple_of3A_1183] : memref<16x1000000xf32, #tpu.memory_space<hbm>> -> memref<16x128xf32, #tpu.memory_space<hbm>>
        tpu.enqueue_dma source(%dma_start3A_1196 : memref<16x128xf32, #tpu.memory_space<hbm>>) target(%dma_start3A_1194 : memref<16x128xf32, #tpu.memory_space<vmem>>) target_semaphore(%arg13 : memref<!tpu.dma_semaphore, #tpu.memory_space<semaphore_mem>>)
        %slice3A_1197 = vector.extract_strided_slice %and3A_972 {offsets = [14], sizes = [1], strides = [1]} : vector<16xi32> to vector<1xi32>
        %squeeze3A_1198 = vector.extract %slice3A_1197[0] : i32 from vector<1xi32>
        %multiple_of3A_1199 = tpu.assume_multiple %squeeze3A_1198, 128 : i32
        %dma_start3A_1200 = arith.constant 14 : i32
        %dma_start3A_1201 = arith.constant 0 : i32
        %dma_start3A_1202 = arith.constant 0 : i32
        %dma_start3A_1203 = tpu.memref_slice %arg9[%rem3A_965, %dma_start3A_1200, %dma_start3A_1201, %dma_start3A_1202] : memref<2x16x16x128xf32, #tpu.memory_space<vmem>> -> memref<1x1x16x128xf32, #tpu.memory_space<vmem>>
        %dma_start3A_1204 = tpu.memref_squeeze %dma_start3A_1203 : memref<1x1x16x128xf32, #tpu.memory_space<vmem>> -> memref<16x128xf32, #tpu.memory_space<vmem>>
        %dma_start3A_1205 = arith.constant 0 : i32
        %dma_start3A_1206 = tpu.memref_slice %arg5[%dma_start3A_1205, %multiple_of3A_1199] : memref<16x1000000xf32, #tpu.memory_space<hbm>> -> memref<16x128xf32, #tpu.memory_space<hbm>>
        %dma_start3A_1207 = arith.constant 0 : i32
        %dma_start3A_1208 = arith.constant 0 : i32
        %dma_start3A_1209 = tpu.memref_slice %arg9[%rem3A_965, %dma_start3A_1200, %dma_start3A_1207, %dma_start3A_1208] : memref<2x16x16x128xf32, #tpu.memory_space<vmem>> -> memref<1x1x16x128xf32, #tpu.memory_space<vmem>>
        %dma_start3A_1210 = tpu.memref_squeeze %dma_start3A_1209 : memref<1x1x16x128xf32, #tpu.memory_space<vmem>> -> memref<16x128xf32, #tpu.memory_space<vmem>>
        %dma_start3A_1211 = arith.constant 0 : i32
        %dma_start3A_1212 = tpu.memref_slice %arg5[%dma_start3A_1211, %multiple_of3A_1199] : memref<16x1000000xf32, #tpu.memory_space<hbm>> -> memref<16x128xf32, #tpu.memory_space<hbm>>
        tpu.enqueue_dma source(%dma_start3A_1212 : memref<16x128xf32, #tpu.memory_space<hbm>>) target(%dma_start3A_1210 : memref<16x128xf32, #tpu.memory_space<vmem>>) target_semaphore(%arg13 : memref<!tpu.dma_semaphore, #tpu.memory_space<semaphore_mem>>)
        %slice3A_1213 = vector.extract_strided_slice %and3A_972 {offsets = [15], sizes = [1], strides = [1]} : vector<16xi32> to vector<1xi32>
        %squeeze3A_1214 = vector.extract %slice3A_1213[0] : i32 from vector<1xi32>
        %multiple_of3A_1215 = tpu.assume_multiple %squeeze3A_1214, 128 : i32
        %dma_start3A_1216 = arith.constant 15 : i32
        %dma_start3A_1217 = arith.constant 0 : i32
        %dma_start3A_1218 = arith.constant 0 : i32
        %dma_start3A_1219 = tpu.memref_slice %arg9[%rem3A_965, %dma_start3A_1216, %dma_start3A_1217, %dma_start3A_1218] : memref<2x16x16x128xf32, #tpu.memory_space<vmem>> -> memref<1x1x16x128xf32, #tpu.memory_space<vmem>>
        %dma_start3A_1220 = tpu.memref_squeeze %dma_start3A_1219 : memref<1x1x16x128xf32, #tpu.memory_space<vmem>> -> memref<16x128xf32, #tpu.memory_space<vmem>>
        %dma_start3A_1221 = arith.constant 0 : i32
        %dma_start3A_1222 = tpu.memref_slice %arg5[%dma_start3A_1221, %multiple_of3A_1215] : memref<16x1000000xf32, #tpu.memory_space<hbm>> -> memref<16x128xf32, #tpu.memory_space<hbm>>
        %dma_start3A_1223 = arith.constant 0 : i32
        %dma_start3A_1224 = arith.constant 0 : i32
        %dma_start3A_1225 = tpu.memref_slice %arg9[%rem3A_965, %dma_start3A_1216, %dma_start3A_1223, %dma_start3A_1224] : memref<2x16x16x128xf32, #tpu.memory_space<vmem>> -> memref<1x1x16x128xf32, #tpu.memory_space<vmem>>
        %dma_start3A_1226 = tpu.memref_squeeze %dma_start3A_1225 : memref<1x1x16x128xf32, #tpu.memory_space<vmem>> -> memref<16x128xf32, #tpu.memory_space<vmem>>
        %dma_start3A_1227 = arith.constant 0 : i32
        %dma_start3A_1228 = tpu.memref_slice %arg5[%dma_start3A_1227, %multiple_of3A_1215] : memref<16x1000000xf32, #tpu.memory_space<hbm>> -> memref<16x128xf32, #tpu.memory_space<hbm>>
        tpu.enqueue_dma source(%dma_start3A_1228 : memref<16x128xf32, #tpu.memory_space<hbm>>) target(%dma_start3A_1226 : memref<16x128xf32, #tpu.memory_space<vmem>>) target_semaphore(%arg13 : memref<!tpu.dma_semaphore, #tpu.memory_space<semaphore_mem>>)
      } else {
      }
      %dma_wait3A = arith.constant 0 : i32
      %dma_wait3A_572 = arith.constant 0 : i32
      %dma_wait3A_573 = arith.constant 0 : i32
      %dma_wait3A_574 = tpu.memref_slice %arg9[%rem3A_567, %dma_wait3A, %dma_wait3A_572, %dma_wait3A_573] : memref<2x16x16x128xf32, #tpu.memory_space<vmem>> -> memref<1x1x16x128xf32, #tpu.memory_space<vmem>>
      %dma_wait3A_575 = tpu.memref_squeeze %dma_wait3A_574 : memref<1x1x16x128xf32, #tpu.memory_space<vmem>> -> memref<16x128xf32, #tpu.memory_space<vmem>>
      %dma_wait3A_576 = arith.constant 0 : i32
      %dma_wait3A_577 = arith.constant 0 : i32
      %dma_wait3A_578 = tpu.memref_slice %arg5[%dma_wait3A_576, %dma_wait3A_577] : memref<16x1000000xf32, #tpu.memory_space<hbm>> -> memref<16x128xf32, #tpu.memory_space<hbm>>
      %dma_wait3A_579 = arith.constant 0 : i32
      %dma_wait3A_580 = arith.constant 0 : i32
      %dma_wait3A_581 = tpu.memref_slice %arg9[%rem3A_567, %dma_wait3A, %dma_wait3A_579, %dma_wait3A_580] : memref<2x16x16x128xf32, #tpu.memory_space<vmem>> -> memref<1x1x16x128xf32, #tpu.memory_space<vmem>>
      %dma_wait3A_582 = tpu.memref_squeeze %dma_wait3A_581 : memref<1x1x16x128xf32, #tpu.memory_space<vmem>> -> memref<16x128xf32, #tpu.memory_space<vmem>>
      %dma_wait3A_583 = arith.constant 0 : i32
      %dma_wait3A_584 = arith.constant 0 : i32
      %dma_wait3A_585 = tpu.memref_slice %arg5[%dma_wait3A_583, %dma_wait3A_584] : memref<16x1000000xf32, #tpu.memory_space<hbm>> -> memref<16x128xf32, #tpu.memory_space<hbm>>
      tpu.wait_dma2 semaphore(%arg13 : memref<!tpu.dma_semaphore, #tpu.memory_space<semaphore_mem>>) src(%dma_wait3A_585 : memref<16x128xf32, #tpu.memory_space<hbm>>) dst(%dma_wait3A_582 : memref<16x128xf32, #tpu.memory_space<vmem>>)
      %dma_wait3A_586 = arith.constant 1 : i32
      %dma_wait3A_587 = arith.constant 0 : i32
      %dma_wait3A_588 = arith.constant 0 : i32
      %dma_wait3A_589 = tpu.memref_slice %arg9[%rem3A_567, %dma_wait3A_586, %dma_wait3A_587, %dma_wait3A_588] : memref<2x16x16x128xf32, #tpu.memory_space<vmem>> -> memref<1x1x16x128xf32, #tpu.memory_space<vmem>>
      %dma_wait3A_590 = tpu.memref_squeeze %dma_wait3A_589 : memref<1x1x16x128xf32, #tpu.memory_space<vmem>> -> memref<16x128xf32, #tpu.memory_space<vmem>>
      %dma_wait3A_591 = arith.constant 0 : i32
      %dma_wait3A_592 = arith.constant 0 : i32
      %dma_wait3A_593 = tpu.memref_slice %arg5[%dma_wait3A_591, %dma_wait3A_592] : memref<16x1000000xf32, #tpu.memory_space<hbm>> -> memref<16x128xf32, #tpu.memory_space<hbm>>
      %dma_wait3A_594 = arith.constant 0 : i32
      %dma_wait3A_595 = arith.constant 0 : i32
      %dma_wait3A_596 = tpu.memref_slice %arg9[%rem3A_567, %dma_wait3A_586, %dma_wait3A_594, %dma_wait3A_595] : memref<2x16x16x128xf32, #tpu.memory_space<vmem>> -> memref<1x1x16x128xf32, #tpu.memory_space<vmem>>
      %dma_wait3A_597 = tpu.memref_squeeze %dma_wait3A_596 : memref<1x1x16x128xf32, #tpu.memory_space<vmem>> -> memref<16x128xf32, #tpu.memory_space<vmem>>
      %dma_wait3A_598 = arith.constant 0 : i32
      %dma_wait3A_599 = arith.constant 0 : i32
      %dma_wait3A_600 = tpu.memref_slice %arg5[%dma_wait3A_598, %dma_wait3A_599] : memref<16x1000000xf32, #tpu.memory_space<hbm>> -> memref<16x128xf32, #tpu.memory_space<hbm>>
      tpu.wait_dma2 semaphore(%arg13 : memref<!tpu.dma_semaphore, #tpu.memory_space<semaphore_mem>>) src(%dma_wait3A_600 : memref<16x128xf32, #tpu.memory_space<hbm>>) dst(%dma_wait3A_597 : memref<16x128xf32, #tpu.memory_space<vmem>>)
      %dma_wait3A_601 = arith.constant 2 : i32
      %dma_wait3A_602 = arith.constant 0 : i32
      %dma_wait3A_603 = arith.constant 0 : i32
      %dma_wait3A_604 = tpu.memref_slice %arg9[%rem3A_567, %dma_wait3A_601, %dma_wait3A_602, %dma_wait3A_603] : memref<2x16x16x128xf32, #tpu.memory_space<vmem>> -> memref<1x1x16x128xf32, #tpu.memory_space<vmem>>
      %dma_wait3A_605 = tpu.memref_squeeze %dma_wait3A_604 : memref<1x1x16x128xf32, #tpu.memory_space<vmem>> -> memref<16x128xf32, #tpu.memory_space<vmem>>
      %dma_wait3A_606 = arith.constant 0 : i32
      %dma_wait3A_607 = arith.constant 0 : i32
      %dma_wait3A_608 = tpu.memref_slice %arg5[%dma_wait3A_606, %dma_wait3A_607] : memref<16x1000000xf32, #tpu.memory_space<hbm>> -> memref<16x128xf32, #tpu.memory_space<hbm>>
      %dma_wait3A_609 = arith.constant 0 : i32
      %dma_wait3A_610 = arith.constant 0 : i32
      %dma_wait3A_611 = tpu.memref_slice %arg9[%rem3A_567, %dma_wait3A_601, %dma_wait3A_609, %dma_wait3A_610] : memref<2x16x16x128xf32, #tpu.memory_space<vmem>> -> memref<1x1x16x128xf32, #tpu.memory_space<vmem>>
      %dma_wait3A_612 = tpu.memref_squeeze %dma_wait3A_611 : memref<1x1x16x128xf32, #tpu.memory_space<vmem>> -> memref<16x128xf32, #tpu.memory_space<vmem>>
      %dma_wait3A_613 = arith.constant 0 : i32
      %dma_wait3A_614 = arith.constant 0 : i32
      %dma_wait3A_615 = tpu.memref_slice %arg5[%dma_wait3A_613, %dma_wait3A_614] : memref<16x1000000xf32, #tpu.memory_space<hbm>> -> memref<16x128xf32, #tpu.memory_space<hbm>>
      tpu.wait_dma2 semaphore(%arg13 : memref<!tpu.dma_semaphore, #tpu.memory_space<semaphore_mem>>) src(%dma_wait3A_615 : memref<16x128xf32, #tpu.memory_space<hbm>>) dst(%dma_wait3A_612 : memref<16x128xf32, #tpu.memory_space<vmem>>)
      %dma_wait3A_616 = arith.constant 3 : i32
      %dma_wait3A_617 = arith.constant 0 : i32
      %dma_wait3A_618 = arith.constant 0 : i32
      %dma_wait3A_619 = tpu.memref_slice %arg9[%rem3A_567, %dma_wait3A_616, %dma_wait3A_617, %dma_wait3A_618] : memref<2x16x16x128xf32, #tpu.memory_space<vmem>> -> memref<1x1x16x128xf32, #tpu.memory_space<vmem>>
      %dma_wait3A_620 = tpu.memref_squeeze %dma_wait3A_619 : memref<1x1x16x128xf32, #tpu.memory_space<vmem>> -> memref<16x128xf32, #tpu.memory_space<vmem>>
      %dma_wait3A_621 = arith.constant 0 : i32
      %dma_wait3A_622 = arith.constant 0 : i32
      %dma_wait3A_623 = tpu.memref_slice %arg5[%dma_wait3A_621, %dma_wait3A_622] : memref<16x1000000xf32, #tpu.memory_space<hbm>> -> memref<16x128xf32, #tpu.memory_space<hbm>>
      %dma_wait3A_624 = arith.constant 0 : i32
      %dma_wait3A_625 = arith.constant 0 : i32
      %dma_wait3A_626 = tpu.memref_slice %arg9[%rem3A_567, %dma_wait3A_616, %dma_wait3A_624, %dma_wait3A_625] : memref<2x16x16x128xf32, #tpu.memory_space<vmem>> -> memref<1x1x16x128xf32, #tpu.memory_space<vmem>>
      %dma_wait3A_627 = tpu.memref_squeeze %dma_wait3A_626 : memref<1x1x16x128xf32, #tpu.memory_space<vmem>> -> memref<16x128xf32, #tpu.memory_space<vmem>>
      %dma_wait3A_628 = arith.constant 0 : i32
      %dma_wait3A_629 = arith.constant 0 : i32
      %dma_wait3A_630 = tpu.memref_slice %arg5[%dma_wait3A_628, %dma_wait3A_629] : memref<16x1000000xf32, #tpu.memory_space<hbm>> -> memref<16x128xf32, #tpu.memory_space<hbm>>
      tpu.wait_dma2 semaphore(%arg13 : memref<!tpu.dma_semaphore, #tpu.memory_space<semaphore_mem>>) src(%dma_wait3A_630 : memref<16x128xf32, #tpu.memory_space<hbm>>) dst(%dma_wait3A_627 : memref<16x128xf32, #tpu.memory_space<vmem>>)
      %dma_wait3A_631 = arith.constant 4 : i32
      %dma_wait3A_632 = arith.constant 0 : i32
      %dma_wait3A_633 = arith.constant 0 : i32
      %dma_wait3A_634 = tpu.memref_slice %arg9[%rem3A_567, %dma_wait3A_631, %dma_wait3A_632, %dma_wait3A_633] : memref<2x16x16x128xf32, #tpu.memory_space<vmem>> -> memref<1x1x16x128xf32, #tpu.memory_space<vmem>>
      %dma_wait3A_635 = tpu.memref_squeeze %dma_wait3A_634 : memref<1x1x16x128xf32, #tpu.memory_space<vmem>> -> memref<16x128xf32, #tpu.memory_space<vmem>>
      %dma_wait3A_636 = arith.constant 0 : i32
      %dma_wait3A_637 = arith.constant 0 : i32
      %dma_wait3A_638 = tpu.memref_slice %arg5[%dma_wait3A_636, %dma_wait3A_637] : memref<16x1000000xf32, #tpu.memory_space<hbm>> -> memref<16x128xf32, #tpu.memory_space<hbm>>
      %dma_wait3A_639 = arith.constant 0 : i32
      %dma_wait3A_640 = arith.constant 0 : i32
      %dma_wait3A_641 = tpu.memref_slice %arg9[%rem3A_567, %dma_wait3A_631, %dma_wait3A_639, %dma_wait3A_640] : memref<2x16x16x128xf32, #tpu.memory_space<vmem>> -> memref<1x1x16x128xf32, #tpu.memory_space<vmem>>
      %dma_wait3A_642 = tpu.memref_squeeze %dma_wait3A_641 : memref<1x1x16x128xf32, #tpu.memory_space<vmem>> -> memref<16x128xf32, #tpu.memory_space<vmem>>
      %dma_wait3A_643 = arith.constant 0 : i32
      %dma_wait3A_644 = arith.constant 0 : i32
      %dma_wait3A_645 = tpu.memref_slice %arg5[%dma_wait3A_643, %dma_wait3A_644] : memref<16x1000000xf32, #tpu.memory_space<hbm>> -> memref<16x128xf32, #tpu.memory_space<hbm>>
      tpu.wait_dma2 semaphore(%arg13 : memref<!tpu.dma_semaphore, #tpu.memory_space<semaphore_mem>>) src(%dma_wait3A_645 : memref<16x128xf32, #tpu.memory_space<hbm>>) dst(%dma_wait3A_642 : memref<16x128xf32, #tpu.memory_space<vmem>>)
      %dma_wait3A_646 = arith.constant 5 : i32
      %dma_wait3A_647 = arith.constant 0 : i32
      %dma_wait3A_648 = arith.constant 0 : i32
      %dma_wait3A_649 = tpu.memref_slice %arg9[%rem3A_567, %dma_wait3A_646, %dma_wait3A_647, %dma_wait3A_648] : memref<2x16x16x128xf32, #tpu.memory_space<vmem>> -> memref<1x1x16x128xf32, #tpu.memory_space<vmem>>
      %dma_wait3A_650 = tpu.memref_squeeze %dma_wait3A_649 : memref<1x1x16x128xf32, #tpu.memory_space<vmem>> -> memref<16x128xf32, #tpu.memory_space<vmem>>
      %dma_wait3A_651 = arith.constant 0 : i32
      %dma_wait3A_652 = arith.constant 0 : i32
      %dma_wait3A_653 = tpu.memref_slice %arg5[%dma_wait3A_651, %dma_wait3A_652] : memref<16x1000000xf32, #tpu.memory_space<hbm>> -> memref<16x128xf32, #tpu.memory_space<hbm>>
      %dma_wait3A_654 = arith.constant 0 : i32
      %dma_wait3A_655 = arith.constant 0 : i32
      %dma_wait3A_656 = tpu.memref_slice %arg9[%rem3A_567, %dma_wait3A_646, %dma_wait3A_654, %dma_wait3A_655] : memref<2x16x16x128xf32, #tpu.memory_space<vmem>> -> memref<1x1x16x128xf32, #tpu.memory_space<vmem>>
      %dma_wait3A_657 = tpu.memref_squeeze %dma_wait3A_656 : memref<1x1x16x128xf32, #tpu.memory_space<vmem>> -> memref<16x128xf32, #tpu.memory_space<vmem>>
      %dma_wait3A_658 = arith.constant 0 : i32
      %dma_wait3A_659 = arith.constant 0 : i32
      %dma_wait3A_660 = tpu.memref_slice %arg5[%dma_wait3A_658, %dma_wait3A_659] : memref<16x1000000xf32, #tpu.memory_space<hbm>> -> memref<16x128xf32, #tpu.memory_space<hbm>>
      tpu.wait_dma2 semaphore(%arg13 : memref<!tpu.dma_semaphore, #tpu.memory_space<semaphore_mem>>) src(%dma_wait3A_660 : memref<16x128xf32, #tpu.memory_space<hbm>>) dst(%dma_wait3A_657 : memref<16x128xf32, #tpu.memory_space<vmem>>)
      %dma_wait3A_661 = arith.constant 6 : i32
      %dma_wait3A_662 = arith.constant 0 : i32
      %dma_wait3A_663 = arith.constant 0 : i32
      %dma_wait3A_664 = tpu.memref_slice %arg9[%rem3A_567, %dma_wait3A_661, %dma_wait3A_662, %dma_wait3A_663] : memref<2x16x16x128xf32, #tpu.memory_space<vmem>> -> memref<1x1x16x128xf32, #tpu.memory_space<vmem>>
      %dma_wait3A_665 = tpu.memref_squeeze %dma_wait3A_664 : memref<1x1x16x128xf32, #tpu.memory_space<vmem>> -> memref<16x128xf32, #tpu.memory_space<vmem>>
      %dma_wait3A_666 = arith.constant 0 : i32
      %dma_wait3A_667 = arith.constant 0 : i32
      %dma_wait3A_668 = tpu.memref_slice %arg5[%dma_wait3A_666, %dma_wait3A_667] : memref<16x1000000xf32, #tpu.memory_space<hbm>> -> memref<16x128xf32, #tpu.memory_space<hbm>>
      %dma_wait3A_669 = arith.constant 0 : i32
      %dma_wait3A_670 = arith.constant 0 : i32
      %dma_wait3A_671 = tpu.memref_slice %arg9[%rem3A_567, %dma_wait3A_661, %dma_wait3A_669, %dma_wait3A_670] : memref<2x16x16x128xf32, #tpu.memory_space<vmem>> -> memref<1x1x16x128xf32, #tpu.memory_space<vmem>>
      %dma_wait3A_672 = tpu.memref_squeeze %dma_wait3A_671 : memref<1x1x16x128xf32, #tpu.memory_space<vmem>> -> memref<16x128xf32, #tpu.memory_space<vmem>>
      %dma_wait3A_673 = arith.constant 0 : i32
      %dma_wait3A_674 = arith.constant 0 : i32
      %dma_wait3A_675 = tpu.memref_slice %arg5[%dma_wait3A_673, %dma_wait3A_674] : memref<16x1000000xf32, #tpu.memory_space<hbm>> -> memref<16x128xf32, #tpu.memory_space<hbm>>
      tpu.wait_dma2 semaphore(%arg13 : memref<!tpu.dma_semaphore, #tpu.memory_space<semaphore_mem>>) src(%dma_wait3A_675 : memref<16x128xf32, #tpu.memory_space<hbm>>) dst(%dma_wait3A_672 : memref<16x128xf32, #tpu.memory_space<vmem>>)
      %dma_wait3A_676 = arith.constant 7 : i32
      %dma_wait3A_677 = arith.constant 0 : i32
      %dma_wait3A_678 = arith.constant 0 : i32
      %dma_wait3A_679 = tpu.memref_slice %arg9[%rem3A_567, %dma_wait3A_676, %dma_wait3A_677, %dma_wait3A_678] : memref<2x16x16x128xf32, #tpu.memory_space<vmem>> -> memref<1x1x16x128xf32, #tpu.memory_space<vmem>>
      %dma_wait3A_680 = tpu.memref_squeeze %dma_wait3A_679 : memref<1x1x16x128xf32, #tpu.memory_space<vmem>> -> memref<16x128xf32, #tpu.memory_space<vmem>>
      %dma_wait3A_681 = arith.constant 0 : i32
      %dma_wait3A_682 = arith.constant 0 : i32
      %dma_wait3A_683 = tpu.memref_slice %arg5[%dma_wait3A_681, %dma_wait3A_682] : memref<16x1000000xf32, #tpu.memory_space<hbm>> -> memref<16x128xf32, #tpu.memory_space<hbm>>
      %dma_wait3A_684 = arith.constant 0 : i32
      %dma_wait3A_685 = arith.constant 0 : i32
      %dma_wait3A_686 = tpu.memref_slice %arg9[%rem3A_567, %dma_wait3A_676, %dma_wait3A_684, %dma_wait3A_685] : memref<2x16x16x128xf32, #tpu.memory_space<vmem>> -> memref<1x1x16x128xf32, #tpu.memory_space<vmem>>
      %dma_wait3A_687 = tpu.memref_squeeze %dma_wait3A_686 : memref<1x1x16x128xf32, #tpu.memory_space<vmem>> -> memref<16x128xf32, #tpu.memory_space<vmem>>
      %dma_wait3A_688 = arith.constant 0 : i32
      %dma_wait3A_689 = arith.constant 0 : i32
      %dma_wait3A_690 = tpu.memref_slice %arg5[%dma_wait3A_688, %dma_wait3A_689] : memref<16x1000000xf32, #tpu.memory_space<hbm>> -> memref<16x128xf32, #tpu.memory_space<hbm>>
      tpu.wait_dma2 semaphore(%arg13 : memref<!tpu.dma_semaphore, #tpu.memory_space<semaphore_mem>>) src(%dma_wait3A_690 : memref<16x128xf32, #tpu.memory_space<hbm>>) dst(%dma_wait3A_687 : memref<16x128xf32, #tpu.memory_space<vmem>>)
      %dma_wait3A_691 = arith.constant 8 : i32
      %dma_wait3A_692 = arith.constant 0 : i32
      %dma_wait3A_693 = arith.constant 0 : i32
      %dma_wait3A_694 = tpu.memref_slice %arg9[%rem3A_567, %dma_wait3A_691, %dma_wait3A_692, %dma_wait3A_693] : memref<2x16x16x128xf32, #tpu.memory_space<vmem>> -> memref<1x1x16x128xf32, #tpu.memory_space<vmem>>
      %dma_wait3A_695 = tpu.memref_squeeze %dma_wait3A_694 : memref<1x1x16x128xf32, #tpu.memory_space<vmem>> -> memref<16x128xf32, #tpu.memory_space<vmem>>
      %dma_wait3A_696 = arith.constant 0 : i32
      %dma_wait3A_697 = arith.constant 0 : i32
      %dma_wait3A_698 = tpu.memref_slice %arg5[%dma_wait3A_696, %dma_wait3A_697] : memref<16x1000000xf32, #tpu.memory_space<hbm>> -> memref<16x128xf32, #tpu.memory_space<hbm>>
      %dma_wait3A_699 = arith.constant 0 : i32
      %dma_wait3A_700 = arith.constant 0 : i32
      %dma_wait3A_701 = tpu.memref_slice %arg9[%rem3A_567, %dma_wait3A_691, %dma_wait3A_699, %dma_wait3A_700] : memref<2x16x16x128xf32, #tpu.memory_space<vmem>> -> memref<1x1x16x128xf32, #tpu.memory_space<vmem>>
      %dma_wait3A_702 = tpu.memref_squeeze %dma_wait3A_701 : memref<1x1x16x128xf32, #tpu.memory_space<vmem>> -> memref<16x128xf32, #tpu.memory_space<vmem>>
      %dma_wait3A_703 = arith.constant 0 : i32
      %dma_wait3A_704 = arith.constant 0 : i32
      %dma_wait3A_705 = tpu.memref_slice %arg5[%dma_wait3A_703, %dma_wait3A_704] : memref<16x1000000xf32, #tpu.memory_space<hbm>> -> memref<16x128xf32, #tpu.memory_space<hbm>>
      tpu.wait_dma2 semaphore(%arg13 : memref<!tpu.dma_semaphore, #tpu.memory_space<semaphore_mem>>) src(%dma_wait3A_705 : memref<16x128xf32, #tpu.memory_space<hbm>>) dst(%dma_wait3A_702 : memref<16x128xf32, #tpu.memory_space<vmem>>)
      %dma_wait3A_706 = arith.constant 9 : i32
      %dma_wait3A_707 = arith.constant 0 : i32
      %dma_wait3A_708 = arith.constant 0 : i32
      %dma_wait3A_709 = tpu.memref_slice %arg9[%rem3A_567, %dma_wait3A_706, %dma_wait3A_707, %dma_wait3A_708] : memref<2x16x16x128xf32, #tpu.memory_space<vmem>> -> memref<1x1x16x128xf32, #tpu.memory_space<vmem>>
      %dma_wait3A_710 = tpu.memref_squeeze %dma_wait3A_709 : memref<1x1x16x128xf32, #tpu.memory_space<vmem>> -> memref<16x128xf32, #tpu.memory_space<vmem>>
      %dma_wait3A_711 = arith.constant 0 : i32
      %dma_wait3A_712 = arith.constant 0 : i32
      %dma_wait3A_713 = tpu.memref_slice %arg5[%dma_wait3A_711, %dma_wait3A_712] : memref<16x1000000xf32, #tpu.memory_space<hbm>> -> memref<16x128xf32, #tpu.memory_space<hbm>>
      %dma_wait3A_714 = arith.constant 0 : i32
      %dma_wait3A_715 = arith.constant 0 : i32
      %dma_wait3A_716 = tpu.memref_slice %arg9[%rem3A_567, %dma_wait3A_706, %dma_wait3A_714, %dma_wait3A_715] : memref<2x16x16x128xf32, #tpu.memory_space<vmem>> -> memref<1x1x16x128xf32, #tpu.memory_space<vmem>>
      %dma_wait3A_717 = tpu.memref_squeeze %dma_wait3A_716 : memref<1x1x16x128xf32, #tpu.memory_space<vmem>> -> memref<16x128xf32, #tpu.memory_space<vmem>>
      %dma_wait3A_718 = arith.constant 0 : i32
      %dma_wait3A_719 = arith.constant 0 : i32
      %dma_wait3A_720 = tpu.memref_slice %arg5[%dma_wait3A_718, %dma_wait3A_719] : memref<16x1000000xf32, #tpu.memory_space<hbm>> -> memref<16x128xf32, #tpu.memory_space<hbm>>
      tpu.wait_dma2 semaphore(%arg13 : memref<!tpu.dma_semaphore, #tpu.memory_space<semaphore_mem>>) src(%dma_wait3A_720 : memref<16x128xf32, #tpu.memory_space<hbm>>) dst(%dma_wait3A_717 : memref<16x128xf32, #tpu.memory_space<vmem>>)
      %dma_wait3A_721 = arith.constant 10 : i32
      %dma_wait3A_722 = arith.constant 0 : i32
      %dma_wait3A_723 = arith.constant 0 : i32
      %dma_wait3A_724 = tpu.memref_slice %arg9[%rem3A_567, %dma_wait3A_721, %dma_wait3A_722, %dma_wait3A_723] : memref<2x16x16x128xf32, #tpu.memory_space<vmem>> -> memref<1x1x16x128xf32, #tpu.memory_space<vmem>>
      %dma_wait3A_725 = tpu.memref_squeeze %dma_wait3A_724 : memref<1x1x16x128xf32, #tpu.memory_space<vmem>> -> memref<16x128xf32, #tpu.memory_space<vmem>>
      %dma_wait3A_726 = arith.constant 0 : i32
      %dma_wait3A_727 = arith.constant 0 : i32
      %dma_wait3A_728 = tpu.memref_slice %arg5[%dma_wait3A_726, %dma_wait3A_727] : memref<16x1000000xf32, #tpu.memory_space<hbm>> -> memref<16x128xf32, #tpu.memory_space<hbm>>
      %dma_wait3A_729 = arith.constant 0 : i32
      %dma_wait3A_730 = arith.constant 0 : i32
      %dma_wait3A_731 = tpu.memref_slice %arg9[%rem3A_567, %dma_wait3A_721, %dma_wait3A_729, %dma_wait3A_730] : memref<2x16x16x128xf32, #tpu.memory_space<vmem>> -> memref<1x1x16x128xf32, #tpu.memory_space<vmem>>
      %dma_wait3A_732 = tpu.memref_squeeze %dma_wait3A_731 : memref<1x1x16x128xf32, #tpu.memory_space<vmem>> -> memref<16x128xf32, #tpu.memory_space<vmem>>
      %dma_wait3A_733 = arith.constant 0 : i32
      %dma_wait3A_734 = arith.constant 0 : i32
      %dma_wait3A_735 = tpu.memref_slice %arg5[%dma_wait3A_733, %dma_wait3A_734] : memref<16x1000000xf32, #tpu.memory_space<hbm>> -> memref<16x128xf32, #tpu.memory_space<hbm>>
      tpu.wait_dma2 semaphore(%arg13 : memref<!tpu.dma_semaphore, #tpu.memory_space<semaphore_mem>>) src(%dma_wait3A_735 : memref<16x128xf32, #tpu.memory_space<hbm>>) dst(%dma_wait3A_732 : memref<16x128xf32, #tpu.memory_space<vmem>>)
      %dma_wait3A_736 = arith.constant 11 : i32
      %dma_wait3A_737 = arith.constant 0 : i32
      %dma_wait3A_738 = arith.constant 0 : i32
      %dma_wait3A_739 = tpu.memref_slice %arg9[%rem3A_567, %dma_wait3A_736, %dma_wait3A_737, %dma_wait3A_738] : memref<2x16x16x128xf32, #tpu.memory_space<vmem>> -> memref<1x1x16x128xf32, #tpu.memory_space<vmem>>
      %dma_wait3A_740 = tpu.memref_squeeze %dma_wait3A_739 : memref<1x1x16x128xf32, #tpu.memory_space<vmem>> -> memref<16x128xf32, #tpu.memory_space<vmem>>
      %dma_wait3A_741 = arith.constant 0 : i32
      %dma_wait3A_742 = arith.constant 0 : i32
      %dma_wait3A_743 = tpu.memref_slice %arg5[%dma_wait3A_741, %dma_wait3A_742] : memref<16x1000000xf32, #tpu.memory_space<hbm>> -> memref<16x128xf32, #tpu.memory_space<hbm>>
      %dma_wait3A_744 = arith.constant 0 : i32
      %dma_wait3A_745 = arith.constant 0 : i32
      %dma_wait3A_746 = tpu.memref_slice %arg9[%rem3A_567, %dma_wait3A_736, %dma_wait3A_744, %dma_wait3A_745] : memref<2x16x16x128xf32, #tpu.memory_space<vmem>> -> memref<1x1x16x128xf32, #tpu.memory_space<vmem>>
      %dma_wait3A_747 = tpu.memref_squeeze %dma_wait3A_746 : memref<1x1x16x128xf32, #tpu.memory_space<vmem>> -> memref<16x128xf32, #tpu.memory_space<vmem>>
      %dma_wait3A_748 = arith.constant 0 : i32
      %dma_wait3A_749 = arith.constant 0 : i32
      %dma_wait3A_750 = tpu.memref_slice %arg5[%dma_wait3A_748, %dma_wait3A_749] : memref<16x1000000xf32, #tpu.memory_space<hbm>> -> memref<16x128xf32, #tpu.memory_space<hbm>>
      tpu.wait_dma2 semaphore(%arg13 : memref<!tpu.dma_semaphore, #tpu.memory_space<semaphore_mem>>) src(%dma_wait3A_750 : memref<16x128xf32, #tpu.memory_space<hbm>>) dst(%dma_wait3A_747 : memref<16x128xf32, #tpu.memory_space<vmem>>)
      %dma_wait3A_751 = arith.constant 12 : i32
      %dma_wait3A_752 = arith.constant 0 : i32
      %dma_wait3A_753 = arith.constant 0 : i32
      %dma_wait3A_754 = tpu.memref_slice %arg9[%rem3A_567, %dma_wait3A_751, %dma_wait3A_752, %dma_wait3A_753] : memref<2x16x16x128xf32, #tpu.memory_space<vmem>> -> memref<1x1x16x128xf32, #tpu.memory_space<vmem>>
      %dma_wait3A_755 = tpu.memref_squeeze %dma_wait3A_754 : memref<1x1x16x128xf32, #tpu.memory_space<vmem>> -> memref<16x128xf32, #tpu.memory_space<vmem>>
      %dma_wait3A_756 = arith.constant 0 : i32
      %dma_wait3A_757 = arith.constant 0 : i32
      %dma_wait3A_758 = tpu.memref_slice %arg5[%dma_wait3A_756, %dma_wait3A_757] : memref<16x1000000xf32, #tpu.memory_space<hbm>> -> memref<16x128xf32, #tpu.memory_space<hbm>>
      %dma_wait3A_759 = arith.constant 0 : i32
      %dma_wait3A_760 = arith.constant 0 : i32
      %dma_wait3A_761 = tpu.memref_slice %arg9[%rem3A_567, %dma_wait3A_751, %dma_wait3A_759, %dma_wait3A_760] : memref<2x16x16x128xf32, #tpu.memory_space<vmem>> -> memref<1x1x16x128xf32, #tpu.memory_space<vmem>>
      %dma_wait3A_762 = tpu.memref_squeeze %dma_wait3A_761 : memref<1x1x16x128xf32, #tpu.memory_space<vmem>> -> memref<16x128xf32, #tpu.memory_space<vmem>>
      %dma_wait3A_763 = arith.constant 0 : i32
      %dma_wait3A_764 = arith.constant 0 : i32
      %dma_wait3A_765 = tpu.memref_slice %arg5[%dma_wait3A_763, %dma_wait3A_764] : memref<16x1000000xf32, #tpu.memory_space<hbm>> -> memref<16x128xf32, #tpu.memory_space<hbm>>
      tpu.wait_dma2 semaphore(%arg13 : memref<!tpu.dma_semaphore, #tpu.memory_space<semaphore_mem>>) src(%dma_wait3A_765 : memref<16x128xf32, #tpu.memory_space<hbm>>) dst(%dma_wait3A_762 : memref<16x128xf32, #tpu.memory_space<vmem>>)
      %dma_wait3A_766 = arith.constant 13 : i32
      %dma_wait3A_767 = arith.constant 0 : i32
      %dma_wait3A_768 = arith.constant 0 : i32
      %dma_wait3A_769 = tpu.memref_slice %arg9[%rem3A_567, %dma_wait3A_766, %dma_wait3A_767, %dma_wait3A_768] : memref<2x16x16x128xf32, #tpu.memory_space<vmem>> -> memref<1x1x16x128xf32, #tpu.memory_space<vmem>>
      %dma_wait3A_770 = tpu.memref_squeeze %dma_wait3A_769 : memref<1x1x16x128xf32, #tpu.memory_space<vmem>> -> memref<16x128xf32, #tpu.memory_space<vmem>>
      %dma_wait3A_771 = arith.constant 0 : i32
      %dma_wait3A_772 = arith.constant 0 : i32
      %dma_wait3A_773 = tpu.memref_slice %arg5[%dma_wait3A_771, %dma_wait3A_772] : memref<16x1000000xf32, #tpu.memory_space<hbm>> -> memref<16x128xf32, #tpu.memory_space<hbm>>
      %dma_wait3A_774 = arith.constant 0 : i32
      %dma_wait3A_775 = arith.constant 0 : i32
      %dma_wait3A_776 = tpu.memref_slice %arg9[%rem3A_567, %dma_wait3A_766, %dma_wait3A_774, %dma_wait3A_775] : memref<2x16x16x128xf32, #tpu.memory_space<vmem>> -> memref<1x1x16x128xf32, #tpu.memory_space<vmem>>
      %dma_wait3A_777 = tpu.memref_squeeze %dma_wait3A_776 : memref<1x1x16x128xf32, #tpu.memory_space<vmem>> -> memref<16x128xf32, #tpu.memory_space<vmem>>
      %dma_wait3A_778 = arith.constant 0 : i32
      %dma_wait3A_779 = arith.constant 0 : i32
      %dma_wait3A_780 = tpu.memref_slice %arg5[%dma_wait3A_778, %dma_wait3A_779] : memref<16x1000000xf32, #tpu.memory_space<hbm>> -> memref<16x128xf32, #tpu.memory_space<hbm>>
      tpu.wait_dma2 semaphore(%arg13 : memref<!tpu.dma_semaphore, #tpu.memory_space<semaphore_mem>>) src(%dma_wait3A_780 : memref<16x128xf32, #tpu.memory_space<hbm>>) dst(%dma_wait3A_777 : memref<16x128xf32, #tpu.memory_space<vmem>>)
      %dma_wait3A_781 = arith.constant 14 : i32
      %dma_wait3A_782 = arith.constant 0 : i32
      %dma_wait3A_783 = arith.constant 0 : i32
      %dma_wait3A_784 = tpu.memref_slice %arg9[%rem3A_567, %dma_wait3A_781, %dma_wait3A_782, %dma_wait3A_783] : memref<2x16x16x128xf32, #tpu.memory_space<vmem>> -> memref<1x1x16x128xf32, #tpu.memory_space<vmem>>
      %dma_wait3A_785 = tpu.memref_squeeze %dma_wait3A_784 : memref<1x1x16x128xf32, #tpu.memory_space<vmem>> -> memref<16x128xf32, #tpu.memory_space<vmem>>
      %dma_wait3A_786 = arith.constant 0 : i32
      %dma_wait3A_787 = arith.constant 0 : i32
      %dma_wait3A_788 = tpu.memref_slice %arg5[%dma_wait3A_786, %dma_wait3A_787] : memref<16x1000000xf32, #tpu.memory_space<hbm>> -> memref<16x128xf32, #tpu.memory_space<hbm>>
      %dma_wait3A_789 = arith.constant 0 : i32
      %dma_wait3A_790 = arith.constant 0 : i32
      %dma_wait3A_791 = tpu.memref_slice %arg9[%rem3A_567, %dma_wait3A_781, %dma_wait3A_789, %dma_wait3A_790] : memref<2x16x16x128xf32, #tpu.memory_space<vmem>> -> memref<1x1x16x128xf32, #tpu.memory_space<vmem>>
      %dma_wait3A_792 = tpu.memref_squeeze %dma_wait3A_791 : memref<1x1x16x128xf32, #tpu.memory_space<vmem>> -> memref<16x128xf32, #tpu.memory_space<vmem>>
      %dma_wait3A_793 = arith.constant 0 : i32
      %dma_wait3A_794 = arith.constant 0 : i32
      %dma_wait3A_795 = tpu.memref_slice %arg5[%dma_wait3A_793, %dma_wait3A_794] : memref<16x1000000xf32, #tpu.memory_space<hbm>> -> memref<16x128xf32, #tpu.memory_space<hbm>>
      tpu.wait_dma2 semaphore(%arg13 : memref<!tpu.dma_semaphore, #tpu.memory_space<semaphore_mem>>) src(%dma_wait3A_795 : memref<16x128xf32, #tpu.memory_space<hbm>>) dst(%dma_wait3A_792 : memref<16x128xf32, #tpu.memory_space<vmem>>)
      %dma_wait3A_796 = arith.constant 15 : i32
      %dma_wait3A_797 = arith.constant 0 : i32
      %dma_wait3A_798 = arith.constant 0 : i32
      %dma_wait3A_799 = tpu.memref_slice %arg9[%rem3A_567, %dma_wait3A_796, %dma_wait3A_797, %dma_wait3A_798] : memref<2x16x16x128xf32, #tpu.memory_space<vmem>> -> memref<1x1x16x128xf32, #tpu.memory_space<vmem>>
      %dma_wait3A_800 = tpu.memref_squeeze %dma_wait3A_799 : memref<1x1x16x128xf32, #tpu.memory_space<vmem>> -> memref<16x128xf32, #tpu.memory_space<vmem>>
      %dma_wait3A_801 = arith.constant 0 : i32
      %dma_wait3A_802 = arith.constant 0 : i32
      %dma_wait3A_803 = tpu.memref_slice %arg5[%dma_wait3A_801, %dma_wait3A_802] : memref<16x1000000xf32, #tpu.memory_space<hbm>> -> memref<16x128xf32, #tpu.memory_space<hbm>>
      %dma_wait3A_804 = arith.constant 0 : i32
      %dma_wait3A_805 = arith.constant 0 : i32
      %dma_wait3A_806 = tpu.memref_slice %arg9[%rem3A_567, %dma_wait3A_796, %dma_wait3A_804, %dma_wait3A_805] : memref<2x16x16x128xf32, #tpu.memory_space<vmem>> -> memref<1x1x16x128xf32, #tpu.memory_space<vmem>>
      %dma_wait3A_807 = tpu.memref_squeeze %dma_wait3A_806 : memref<1x1x16x128xf32, #tpu.memory_space<vmem>> -> memref<16x128xf32, #tpu.memory_space<vmem>>
      %dma_wait3A_808 = arith.constant 0 : i32
      %dma_wait3A_809 = arith.constant 0 : i32
      %dma_wait3A_810 = tpu.memref_slice %arg5[%dma_wait3A_808, %dma_wait3A_809] : memref<16x1000000xf32, #tpu.memory_space<hbm>> -> memref<16x128xf32, #tpu.memory_space<hbm>>
      tpu.wait_dma2 semaphore(%arg13 : memref<!tpu.dma_semaphore, #tpu.memory_space<semaphore_mem>>) src(%dma_wait3A_810 : memref<16x128xf32, #tpu.memory_space<hbm>>) dst(%dma_wait3A_807 : memref<16x128xf32, #tpu.memory_space<vmem>>)
      %mul3A_811 = arith.constant 16 : i32
      %mul3A_812 = arith.muli %scan3A_566, %mul3A_811 : i32
      %get3A_813 = arith.index_cast %mul3A_812 : i32 to index
      %get3A_814 = tpu.vector_load %arg8[%get3A_813] {strides = array<i32>} : memref<512xi32, #tpu.memory_space<vmem>>, vector<16xi32>,
      %and3A_815 = arith.constant 127 : i32
      %and3A_816 = vector.broadcast %and3A_815 : i32 to vector<16xi32>
      %and3A_817 = arith.andi %get3A_814, %and3A_816 : vector<16xi32>
      %broadcast_in_dim3A = vector.broadcast %rem3A_567 : i32 to vector<16xi32>
      %broadcast_in_dim3A_818 = arith.constant 0 : i32
      %broadcast_in_dim3A_819 = vector.broadcast %broadcast_in_dim3A_818 : i32 to vector<16xi32>
      %gather3A = tpu.vector_load_idx %arg9[%broadcast_in_dim3A, %iota3A, %broadcast_in_dim3A_819, %and3A_817] : memref<2x16x16x128xf32, #tpu.memory_space<vmem>>[vector<16xi32>, vector<16xi32>, vector<16xi32>, vector<16xi32>], vector<16xf32>,
      %mul3A_820 = arith.constant 16 : i32
      %mul3A_821 = arith.muli %scan3A_566, %mul3A_820 : i32
      %swap3A = arith.constant 0 : i32
      %swap3A_822 = arith.index_cast %swap3A : i32 to index
      %swap3A_823 = arith.index_cast %mul3A_821 : i32 to index
      %swap3A_824 = tpu.vector_load %arg11[%swap3A_822, %swap3A_823] {strides = array<i32>} : memref<16x512xf32, #tpu.memory_space<vmem>>, vector<16xf32>,
      tpu.vector_store %arg11[%swap3A_822, %swap3A_823], %gather3A {strides = array<i32>} : memref<16x512xf32, #tpu.memory_space<vmem>>, vector<16xf32>,
      %broadcast_in_dim3A_825 = arith.constant 1 : i32
      %broadcast_in_dim3A_826 = vector.broadcast %broadcast_in_dim3A_825 : i32 to vector<16xi32>
      %gather3A_827 = tpu.vector_load_idx %arg9[%broadcast_in_dim3A, %iota3A, %broadcast_in_dim3A_826, %and3A_817] : memref<2x16x16x128xf32, #tpu.memory_space<vmem>>[vector<16xi32>, vector<16xi32>, vector<16xi32>, vector<16xi32>], vector<16xf32>,
      %mul3A_828 = arith.constant 16 : i32
      %mul3A_829 = arith.muli %scan3A_566, %mul3A_828 : i32
      %swap3A_830 = arith.constant 1 : i32
      %swap3A_831 = arith.index_cast %swap3A_830 : i32 to index
      %swap3A_832 = arith.index_cast %mul3A_829 : i32 to index
      %swap3A_833 = tpu.vector_load %arg11[%swap3A_831, %swap3A_832] {strides = array<i32>} : memref<16x512xf32, #tpu.memory_space<vmem>>, vector<16xf32>,
      tpu.vector_store %arg11[%swap3A_831, %swap3A_832], %gather3A_827 {strides = array<i32>} : memref<16x512xf32, #tpu.memory_space<vmem>>, vector<16xf32>,
      %broadcast_in_dim3A_834 = arith.constant 2 : i32
      %broadcast_in_dim3A_835 = vector.broadcast %broadcast_in_dim3A_834 : i32 to vector<16xi32>
      %gather3A_836 = tpu.vector_load_idx %arg9[%broadcast_in_dim3A, %iota3A, %broadcast_in_dim3A_835, %and3A_817] : memref<2x16x16x128xf32, #tpu.memory_space<vmem>>[vector<16xi32>, vector<16xi32>, vector<16xi32>, vector<16xi32>], vector<16xf32>,
      %mul3A_837 = arith.constant 16 : i32
      %mul3A_838 = arith.muli %scan3A_566, %mul3A_837 : i32
      %swap3A_839 = arith.constant 2 : i32
      %swap3A_840 = arith.index_cast %swap3A_839 : i32 to index
      %swap3A_841 = arith.index_cast %mul3A_838 : i32 to index
      %swap3A_842 = tpu.vector_load %arg11[%swap3A_840, %swap3A_841] {strides = array<i32>} : memref<16x512xf32, #tpu.memory_space<vmem>>, vector<16xf32>,
      tpu.vector_store %arg11[%swap3A_840, %swap3A_841], %gather3A_836 {strides = array<i32>} : memref<16x512xf32, #tpu.memory_space<vmem>>, vector<16xf32>,
      %broadcast_in_dim3A_843 = arith.constant 3 : i32
      %broadcast_in_dim3A_844 = vector.broadcast %broadcast_in_dim3A_843 : i32 to vector<16xi32>
      %gather3A_845 = tpu.vector_load_idx %arg9[%broadcast_in_dim3A, %iota3A, %broadcast_in_dim3A_844, %and3A_817] : memref<2x16x16x128xf32, #tpu.memory_space<vmem>>[vector<16xi32>, vector<16xi32>, vector<16xi32>, vector<16xi32>], vector<16xf32>,
      %mul3A_846 = arith.constant 16 : i32
      %mul3A_847 = arith.muli %scan3A_566, %mul3A_846 : i32
      %swap3A_848 = arith.constant 3 : i32
      %swap3A_849 = arith.index_cast %swap3A_848 : i32 to index
      %swap3A_850 = arith.index_cast %mul3A_847 : i32 to index
      %swap3A_851 = tpu.vector_load %arg11[%swap3A_849, %swap3A_850] {strides = array<i32>} : memref<16x512xf32, #tpu.memory_space<vmem>>, vector<16xf32>,
      tpu.vector_store %arg11[%swap3A_849, %swap3A_850], %gather3A_845 {strides = array<i32>} : memref<16x512xf32, #tpu.memory_space<vmem>>, vector<16xf32>,
      %broadcast_in_dim3A_852 = arith.constant 4 : i32
      %broadcast_in_dim3A_853 = vector.broadcast %broadcast_in_dim3A_852 : i32 to vector<16xi32>
      %gather3A_854 = tpu.vector_load_idx %arg9[%broadcast_in_dim3A, %iota3A, %broadcast_in_dim3A_853, %and3A_817] : memref<2x16x16x128xf32, #tpu.memory_space<vmem>>[vector<16xi32>, vector<16xi32>, vector<16xi32>, vector<16xi32>], vector<16xf32>,
      %mul3A_855 = arith.constant 16 : i32
      %mul3A_856 = arith.muli %scan3A_566, %mul3A_855 : i32
      %swap3A_857 = arith.constant 4 : i32
      %swap3A_858 = arith.index_cast %swap3A_857 : i32 to index
      %swap3A_859 = arith.index_cast %mul3A_856 : i32 to index
      %swap3A_860 = tpu.vector_load %arg11[%swap3A_858, %swap3A_859] {strides = array<i32>} : memref<16x512xf32, #tpu.memory_space<vmem>>, vector<16xf32>,
      tpu.vector_store %arg11[%swap3A_858, %swap3A_859], %gather3A_854 {strides = array<i32>} : memref<16x512xf32, #tpu.memory_space<vmem>>, vector<16xf32>,
      %broadcast_in_dim3A_861 = arith.constant 5 : i32
      %broadcast_in_dim3A_862 = vector.broadcast %broadcast_in_dim3A_861 : i32 to vector<16xi32>
      %gather3A_863 = tpu.vector_load_idx %arg9[%broadcast_in_dim3A, %iota3A, %broadcast_in_dim3A_862, %and3A_817] : memref<2x16x16x128xf32, #tpu.memory_space<vmem>>[vector<16xi32>, vector<16xi32>, vector<16xi32>, vector<16xi32>], vector<16xf32>,
      %mul3A_864 = arith.constant 16 : i32
      %mul3A_865 = arith.muli %scan3A_566, %mul3A_864 : i32
      %swap3A_866 = arith.constant 5 : i32
      %swap3A_867 = arith.index_cast %swap3A_866 : i32 to index
      %swap3A_868 = arith.index_cast %mul3A_865 : i32 to index
      %swap3A_869 = tpu.vector_load %arg11[%swap3A_867, %swap3A_868] {strides = array<i32>} : memref<16x512xf32, #tpu.memory_space<vmem>>, vector<16xf32>,
      tpu.vector_store %arg11[%swap3A_867, %swap3A_868], %gather3A_863 {strides = array<i32>} : memref<16x512xf32, #tpu.memory_space<vmem>>, vector<16xf32>,
      %broadcast_in_dim3A_870 = arith.constant 6 : i32
      %broadcast_in_dim3A_871 = vector.broadcast %broadcast_in_dim3A_870 : i32 to vector<16xi32>
      %gather3A_872 = tpu.vector_load_idx %arg9[%broadcast_in_dim3A, %iota3A, %broadcast_in_dim3A_871, %and3A_817] : memref<2x16x16x128xf32, #tpu.memory_space<vmem>>[vector<16xi32>, vector<16xi32>, vector<16xi32>, vector<16xi32>], vector<16xf32>,
      %mul3A_873 = arith.constant 16 : i32
      %mul3A_874 = arith.muli %scan3A_566, %mul3A_873 : i32
      %swap3A_875 = arith.constant 6 : i32
      %swap3A_876 = arith.index_cast %swap3A_875 : i32 to index
      %swap3A_877 = arith.index_cast %mul3A_874 : i32 to index
      %swap3A_878 = tpu.vector_load %arg11[%swap3A_876, %swap3A_877] {strides = array<i32>} : memref<16x512xf32, #tpu.memory_space<vmem>>, vector<16xf32>,
      tpu.vector_store %arg11[%swap3A_876, %swap3A_877], %gather3A_872 {strides = array<i32>} : memref<16x512xf32, #tpu.memory_space<vmem>>, vector<16xf32>,
      %broadcast_in_dim3A_879 = arith.constant 7 : i32
      %broadcast_in_dim3A_880 = vector.broadcast %broadcast_in_dim3A_879 : i32 to vector<16xi32>
      %gather3A_881 = tpu.vector_load_idx %arg9[%broadcast_in_dim3A, %iota3A, %broadcast_in_dim3A_880, %and3A_817] : memref<2x16x16x128xf32, #tpu.memory_space<vmem>>[vector<16xi32>, vector<16xi32>, vector<16xi32>, vector<16xi32>], vector<16xf32>,
      %mul3A_882 = arith.constant 16 : i32
      %mul3A_883 = arith.muli %scan3A_566, %mul3A_882 : i32
      %swap3A_884 = arith.constant 7 : i32
      %swap3A_885 = arith.index_cast %swap3A_884 : i32 to index
      %swap3A_886 = arith.index_cast %mul3A_883 : i32 to index
      %swap3A_887 = tpu.vector_load %arg11[%swap3A_885, %swap3A_886] {strides = array<i32>} : memref<16x512xf32, #tpu.memory_space<vmem>>, vector<16xf32>,
      tpu.vector_store %arg11[%swap3A_885, %swap3A_886], %gather3A_881 {strides = array<i32>} : memref<16x512xf32, #tpu.memory_space<vmem>>, vector<16xf32>,
      %broadcast_in_dim3A_888 = arith.constant 8 : i32
      %broadcast_in_dim3A_889 = vector.broadcast %broadcast_in_dim3A_888 : i32 to vector<16xi32>
      %gather3A_890 = tpu.vector_load_idx %arg9[%broadcast_in_dim3A, %iota3A, %broadcast_in_dim3A_889, %and3A_817] : memref<2x16x16x128xf32, #tpu.memory_space<vmem>>[vector<16xi32>, vector<16xi32>, vector<16xi32>, vector<16xi32>], vector<16xf32>,
      %mul3A_891 = arith.constant 16 : i32
      %mul3A_892 = arith.muli %scan3A_566, %mul3A_891 : i32
      %swap3A_893 = arith.constant 8 : i32
      %swap3A_894 = arith.index_cast %swap3A_893 : i32 to index
      %swap3A_895 = arith.index_cast %mul3A_892 : i32 to index
      %swap3A_896 = tpu.vector_load %arg11[%swap3A_894, %swap3A_895] {strides = array<i32>} : memref<16x512xf32, #tpu.memory_space<vmem>>, vector<16xf32>,
      tpu.vector_store %arg11[%swap3A_894, %swap3A_895], %gather3A_890 {strides = array<i32>} : memref<16x512xf32, #tpu.memory_space<vmem>>, vector<16xf32>,
      %broadcast_in_dim3A_897 = arith.constant 9 : i32
      %broadcast_in_dim3A_898 = vector.broadcast %broadcast_in_dim3A_897 : i32 to vector<16xi32>
      %gather3A_899 = tpu.vector_load_idx %arg9[%broadcast_in_dim3A, %iota3A, %broadcast_in_dim3A_898, %and3A_817] : memref<2x16x16x128xf32, #tpu.memory_space<vmem>>[vector<16xi32>, vector<16xi32>, vector<16xi32>, vector<16xi32>], vector<16xf32>,
      %mul3A_900 = arith.constant 16 : i32
      %mul3A_901 = arith.muli %scan3A_566, %mul3A_900 : i32
      %swap3A_902 = arith.constant 9 : i32
      %swap3A_903 = arith.index_cast %swap3A_902 : i32 to index
      %swap3A_904 = arith.index_cast %mul3A_901 : i32 to index
      %swap3A_905 = tpu.vector_load %arg11[%swap3A_903, %swap3A_904] {strides = array<i32>} : memref<16x512xf32, #tpu.memory_space<vmem>>, vector<16xf32>,
      tpu.vector_store %arg11[%swap3A_903, %swap3A_904], %gather3A_899 {strides = array<i32>} : memref<16x512xf32, #tpu.memory_space<vmem>>, vector<16xf32>,
      %broadcast_in_dim3A_906 = arith.constant 10 : i32
      %broadcast_in_dim3A_907 = vector.broadcast %broadcast_in_dim3A_906 : i32 to vector<16xi32>
      %gather3A_908 = tpu.vector_load_idx %arg9[%broadcast_in_dim3A, %iota3A, %broadcast_in_dim3A_907, %and3A_817] : memref<2x16x16x128xf32, #tpu.memory_space<vmem>>[vector<16xi32>, vector<16xi32>, vector<16xi32>, vector<16xi32>], vector<16xf32>,
      %mul3A_909 = arith.constant 16 : i32
      %mul3A_910 = arith.muli %scan3A_566, %mul3A_909 : i32
      %swap3A_911 = arith.constant 10 : i32
      %swap3A_912 = arith.index_cast %swap3A_911 : i32 to index
      %swap3A_913 = arith.index_cast %mul3A_910 : i32 to index
      %swap3A_914 = tpu.vector_load %arg11[%swap3A_912, %swap3A_913] {strides = array<i32>} : memref<16x512xf32, #tpu.memory_space<vmem>>, vector<16xf32>,
      tpu.vector_store %arg11[%swap3A_912, %swap3A_913], %gather3A_908 {strides = array<i32>} : memref<16x512xf32, #tpu.memory_space<vmem>>, vector<16xf32>,
      %broadcast_in_dim3A_915 = arith.constant 11 : i32
      %broadcast_in_dim3A_916 = vector.broadcast %broadcast_in_dim3A_915 : i32 to vector<16xi32>
      %gather3A_917 = tpu.vector_load_idx %arg9[%broadcast_in_dim3A, %iota3A, %broadcast_in_dim3A_916, %and3A_817] : memref<2x16x16x128xf32, #tpu.memory_space<vmem>>[vector<16xi32>, vector<16xi32>, vector<16xi32>, vector<16xi32>], vector<16xf32>,
      %mul3A_918 = arith.constant 16 : i32
      %mul3A_919 = arith.muli %scan3A_566, %mul3A_918 : i32
      %swap3A_920 = arith.constant 11 : i32
      %swap3A_921 = arith.index_cast %swap3A_920 : i32 to index
      %swap3A_922 = arith.index_cast %mul3A_919 : i32 to index
      %swap3A_923 = tpu.vector_load %arg11[%swap3A_921, %swap3A_922] {strides = array<i32>} : memref<16x512xf32, #tpu.memory_space<vmem>>, vector<16xf32>,
      tpu.vector_store %arg11[%swap3A_921, %swap3A_922], %gather3A_917 {strides = array<i32>} : memref<16x512xf32, #tpu.memory_space<vmem>>, vector<16xf32>,
      %broadcast_in_dim3A_924 = arith.constant 12 : i32
      %broadcast_in_dim3A_925 = vector.broadcast %broadcast_in_dim3A_924 : i32 to vector<16xi32>
      %gather3A_926 = tpu.vector_load_idx %arg9[%broadcast_in_dim3A, %iota3A, %broadcast_in_dim3A_925, %and3A_817] : memref<2x16x16x128xf32, #tpu.memory_space<vmem>>[vector<16xi32>, vector<16xi32>, vector<16xi32>, vector<16xi32>], vector<16xf32>,
      %mul3A_927 = arith.constant 16 : i32
      %mul3A_928 = arith.muli %scan3A_566, %mul3A_927 : i32
      %swap3A_929 = arith.constant 12 : i32
      %swap3A_930 = arith.index_cast %swap3A_929 : i32 to index
      %swap3A_931 = arith.index_cast %mul3A_928 : i32 to index
      %swap3A_932 = tpu.vector_load %arg11[%swap3A_930, %swap3A_931] {strides = array<i32>} : memref<16x512xf32, #tpu.memory_space<vmem>>, vector<16xf32>,
      tpu.vector_store %arg11[%swap3A_930, %swap3A_931], %gather3A_926 {strides = array<i32>} : memref<16x512xf32, #tpu.memory_space<vmem>>, vector<16xf32>,
      %broadcast_in_dim3A_933 = arith.constant 13 : i32
      %broadcast_in_dim3A_934 = vector.broadcast %broadcast_in_dim3A_933 : i32 to vector<16xi32>
      %gather3A_935 = tpu.vector_load_idx %arg9[%broadcast_in_dim3A, %iota3A, %broadcast_in_dim3A_934, %and3A_817] : memref<2x16x16x128xf32, #tpu.memory_space<vmem>>[vector<16xi32>, vector<16xi32>, vector<16xi32>, vector<16xi32>], vector<16xf32>,
      %mul3A_936 = arith.constant 16 : i32
      %mul3A_937 = arith.muli %scan3A_566, %mul3A_936 : i32
      %swap3A_938 = arith.constant 13 : i32
      %swap3A_939 = arith.index_cast %swap3A_938 : i32 to index
      %swap3A_940 = arith.index_cast %mul3A_937 : i32 to index
      %swap3A_941 = tpu.vector_load %arg11[%swap3A_939, %swap3A_940] {strides = array<i32>} : memref<16x512xf32, #tpu.memory_space<vmem>>, vector<16xf32>,
      tpu.vector_store %arg11[%swap3A_939, %swap3A_940], %gather3A_935 {strides = array<i32>} : memref<16x512xf32, #tpu.memory_space<vmem>>, vector<16xf32>,
      %broadcast_in_dim3A_942 = arith.constant 14 : i32
      %broadcast_in_dim3A_943 = vector.broadcast %broadcast_in_dim3A_942 : i32 to vector<16xi32>
      %gather3A_944 = tpu.vector_load_idx %arg9[%broadcast_in_dim3A, %iota3A, %broadcast_in_dim3A_943, %and3A_817] : memref<2x16x16x128xf32, #tpu.memory_space<vmem>>[vector<16xi32>, vector<16xi32>, vector<16xi32>, vector<16xi32>], vector<16xf32>,
      %mul3A_945 = arith.constant 16 : i32
      %mul3A_946 = arith.muli %scan3A_566, %mul3A_945 : i32
      %swap3A_947 = arith.constant 14 : i32
      %swap3A_948 = arith.index_cast %swap3A_947 : i32 to index
      %swap3A_949 = arith.index_cast %mul3A_946 : i32 to index
      %swap3A_950 = tpu.vector_load %arg11[%swap3A_948, %swap3A_949] {strides = array<i32>} : memref<16x512xf32, #tpu.memory_space<vmem>>, vector<16xf32>,
      tpu.vector_store %arg11[%swap3A_948, %swap3A_949], %gather3A_944 {strides = array<i32>} : memref<16x512xf32, #tpu.memory_space<vmem>>, vector<16xf32>,
      %broadcast_in_dim3A_951 = arith.constant 15 : i32
      %broadcast_in_dim3A_952 = vector.broadcast %broadcast_in_dim3A_951 : i32 to vector<16xi32>
      %gather3A_953 = tpu.vector_load_idx %arg9[%broadcast_in_dim3A, %iota3A, %broadcast_in_dim3A_952, %and3A_817] : memref<2x16x16x128xf32, #tpu.memory_space<vmem>>[vector<16xi32>, vector<16xi32>, vector<16xi32>, vector<16xi32>], vector<16xf32>,
      %mul3A_954 = arith.constant 16 : i32
      %mul3A_955 = arith.muli %scan3A_566, %mul3A_954 : i32
      %swap3A_956 = arith.constant 15 : i32
      %swap3A_957 = arith.index_cast %swap3A_956 : i32 to index
      %swap3A_958 = arith.index_cast %mul3A_955 : i32 to index
      %swap3A_959 = tpu.vector_load %arg11[%swap3A_957, %swap3A_958] {strides = array<i32>} : memref<16x512xf32, #tpu.memory_space<vmem>>, vector<16xf32>,
      tpu.vector_store %arg11[%swap3A_957, %swap3A_958], %gather3A_953 {strides = array<i32>} : memref<16x512xf32, #tpu.memory_space<vmem>>, vector<16xf32>,
    }
    %scan3A_559 = arith.constant 32 : i32
    %scan3A_560 = arith.constant 0 : i32
    %scan3A_561 = arith.constant 0 : i32
    %scan3A_562 = arith.constant 32 : i32
    %scan3A_563 = arith.addi %scan3A_561, %scan3A_562 : i32
    %scan3A_564 = arith.constant 1 : i32
    scf.for %scan3A_566 = %scan3A_561 to %scan3A_563 step %scan3A_564  : i32 {
      %broadcast_in_dim3A = arith.constant 0.000000e+00 : f32
      %broadcast_in_dim3A_567 = vector.broadcast %broadcast_in_dim3A : f32 to vector<16xf32>
      %mul3A_568 = arith.constant 16 : i32
      %mul3A_569 = arith.muli %scan3A_566, %mul3A_568 : i32
      %get3A_570 = arith.constant 0 : i32
      %get3A_571 = arith.index_cast %get3A_570 : i32 to index
      %get3A_572 = arith.index_cast %mul3A_569 : i32 to index
      %get3A_573 = tpu.vector_load %arg10[%get3A_571, %get3A_572] {strides = array<i32>} : memref<16x512xf32, #tpu.memory_space<vmem>>, vector<16xf32>,
      %mul3A_574 = arith.constant 16 : i32
      %mul3A_575 = arith.muli %scan3A_566, %mul3A_574 : i32
      %get3A_576 = arith.constant 0 : i32
      %get3A_577 = arith.index_cast %get3A_576 : i32 to index
      %get3A_578 = arith.index_cast %mul3A_575 : i32 to index
      %get3A_579 = tpu.vector_load %arg11[%get3A_577, %get3A_578] {strides = array<i32>} : memref<16x512xf32, #tpu.memory_space<vmem>>, vector<16xf32>,
      %mul3A_580 = arith.mulf %get3A_573, %get3A_579 : vector<16xf32>
      %add3A_581 = arith.addf %broadcast_in_dim3A_567, %mul3A_580 : vector<16xf32>
      %mul3A_582 = arith.constant 16 : i32
      %mul3A_583 = arith.muli %scan3A_566, %mul3A_582 : i32
      %get3A_584 = arith.constant 1 : i32
      %get3A_585 = arith.index_cast %get3A_584 : i32 to index
      %get3A_586 = arith.index_cast %mul3A_583 : i32 to index
      %get3A_587 = tpu.vector_load %arg10[%get3A_585, %get3A_586] {strides = array<i32>} : memref<16x512xf32, #tpu.memory_space<vmem>>, vector<16xf32>,
      %mul3A_588 = arith.constant 16 : i32
      %mul3A_589 = arith.muli %scan3A_566, %mul3A_588 : i32
      %get3A_590 = arith.constant 1 : i32
      %get3A_591 = arith.index_cast %get3A_590 : i32 to index
      %get3A_592 = arith.index_cast %mul3A_589 : i32 to index
      %get3A_593 = tpu.vector_load %arg11[%get3A_591, %get3A_592] {strides = array<i32>} : memref<16x512xf32, #tpu.memory_space<vmem>>, vector<16xf32>,
      %mul3A_594 = arith.mulf %get3A_587, %get3A_593 : vector<16xf32>
      %add3A_595 = arith.addf %add3A_581, %mul3A_594 : vector<16xf32>
      %mul3A_596 = arith.constant 16 : i32
      %mul3A_597 = arith.muli %scan3A_566, %mul3A_596 : i32
      %get3A_598 = arith.constant 2 : i32
      %get3A_599 = arith.index_cast %get3A_598 : i32 to index
      %get3A_600 = arith.index_cast %mul3A_597 : i32 to index
      %get3A_601 = tpu.vector_load %arg10[%get3A_599, %get3A_600] {strides = array<i32>} : memref<16x512xf32, #tpu.memory_space<vmem>>, vector<16xf32>,
      %mul3A_602 = arith.constant 16 : i32
      %mul3A_603 = arith.muli %scan3A_566, %mul3A_602 : i32
      %get3A_604 = arith.constant 2 : i32
      %get3A_605 = arith.index_cast %get3A_604 : i32 to index
      %get3A_606 = arith.index_cast %mul3A_603 : i32 to index
      %get3A_607 = tpu.vector_load %arg11[%get3A_605, %get3A_606] {strides = array<i32>} : memref<16x512xf32, #tpu.memory_space<vmem>>, vector<16xf32>,
      %mul3A_608 = arith.mulf %get3A_601, %get3A_607 : vector<16xf32>
      %add3A_609 = arith.addf %add3A_595, %mul3A_608 : vector<16xf32>
      %mul3A_610 = arith.constant 16 : i32
      %mul3A_611 = arith.muli %scan3A_566, %mul3A_610 : i32
      %get3A_612 = arith.constant 3 : i32
      %get3A_613 = arith.index_cast %get3A_612 : i32 to index
      %get3A_614 = arith.index_cast %mul3A_611 : i32 to index
      %get3A_615 = tpu.vector_load %arg10[%get3A_613, %get3A_614] {strides = array<i32>} : memref<16x512xf32, #tpu.memory_space<vmem>>, vector<16xf32>,
      %mul3A_616 = arith.constant 16 : i32
      %mul3A_617 = arith.muli %scan3A_566, %mul3A_616 : i32
      %get3A_618 = arith.constant 3 : i32
      %get3A_619 = arith.index_cast %get3A_618 : i32 to index
      %get3A_620 = arith.index_cast %mul3A_617 : i32 to index
      %get3A_621 = tpu.vector_load %arg11[%get3A_619, %get3A_620] {strides = array<i32>} : memref<16x512xf32, #tpu.memory_space<vmem>>, vector<16xf32>,
      %mul3A_622 = arith.mulf %get3A_615, %get3A_621 : vector<16xf32>
      %add3A_623 = arith.addf %add3A_609, %mul3A_622 : vector<16xf32>
      %mul3A_624 = arith.constant 16 : i32
      %mul3A_625 = arith.muli %scan3A_566, %mul3A_624 : i32
      %get3A_626 = arith.constant 4 : i32
      %get3A_627 = arith.index_cast %get3A_626 : i32 to index
      %get3A_628 = arith.index_cast %mul3A_625 : i32 to index
      %get3A_629 = tpu.vector_load %arg10[%get3A_627, %get3A_628] {strides = array<i32>} : memref<16x512xf32, #tpu.memory_space<vmem>>, vector<16xf32>,
      %mul3A_630 = arith.constant 16 : i32
      %mul3A_631 = arith.muli %scan3A_566, %mul3A_630 : i32
      %get3A_632 = arith.constant 4 : i32
      %get3A_633 = arith.index_cast %get3A_632 : i32 to index
      %get3A_634 = arith.index_cast %mul3A_631 : i32 to index
      %get3A_635 = tpu.vector_load %arg11[%get3A_633, %get3A_634] {strides = array<i32>} : memref<16x512xf32, #tpu.memory_space<vmem>>, vector<16xf32>,
      %mul3A_636 = arith.mulf %get3A_629, %get3A_635 : vector<16xf32>
      %add3A_637 = arith.addf %add3A_623, %mul3A_636 : vector<16xf32>
      %mul3A_638 = arith.constant 16 : i32
      %mul3A_639 = arith.muli %scan3A_566, %mul3A_638 : i32
      %get3A_640 = arith.constant 5 : i32
      %get3A_641 = arith.index_cast %get3A_640 : i32 to index
      %get3A_642 = arith.index_cast %mul3A_639 : i32 to index
      %get3A_643 = tpu.vector_load %arg10[%get3A_641, %get3A_642] {strides = array<i32>} : memref<16x512xf32, #tpu.memory_space<vmem>>, vector<16xf32>,
      %mul3A_644 = arith.constant 16 : i32
      %mul3A_645 = arith.muli %scan3A_566, %mul3A_644 : i32
      %get3A_646 = arith.constant 5 : i32
      %get3A_647 = arith.index_cast %get3A_646 : i32 to index
      %get3A_648 = arith.index_cast %mul3A_645 : i32 to index
      %get3A_649 = tpu.vector_load %arg11[%get3A_647, %get3A_648] {strides = array<i32>} : memref<16x512xf32, #tpu.memory_space<vmem>>, vector<16xf32>,
      %mul3A_650 = arith.mulf %get3A_643, %get3A_649 : vector<16xf32>
      %add3A_651 = arith.addf %add3A_637, %mul3A_650 : vector<16xf32>
      %mul3A_652 = arith.constant 16 : i32
      %mul3A_653 = arith.muli %scan3A_566, %mul3A_652 : i32
      %get3A_654 = arith.constant 6 : i32
      %get3A_655 = arith.index_cast %get3A_654 : i32 to index
      %get3A_656 = arith.index_cast %mul3A_653 : i32 to index
      %get3A_657 = tpu.vector_load %arg10[%get3A_655, %get3A_656] {strides = array<i32>} : memref<16x512xf32, #tpu.memory_space<vmem>>, vector<16xf32>,
      %mul3A_658 = arith.constant 16 : i32
      %mul3A_659 = arith.muli %scan3A_566, %mul3A_658 : i32
      %get3A_660 = arith.constant 6 : i32
      %get3A_661 = arith.index_cast %get3A_660 : i32 to index
      %get3A_662 = arith.index_cast %mul3A_659 : i32 to index
      %get3A_663 = tpu.vector_load %arg11[%get3A_661, %get3A_662] {strides = array<i32>} : memref<16x512xf32, #tpu.memory_space<vmem>>, vector<16xf32>,
      %mul3A_664 = arith.mulf %get3A_657, %get3A_663 : vector<16xf32>
      %add3A_665 = arith.addf %add3A_651, %mul3A_664 : vector<16xf32>
      %mul3A_666 = arith.constant 16 : i32
      %mul3A_667 = arith.muli %scan3A_566, %mul3A_666 : i32
      %get3A_668 = arith.constant 7 : i32
      %get3A_669 = arith.index_cast %get3A_668 : i32 to index
      %get3A_670 = arith.index_cast %mul3A_667 : i32 to index
      %get3A_671 = tpu.vector_load %arg10[%get3A_669, %get3A_670] {strides = array<i32>} : memref<16x512xf32, #tpu.memory_space<vmem>>, vector<16xf32>,
      %mul3A_672 = arith.constant 16 : i32
      %mul3A_673 = arith.muli %scan3A_566, %mul3A_672 : i32
      %get3A_674 = arith.constant 7 : i32
      %get3A_675 = arith.index_cast %get3A_674 : i32 to index
      %get3A_676 = arith.index_cast %mul3A_673 : i32 to index
      %get3A_677 = tpu.vector_load %arg11[%get3A_675, %get3A_676] {strides = array<i32>} : memref<16x512xf32, #tpu.memory_space<vmem>>, vector<16xf32>,
      %mul3A_678 = arith.mulf %get3A_671, %get3A_677 : vector<16xf32>
      %add3A_679 = arith.addf %add3A_665, %mul3A_678 : vector<16xf32>
      %mul3A_680 = arith.constant 16 : i32
      %mul3A_681 = arith.muli %scan3A_566, %mul3A_680 : i32
      %get3A_682 = arith.constant 8 : i32
      %get3A_683 = arith.index_cast %get3A_682 : i32 to index
      %get3A_684 = arith.index_cast %mul3A_681 : i32 to index
      %get3A_685 = tpu.vector_load %arg10[%get3A_683, %get3A_684] {strides = array<i32>} : memref<16x512xf32, #tpu.memory_space<vmem>>, vector<16xf32>,
      %mul3A_686 = arith.constant 16 : i32
      %mul3A_687 = arith.muli %scan3A_566, %mul3A_686 : i32
      %get3A_688 = arith.constant 8 : i32
      %get3A_689 = arith.index_cast %get3A_688 : i32 to index
      %get3A_690 = arith.index_cast %mul3A_687 : i32 to index
      %get3A_691 = tpu.vector_load %arg11[%get3A_689, %get3A_690] {strides = array<i32>} : memref<16x512xf32, #tpu.memory_space<vmem>>, vector<16xf32>,
      %mul3A_692 = arith.mulf %get3A_685, %get3A_691 : vector<16xf32>
      %add3A_693 = arith.addf %add3A_679, %mul3A_692 : vector<16xf32>
      %mul3A_694 = arith.constant 16 : i32
      %mul3A_695 = arith.muli %scan3A_566, %mul3A_694 : i32
      %get3A_696 = arith.constant 9 : i32
      %get3A_697 = arith.index_cast %get3A_696 : i32 to index
      %get3A_698 = arith.index_cast %mul3A_695 : i32 to index
      %get3A_699 = tpu.vector_load %arg10[%get3A_697, %get3A_698] {strides = array<i32>} : memref<16x512xf32, #tpu.memory_space<vmem>>, vector<16xf32>,
      %mul3A_700 = arith.constant 16 : i32
      %mul3A_701 = arith.muli %scan3A_566, %mul3A_700 : i32
      %get3A_702 = arith.constant 9 : i32
      %get3A_703 = arith.index_cast %get3A_702 : i32 to index
      %get3A_704 = arith.index_cast %mul3A_701 : i32 to index
      %get3A_705 = tpu.vector_load %arg11[%get3A_703, %get3A_704] {strides = array<i32>} : memref<16x512xf32, #tpu.memory_space<vmem>>, vector<16xf32>,
      %mul3A_706 = arith.mulf %get3A_699, %get3A_705 : vector<16xf32>
      %add3A_707 = arith.addf %add3A_693, %mul3A_706 : vector<16xf32>
      %mul3A_708 = arith.constant 16 : i32
      %mul3A_709 = arith.muli %scan3A_566, %mul3A_708 : i32
      %get3A_710 = arith.constant 10 : i32
      %get3A_711 = arith.index_cast %get3A_710 : i32 to index
      %get3A_712 = arith.index_cast %mul3A_709 : i32 to index
      %get3A_713 = tpu.vector_load %arg10[%get3A_711, %get3A_712] {strides = array<i32>} : memref<16x512xf32, #tpu.memory_space<vmem>>, vector<16xf32>,
      %mul3A_714 = arith.constant 16 : i32
      %mul3A_715 = arith.muli %scan3A_566, %mul3A_714 : i32
      %get3A_716 = arith.constant 10 : i32
      %get3A_717 = arith.index_cast %get3A_716 : i32 to index
      %get3A_718 = arith.index_cast %mul3A_715 : i32 to index
      %get3A_719 = tpu.vector_load %arg11[%get3A_717, %get3A_718] {strides = array<i32>} : memref<16x512xf32, #tpu.memory_space<vmem>>, vector<16xf32>,
      %mul3A_720 = arith.mulf %get3A_713, %get3A_719 : vector<16xf32>
      %add3A_721 = arith.addf %add3A_707, %mul3A_720 : vector<16xf32>
      %mul3A_722 = arith.constant 16 : i32
      %mul3A_723 = arith.muli %scan3A_566, %mul3A_722 : i32
      %get3A_724 = arith.constant 11 : i32
      %get3A_725 = arith.index_cast %get3A_724 : i32 to index
      %get3A_726 = arith.index_cast %mul3A_723 : i32 to index
      %get3A_727 = tpu.vector_load %arg10[%get3A_725, %get3A_726] {strides = array<i32>} : memref<16x512xf32, #tpu.memory_space<vmem>>, vector<16xf32>,
      %mul3A_728 = arith.constant 16 : i32
      %mul3A_729 = arith.muli %scan3A_566, %mul3A_728 : i32
      %get3A_730 = arith.constant 11 : i32
      %get3A_731 = arith.index_cast %get3A_730 : i32 to index
      %get3A_732 = arith.index_cast %mul3A_729 : i32 to index
      %get3A_733 = tpu.vector_load %arg11[%get3A_731, %get3A_732] {strides = array<i32>} : memref<16x512xf32, #tpu.memory_space<vmem>>, vector<16xf32>,
      %mul3A_734 = arith.mulf %get3A_727, %get3A_733 : vector<16xf32>
      %add3A_735 = arith.addf %add3A_721, %mul3A_734 : vector<16xf32>
      %mul3A_736 = arith.constant 16 : i32
      %mul3A_737 = arith.muli %scan3A_566, %mul3A_736 : i32
      %get3A_738 = arith.constant 12 : i32
      %get3A_739 = arith.index_cast %get3A_738 : i32 to index
      %get3A_740 = arith.index_cast %mul3A_737 : i32 to index
      %get3A_741 = tpu.vector_load %arg10[%get3A_739, %get3A_740] {strides = array<i32>} : memref<16x512xf32, #tpu.memory_space<vmem>>, vector<16xf32>,
      %mul3A_742 = arith.constant 16 : i32
      %mul3A_743 = arith.muli %scan3A_566, %mul3A_742 : i32
      %get3A_744 = arith.constant 12 : i32
      %get3A_745 = arith.index_cast %get3A_744 : i32 to index
      %get3A_746 = arith.index_cast %mul3A_743 : i32 to index
      %get3A_747 = tpu.vector_load %arg11[%get3A_745, %get3A_746] {strides = array<i32>} : memref<16x512xf32, #tpu.memory_space<vmem>>, vector<16xf32>,
      %mul3A_748 = arith.mulf %get3A_741, %get3A_747 : vector<16xf32>
      %add3A_749 = arith.addf %add3A_735, %mul3A_748 : vector<16xf32>
      %mul3A_750 = arith.constant 16 : i32
      %mul3A_751 = arith.muli %scan3A_566, %mul3A_750 : i32
      %get3A_752 = arith.constant 13 : i32
      %get3A_753 = arith.index_cast %get3A_752 : i32 to index
      %get3A_754 = arith.index_cast %mul3A_751 : i32 to index
      %get3A_755 = tpu.vector_load %arg10[%get3A_753, %get3A_754] {strides = array<i32>} : memref<16x512xf32, #tpu.memory_space<vmem>>, vector<16xf32>,
      %mul3A_756 = arith.constant 16 : i32
      %mul3A_757 = arith.muli %scan3A_566, %mul3A_756 : i32
      %get3A_758 = arith.constant 13 : i32
      %get3A_759 = arith.index_cast %get3A_758 : i32 to index
      %get3A_760 = arith.index_cast %mul3A_757 : i32 to index
      %get3A_761 = tpu.vector_load %arg11[%get3A_759, %get3A_760] {strides = array<i32>} : memref<16x512xf32, #tpu.memory_space<vmem>>, vector<16xf32>,
      %mul3A_762 = arith.mulf %get3A_755, %get3A_761 : vector<16xf32>
      %add3A_763 = arith.addf %add3A_749, %mul3A_762 : vector<16xf32>
      %mul3A_764 = arith.constant 16 : i32
      %mul3A_765 = arith.muli %scan3A_566, %mul3A_764 : i32
      %get3A_766 = arith.constant 14 : i32
      %get3A_767 = arith.index_cast %get3A_766 : i32 to index
      %get3A_768 = arith.index_cast %mul3A_765 : i32 to index
      %get3A_769 = tpu.vector_load %arg10[%get3A_767, %get3A_768] {strides = array<i32>} : memref<16x512xf32, #tpu.memory_space<vmem>>, vector<16xf32>,
      %mul3A_770 = arith.constant 16 : i32
      %mul3A_771 = arith.muli %scan3A_566, %mul3A_770 : i32
      %get3A_772 = arith.constant 14 : i32
      %get3A_773 = arith.index_cast %get3A_772 : i32 to index
      %get3A_774 = arith.index_cast %mul3A_771 : i32 to index
      %get3A_775 = tpu.vector_load %arg11[%get3A_773, %get3A_774] {strides = array<i32>} : memref<16x512xf32, #tpu.memory_space<vmem>>, vector<16xf32>,
      %mul3A_776 = arith.mulf %get3A_769, %get3A_775 : vector<16xf32>
      %add3A_777 = arith.addf %add3A_763, %mul3A_776 : vector<16xf32>
      %mul3A_778 = arith.constant 16 : i32
      %mul3A_779 = arith.muli %scan3A_566, %mul3A_778 : i32
      %get3A_780 = arith.constant 15 : i32
      %get3A_781 = arith.index_cast %get3A_780 : i32 to index
      %get3A_782 = arith.index_cast %mul3A_779 : i32 to index
      %get3A_783 = tpu.vector_load %arg10[%get3A_781, %get3A_782] {strides = array<i32>} : memref<16x512xf32, #tpu.memory_space<vmem>>, vector<16xf32>,
      %mul3A_784 = arith.constant 16 : i32
      %mul3A_785 = arith.muli %scan3A_566, %mul3A_784 : i32
      %get3A_786 = arith.constant 15 : i32
      %get3A_787 = arith.index_cast %get3A_786 : i32 to index
      %get3A_788 = arith.index_cast %mul3A_785 : i32 to index
      %get3A_789 = tpu.vector_load %arg11[%get3A_787, %get3A_788] {strides = array<i32>} : memref<16x512xf32, #tpu.memory_space<vmem>>, vector<16xf32>,
      %mul3A_790 = arith.mulf %get3A_783, %get3A_789 : vector<16xf32>
      %add3A_791 = arith.addf %add3A_777, %mul3A_790 : vector<16xf32>
      %mul3A_792 = arith.constant 16 : i32
      %mul3A_793 = arith.muli %scan3A_566, %mul3A_792 : i32
      %swap3A = arith.index_cast %mul3A_793 : i32 to index
      %swap3A_794 = tpu.vector_load %arg12[%swap3A] {strides = array<i32>} : memref<512xf32, #tpu.memory_space<vmem>>, vector<16xf32>,
      tpu.vector_store %arg12[%swap3A], %add3A_791 {strides = array<i32>} : memref<512xf32, #tpu.memory_space<vmem>>, vector<16xf32>,
    }
    %scan3A_565 = arith.constant 32 : i32
    "tpu.region"() ({
      %run_scoped3A = tpu.sem_alloc : memref<!tpu.dma_semaphore, #tpu.memory_space<semaphore_mem>>
      %dma_start3A_566 = arith.constant 0 : i32
      %dma_start3A_567 = tpu.memref_slice %arg6[%add3A, %dma_start3A_566] : memref<32x512xf32, #tpu.memory_space<hbm>> -> memref<1x512xf32, #tpu.memory_space<hbm>>
      %dma_start3A_568 = tpu.memref_squeeze %dma_start3A_567 : memref<1x512xf32, #tpu.memory_space<hbm>> -> memref<512xf32, #tpu.memory_space<hbm>>
      %dma_start3A_569 = arith.constant 0 : i32
      %dma_start3A_570 = tpu.memref_slice %arg6[%add3A, %dma_start3A_569] : memref<32x512xf32, #tpu.memory_space<hbm>> -> memref<1x512xf32, #tpu.memory_space<hbm>>
      %dma_start3A_571 = tpu.memref_squeeze %dma_start3A_570 : memref<1x512xf32, #tpu.memory_space<hbm>> -> memref<512xf32, #tpu.memory_space<hbm>>
      tpu.enqueue_dma source(%arg12 : memref<512xf32, #tpu.memory_space<vmem>>) target(%dma_start3A_571 : memref<512xf32, #tpu.memory_space<hbm>>) target_semaphore(%run_scoped3A : memref<!tpu.dma_semaphore, #tpu.memory_space<semaphore_mem>>)
      %dma_wait3A = arith.constant 0 : i32
      %dma_wait3A_572 = tpu.memref_slice %arg6[%add3A, %dma_wait3A] : memref<32x512xf32, #tpu.memory_space<hbm>> -> memref<1x512xf32, #tpu.memory_space<hbm>>
      %dma_wait3A_573 = tpu.memref_squeeze %dma_wait3A_572 : memref<1x512xf32, #tpu.memory_space<hbm>> -> memref<512xf32, #tpu.memory_space<hbm>>
      %dma_wait3A_574 = arith.constant 0 : i32
      %dma_wait3A_575 = tpu.memref_slice %arg6[%add3A, %dma_wait3A_574] : memref<32x512xf32, #tpu.memory_space<hbm>> -> memref<1x512xf32, #tpu.memory_space<hbm>>
      %dma_wait3A_576 = tpu.memref_squeeze %dma_wait3A_575 : memref<1x512xf32, #tpu.memory_space<hbm>> -> memref<512xf32, #tpu.memory_space<hbm>>
      tpu.wait_dma2 semaphore(%run_scoped3A : memref<!tpu.dma_semaphore, #tpu.memory_space<semaphore_mem>>) src(%arg12 : memref<512xf32, #tpu.memory_space<vmem>>) dst(%dma_wait3A_576 : memref<512xf32, #tpu.memory_space<hbm>>)
      tpu.yield
    }) : () -> ()
    return
  }
}

</mosaic_0001>

<sc_bundles>
// kernel: _mf.3.cloned.1.call-start
scs
__scs_entry_jumppad:
0x0: {  	(pc) =	sbr.rel $0x88, $3  }
0x1: {  	(tag) =	ssettag $0x0;
	lr =	simm.s32 $0x1  }
0x2: {  	[smem:$0x3F9D] =	sst lr;
	_ =	strace $0xD0000000  }
0x3: {  	_ = 	snop  }
0x4: {  	_ = 	snop  }
0x5: {  	_ = 	snop  }
0x6: {  	_ = 	snop  }
0x7: {  	_ = 	snop  }
__scs_overlays_trampoline_lowered:
0x8: {  	[smem:$0x3FAC] =	sst s0  }
0x9: {  	[smem:$0x3FAD] =	sst s1  }
0xa: {  	[smem:$0x3FAE] =	sst s2  }
0xb: {  	[smem:$0x3FAF] =	sst s3  }
0xc: {  	[smem:$0x3FB0] =	sst s4  }
0xd: {  	[smem:$0x3FB1] =	sst s5  }
0xe: {  	[smem:$0x3FB2] =	sst s6  }
0xf: {  	[smem:$0x3FB3] =	sst s7  }
0x10: {  	[smem:$0x3FB4] =	sst s8  }
0x11: {  	[smem:$0x3FB5] =	sst s9;
	s0 =	simm.s32 @!p0 $0x0  }
0x12: {  	s1 =	sld [smem:$0x3F9B];
	s0 =	simm.s32 @p0 $0x1  }
0x13: {  	[smem:$0x3FB6] =	sst s0;
	s0 =	simm.s32 @!p1 $0x0  }
0x14: {  	s2 =	sld [smem:$0x3F9A];
	s0 =	simm.s32 @p1 $0x1  }
0x15: {  	[smem:$0x3FB7] =	sst s0;
	s0 =	simm.s32 @!p2 $0x0  }
0x16: {  	s3 =	sld [smem:$0x3FDB];
	s0 =	simm.s32 @p2 $0x1  }
0x17: {  	s4 =	simm.s32 $0x1BF5;
	[smem:$0x3FB9] =	sst s0  }
0x18: {  	s0 =	sld [smem:$0x3F9C];
	_ =	swait.ge [sflag:s4], $0x0  }
0x19: {  	s7 =	sld [smem:$0x3F9D]  }
0x1a: {  	s8 =	sadd.s32 $0xFFFFE003, lr  }
0x1b: {  	s9 =	sadd.s32 $0xFFFFFEF7, lr;
	s5 =	simm.s32 $0xFFFFFFFF;
	p2 =	slt.u32 s8, $0xFFFFF086  }
0x1c: {  	p1 =	slt.u32 s9, $0xF7A;
	s5 =	simm.s32 @!p2 $0x0  }
0x1d: {  	s5 =	simm.s32 @p1 $0x1;
	p0 =	seq.s32 s7, s2  }
0x1e: {  	s7 =	smul.u32 @!p0 $0xF7A, s2;
	p2 =	seq.s32 @!p0 s5, $0x0  }
0x1f: {  	s9 =	smul.u32 $0xF7A, s1;
	s8 =	simm.s32 @!p0 $0x1BF5;
	p2 =	por !p2, p0  }
0x20: {  	[sflag:s8] =	ssyncset.s32 @!p0 $0xFFFFF086;
	s6 =	sadd.s32 @!p0 s3, s7;
	s7 =	simm.s32 @!p0 $0x108  }
0x21: {  	s3 =	sadd.s32 s3, s9;
	s6 =	sadd.s32 @!p0 $0x88, s6;
	s7 =	simm.s32 @p2 $0x1082  }
0x22: {  	[simem:s7], [sflag:s8] =	dma.local @!p0 [hbm:s6], $0xF7A  }
0x23: {  	s9 =	sor.u32 $0xD0000000, s2;
	s6 =	simm.s32 $0x108;
	_ =	swait.ge @!p0 [sflag:s8], $0x0  }
0x24: {  	s3 =	sadd.s32 $0x88, s3;
	s6 =	simm.s32 @!p1 $0x1082;
	[sflag:s4] =	ssyncset.s32 $0xFFFFF086  }
0x25: {  	[simem:s6], [sflag:s4] =	dma.local [hbm:s3], $0xF7A  }
0x26: {  	[smem:$0x3F9D] =	sst s1;
	(tag) =	ssettag s2;
	_ =	strace s9  }
0x27: {  	s1 =	sld [smem:$0x3FAD]  }
0x28: {  	s2 =	sld [smem:$0x3FAE]  }
0x29: {  	s4 =	sld [smem:$0x3FB0]  }
0x2a: {  	p0 =	seq.s32 s5, $0x0;
	s5 =	sld [smem:$0x3FB1]  }
0x2b: {  	s6 =	sld [smem:$0x3FB2]  }
0x2c: {  	s7 =	sld [smem:$0x3FB3]  }
0x2d: {  	s3 =	simm.s32 $0x108;
	s8 =	sld [smem:$0x3FB4]  }
0x2e: {  	s3 =	simm.s32 @!p0 $0x1082;
	s9 =	sld [smem:$0x3FB5]  }
0x2f: {  	lr =	sadd.s32 s0, s3;
	s0 =	sld [smem:$0x3FAC]  }
0x30: {  	s3 =	sld [smem:$0x3FAF]  }
0x31: {  	[smem:$0x3FB8] =	sst s10  }
0x32: {  	s10 =	sld [smem:$0x3FB6];
	_ =	sdelay $0x3  }
0x33: {  	p0 =	seq.s32 s10, $0x1;
	s10 =	sld [smem:$0x3FB8];
	_ =	sdelay $0x3  }
0x34: {  	[smem:$0x3FB8] =	sst s10  }
0x35: {  	s10 =	sld [smem:$0x3FB7];
	_ =	sdelay $0x3  }
0x36: {  	p1 =	seq.s32 s10, $0x1;
	s10 =	sld [smem:$0x3FB8];
	_ =	sdelay $0x3  }
0x37: {  	[smem:$0x3FB8] =	sst s10  }
0x38: {  	s10 =	sld [smem:$0x3FB9]  }
0x39: {  	_ = 	snop;
	(pc) =	sbr.ind lr, $3  }
0x3a: {  	_ = 	snop  }
0x3b: {  	_ = 	snop  }
0x3c: {  	p2 =	seq.s32 s10, $0x1;
	s10 =	sld [smem:$0x3FB8]  }
0x3d: {  	_ =	shalt  }
0x3e: {  	_ =	shalt  }
0x3f: {  	_ =	shalt  }
0x40: {  	_ =	shalt  }
0x41: {  	_ =	shalt  }
0x42: {  	_ =	shalt  }
0x43: {  	_ =	shalt  }
0x44: {  	_ =	shalt  }
0x45: {  	_ =	shalt  }
0x46: {  	_ =	shalt  }
0x47: {  	_ =	shalt  }
0x48: {  	_ =	shalt  }
0x49: {  	_ =	shalt  }
0x4a: {  	_ =	shalt  }
0x4b: {  	_ =	shalt  }
0x4c: {  	_ =	shalt  }
0x4d: {  	_ =	shalt  }
0x4e: {  	_ =	shalt  }
0x4f: {  	_ =	shalt  }
0x50: {  	_ =	shalt  }
0x51: {  	_ =	shalt  }
0x52: {  	_ =	shalt  }
0x53: {  	_ =	shalt  }
0x54: {  	_ =	shalt  }
0x55: {  	_ =	shalt  }
0x56: {  	_ =	shalt  }
0x57: {  	_ =	shalt  }
0x58: {  	_ =	shalt  }
0x59: {  	_ =	shalt  }
0x5a: {  	_ =	shalt  }
0x5b: {  	_ =	shalt  }
0x5c: {  	_ =	shalt  }
0x5d: {  	_ =	shalt  }
0x5e: {  	_ =	shalt  }
0x5f: {  	_ =	shalt  }
0x60: {  	_ =	shalt  }
0x61: {  	_ =	shalt  }
0x62: {  	_ =	shalt  }
0x63: {  	_ =	shalt  }
0x64: {  	_ =	shalt  }
0x65: {  	_ =	shalt  }
0x66: {  	_ =	shalt  }
0x67: {  	_ =	shalt  }
0x68: {  	_ =	shalt  }
0x69: {  	_ =	shalt  }
0x6a: {  	_ =	shalt  }
0x6b: {  	_ =	shalt  }
0x6c: {  	_ =	shalt  }
0x6d: {  	_ =	shalt  }
0x6e: {  	_ =	shalt  }
0x6f: {  	_ =	shalt  }
0x70: {  	_ =	shalt  }
0x71: {  	_ =	shalt  }
0x72: {  	_ =	shalt  }
0x73: {  	_ =	shalt  }
0x74: {  	_ =	shalt  }
0x75: {  	_ =	shalt  }
0x76: {  	_ =	shalt  }
0x77: {  	_ =	shalt  }
0x78: {  	_ =	shalt  }
0x79: {  	_ =	shalt  }
0x7a: {  	_ =	shalt  }
0x7b: {  	_ =	shalt  }
0x7c: {  	_ =	shalt  }
0x7d: {  	_ =	shalt  }
0x7e: {  	_ =	shalt  }
0x7f: {  	_ =	shalt  }
0x80: {  	_ =	shalt  }
0x81: {  	_ =	shalt  }
0x82: {  	_ =	shalt  }
0x83: {  	_ =	shalt  }
0x84: {  	_ =	shalt  }
0x85: {  	_ =	shalt  }
0x86: {  	_ =	shalt  }
0x87: {  	_ =	shalt  }
.Lfunc_end0:
.L_simem_size_0:
called_computation_lowered:
.L_overlay_start_0:
0x88: {  	s2 =	sld [smem:$0x3FD9]  }
0x89: {  	s3 =	sld [smem:$0x3FFE];
	_ =	sdelay $0x1  }
0x8a: {  	s1 =	srdreg.scid  }
0x8b: {  	s0 =	sand.u32 $0x1, s1  }
0x8c: {  	s18 =	sshll.u32 s0, $0xA;
	s2 =	sadd.s32 s3, s2  }
0x8d: {  	s2 =	sadd.s32 s2, s18  }
0x8e: {  	[smem:$0x3FC4] =	sst s2  }
0x8f: {  	_ = 	snop  }
0x90: {  	s2 =	sld [smem:$0x3FC9]  }
0x91: {  	s19 =	sld [smem:$0x3FC8]  }
0x92: {  	s4 =	sld [smem:$0x3FC7]  }
0x93: {  	s5 =	sld [smem:$0x3FC6]  }
0x94: {  	s6 =	sld [smem:$0x3FD0];
	(tm) =	ssettm $0x1  }
0x95: {  	s7 =	sld [smem:$0x3FFB];
	_ =	sdelay $0x3  }
0x96: {  	_ =	strace s7  }
0x97: {  	s7 =	sld [smem:$0x3FFC];
	_ =	sdelay $0x3  }
0x98: {  	_ =	strace s7  }
0x99: {  	s7 =	sld [smem:$0x3FFD];
	_ =	sdelay $0x3  }
0x9a: {  	_ =	strace s7  }
0x9b: {  	_ =	strace $0x8FFFFFFF  }
0x9c: {  	s20 =	sld [smem:$0x3FDB];
	_ =	sdelay $0x1  }
0x9d: {  	s8 =	simm.s32 $_scs_section_size  }
0x9e: {  	s9 =	simm.s32 $_size__tile_overlayer_lowered;
	s10 =	simm.s32 $_tile_overlayer_lowered  }
0x9f: {  	s23 =	simm.s32 $0x1BFF;
	s22 =	sshll.u32 s10, $0x1;
	s7 =	sadd.s32 s8, s20  }
0xa0: {  	s11 =	simm.s32 $0x0;
	s21 =	sshll.u32 s9, $0x1;
	s9 =	sadd.s32 s22, s7  }
0xa1: {  	[timem:s11], [sflag:s23] =	dma.local [hbm:s9], s21  }
0xa2: {  	_ =	swait.ge [sflag:s23], s21  }
0xa3: {  	s8 =	ssub.s32 $0x0, s21;
	[sflag:s23] =	ssyncset.done $0x0  }
0xa4: {  	[sflag:s23] =	ssyncadd.s32 s8;
	_ =	sdelay $0x1  }
0xa5: {  	s24 =	simm.s32 $0x1B8B  }
0xa6: {  	_ =	swait.ge [sflag:s24], $0x1  }
0xa7: {  	[sflag:s24] =	ssyncset.done $0x0  }
0xa8: {  	s25 =	simm.s32 $0x1B8E;
	[sflag:s24] =	ssyncadd.s32 $0xFFFFFFFF  }
0xa9: {  	s26 =	simm.s32 $execute0_lowered;
	[smem:$0x3FD2] =	sst s25  }
0xaa: {  	s8 =	sshll.u32 s26, $0x1;
	_ =	strace $0x80000046;
	[dreg:$0x1] =	wrdreg $0xFFFFFFFF  }
0xab: {  	s28 =	simm.s32 $_size_execute0_lowered;
	s7 =	sadd.s32 s7, s8;
	[dreg:$0x0] =	wrdreg $0x0  }
0xac: {  	s8 =	sshll.u32 s28, $0x1;
	[dreg:$0x2] =	wrdreg s7  }
0xad: {  	[dreg:$0x3] =	wrdreg s8  }
0xae: {  	[dreg:$0x4] =	wrdreg $0xC0  }
0xaf: {  	_ =	task [dreg:s11], $0x5FFFF  }
0xb0: {  	[dreg:$0x1] =	wrdreg $0xFFFFFFFF  }
0xb1: {  	[dreg:$0x0] =	wrdreg $0x60  }
0xb2: {  	[dreg:$0x2] =	wrdreg s2  }
0xb3: {  	[dreg:$0x3] =	wrdreg s19  }
0xb4: {  	[dreg:$0x4] =	wrdreg s4  }
0xb5: {  	[dreg:$0x5] =	wrdreg s5  }
0xb6: {  	[dreg:$0x6] =	wrdreg s6  }
0xb7: {  	[dreg:$0x7] =	wrdreg $0x9  }
0xb8: {  	_ =	task.clear_ibuf [dreg:s11], $0x8FFFF;
	_ =	strace $0x90000046  }
0xb9: {  	s29 =	simm.s32 $0x9;
	_ =	strace $0x80000048  }
0xba: {  	_ =	swait.ge [sflag:s29], $0x1  }
0xbb: {  	[sflag:s29] =	ssyncadd.s32 $0xFFFFFFFF  }
0xbc: {  	_ =	strace $0x90000048  }
0xbd: {  	_ =	sfence  }
0xbe: {  	s30 =	sld [smem:$0x0];
	_ =	sdelay $0x2  }
0xbf: {  	s31 =	sshll.u32 s1, $0xD;
	s1 =	sshrl.u32 s1, $0x2  }
0xc0: {  	s3 =	sand.u32 $0x4000, s31;
	s1 =	sadd.s32 s1, s30  }
0xc1: {  	s0 =	sor.u32 s3, s0;
	s1 =	sshll.u32 s1, $0x11  }
0xc2: {  	s0 =	sor.u32 s1, s0  }
0xc3: {  	s0 =	sadd.s32 $0x8F2B, s0  }
0xc4: {  	[sflag:s0] =	ssyncadd.remote.s32 $0x1  }
0xc5: {  	_ =	sfence.sel $0xFFFF  }
0xc6: {  	[dreg:$0x0] =	wrdreg $0xFFFFFFFF;
	(pc) =	sbr.abs _section_cstart, $3  }
0xc7: {  	[dreg:$0x1] =	wrdreg $0xFFFFFFFF  }
0xc8: {  	_ =	task.clear_ibuf [dreg:s11], $0x2FFFF;
	_ =	strace $0x9FFFFFFF  }
0xc9: {  	(tm) =	ssettm $0x7FFFFFFF  }
tec
execute0_lowered:
.L_overlay_start_1:
0x0: {  	(tag) =	ssettag $0x1  }
0x1: {  	s0 =	rddreg [dreg:$0x0]  }
0x2: {  	s3 =	rddreg [dreg:$0x1]  }
0x3: {  	s1 =	rddreg [dreg:$0x2]  }
0x4: {  	s2 =	rddreg [dreg:$0x3]  }
0x5: {  	s4 =	rddreg [dreg:$0x4]  }
0x6: {  	s5 =	srdreg.scid;
	s6 =	simm.s32 $0x0;
	s8 =	stileid.u32  }
0x7: {  	s10 =	simm.s32 $0x400;
	s11 =	simm.s32 $0x2;
	s13 =	simm.s32 $0x7A1400  }
0x8: {  	s17 =	simm.s32 $0x2400;
	s18 =	simm.s32 $0x2C00;
	s19 =	simm.s32 $0x3400  }
0x9: {  	s20 =	simm.s32 $0x3C00;
	s21 =	simm.s32 $0x4400;
	s22 =	simm.s32 $0x4C00  }
0xa: {  	s23 =	simm.s32 $0x5400;
	s24 =	simm.s32 $0x5C00;
	s25 =	simm.s32 $0x6400  }
0xb: {  	v0 =	vlaneseq.u32;
	s26 =	simm.s32 $0x6C00;
	s28 =	simm.s32 $0x7400;
	s29 =	simm.s32 $0x7C00  }
0xc: {  	s5 =	sand.u32 $0x1, s5;
	s7 =	sshll.u32 s8, $0x5;
	s8 =	sshll.u32 s8, $0x7;
	v0 =	vmul.u32 $0x800, v0  }
0xd: {  	s31 =	ssub.s32 $0x2, s5;
	s5 =	sshll.u32 s5, $0x4;
	s7 =	sand.u32 $0x60, s7  }
0xe: {  	s30 =	simm.s32 $0x1;
	s8 =	sand.u32 $0x600, s8;
	s5 =	sor.u32 s5, s7;
	v1 =	vor.u32 $0x80, v0;
	v2 =	vor.u32 $0x100, v0;
	v3 =	vor.u32 $0x180, v0  }
0xf: {  	[smem:$0x7FF] =	sst s6;
	s9 =	sshrl.u32 s31, $0x1;
	v4 =	vor.u32 $0x200, v0;
	v5 =	vor.u32 $0x280, v0;
	v6 =	vor.u32 $0x300, v0;
	s7 =	sor.u32 s8, s5  }
0x10: {  	_ =	strace $0x80000047;
	v7 =	vor.u32 $0x380, v0;
	v8 =	vor.u32 $0x400, v0;
	v9 =	vor.u32 $0x480, v0;
	s9 =	ssub.s32 s31, s9;
	s0 =	sadd.s32 s0, s7  }
0x11: {  	v10 =	vor.u32 $0x500, v0;
	v11 =	vor.u32 $0x580, v0;
	v12 =	vor.u32 $0x600, v0;
	s6 =	sadd.s32 s3, s7;
	s7 =	sadd.s32 s4, s7;
	s8 =	smax.u32 s9, $0x1  }
0x12: {  	v13 =	vor.u32 $0x680, v0;
	v14 =	vor.u32 $0x700, v0;
	v15 =	vor.u32 $0x780, v0;
	s9 =	simm.s32 $0x80;
	[dreg:$0x6] =	wrdreg s0;
	s0 =	simm.s32 $0x0  }
.LBB2_1:
0x13: {  	s3 =	simm.s32 $0x0;
	s4 =	rddreg [dreg:$0x6]  }
0x14: {  	[tilespmem:s3], [sflag:$0x2] =	stream.strided.gather [hbm4b:s4+s9], $0x200, s10, s9, $0x38;
	[tilespmem:$0x14600] =	vst v63  }
0x15: {  	_ =	swait.ge [sflag:s11], $0x200  }
0x16: {  	[sflag:s11] =	ssyncset.done $0x0  }
0x17: {  	s15 =	simm.s32 $0x200;
	[sflag:s11] =	ssyncadd.s32 $0xFFFFFE00  }
0x18: {  	[tilespmem:s15], [sflag:$0x2] =	stream.strided.gather [hbm4b:s6+s9], $0x200, s10, s9, $0x38;
	[tilespmem:$0x14600] =	vst v63  }
0x19: {  	_ =	swait.ge [sflag:s11], $0x200  }
0x1a: {  	[sflag:s11] =	ssyncset.done $0x0  }
0x1b: {  	[sflag:s11] =	ssyncadd.s32 $0xFFFFFE00  }
0x1c: {  	v16 =	vld [tilespmem:$0x0];
	_ =	sdelay $0x4  }
0x1d: {  	v16 =	vand.u32 $0xFFFFFF80, v16  }
0x1e: {  	v16 =	vadd.s32 s1, v16  }
0x1f: {  	(v2sf) =	vpush v16, $0x0;
	_ =	sdelay $0x1  }
0x20: {  	(v2sf) =	vpush v16, $0x1;
	_ =	sdelay $0x1  }
0x21: {  	(v2sf) =	vpush v16, $0x2;
	_ =	sdelay $0x1  }
0x22: {  	(v2sf) =	vpush v16, $0x3;
	_ =	sdelay $0x1  }
0x23: {  	(v2sf) =	vpush v16, $0x4;
	_ =	sdelay $0x1  }
0x24: {  	(v2sf) =	vpush v16, $0x5;
	_ =	sdelay $0x1  }
0x25: {  	(v2sf) =	vpush v16, $0x6;
	_ =	sdelay $0x1  }
0x26: {  	(v2sf) =	vpush v16, $0x7  }
0x27: {  	s16 =	spop (v2sf)  }
0x28: {  	(v2sf) =	vpush v16, $0x8;
	[tilespmem:s10], [sflag:$0x1] =	stream.strided.gather [hbm4b:s16+s10], $0x800, s13, s10, $0x38;
	[tilespmem:$0x14600] =	vst v63  }
0x29: {  	s5 =	simm.s32 $0xC00;
	s4 =	spop (v2sf)  }
0x2a: {  	(v2sf) =	vpush v16, $0x9;
	[tilespmem:s5], [sflag:$0x1] =	stream.strided.gather [hbm4b:s4+s10], $0x800, s13, s10, $0x38;
	[tilespmem:$0x14600] =	vst v63  }
0x2b: {  	s14 =	simm.s32 $0x1400;
	s12 =	spop (v2sf)  }
0x2c: {  	(v2sf) =	vpush v16, $0xA;
	[tilespmem:s14], [sflag:$0x1] =	stream.strided.gather [hbm4b:s12+s10], $0x800, s13, s10, $0x38;
	[tilespmem:$0x14600] =	vst v63  }
0x2d: {  	s16 =	simm.s32 $0x1C00;
	s15 =	spop (v2sf)  }
0x2e: {  	(v2sf) =	vpush v16, $0xB;
	[tilespmem:s16], [sflag:$0x1] =	stream.strided.gather [hbm4b:s15+s10], $0x800, s13, s10, $0x38;
	[tilespmem:$0x14600] =	vst v63  }
0x2f: {  	s4 =	spop (v2sf)  }
0x30: {  	(v2sf) =	vpush v16, $0xC;
	[tilespmem:s17], [sflag:$0x1] =	stream.strided.gather [hbm4b:s4+s10], $0x800, s13, s10, $0x38;
	[tilespmem:$0x14600] =	vst v63  }
0x31: {  	s5 =	spop (v2sf)  }
0x32: {  	(v2sf) =	vpush v16, $0xD;
	[tilespmem:s18], [sflag:$0x1] =	stream.strided.gather [hbm4b:s5+s10], $0x800, s13, s10, $0x38;
	[tilespmem:$0x14600] =	vst v63  }
0x33: {  	s12 =	spop (v2sf)  }
0x34: {  	[tilespmem:s19], [sflag:$0x1] =	stream.strided.gather [hbm4b:s12+s10], $0x800, s13, s10, $0x38;
	[tilespmem:$0x14600] =	vst v63  }
0x35: {  	(v2sf) =	vpush v16, $0xE;
	s14 =	spop (v2sf)  }
0x36: {  	[tilespmem:s20], [sflag:$0x1] =	stream.strided.gather [hbm4b:s14+s10], $0x800, s13, s10, $0x38;
	[tilespmem:$0x14600] =	vst v63  }
0x37: {  	(v2sf) =	vpush v16, $0xF;
	s15 =	spop (v2sf)  }
0x38: {  	[tilespmem:s21], [sflag:$0x1] =	stream.strided.gather [hbm4b:s15+s10], $0x800, s13, s10, $0x38;
	[tilespmem:$0x14600] =	vst v63  }
0x39: {  	s16 =	spop (v2sf)  }
0x3a: {  	[tilespmem:s22], [sflag:$0x1] =	stream.strided.gather [hbm4b:s16+s10], $0x800, s13, s10, $0x38;
	[tilespmem:$0x14600] =	vst v63  }
0x3b: {  	s4 =	spop (v2sf)  }
0x3c: {  	[tilespmem:s23], [sflag:$0x1] =	stream.strided.gather [hbm4b:s4+s10], $0x800, s13, s10, $0x38;
	[tilespmem:$0x14600] =	vst v63  }
0x3d: {  	s5 =	spop (v2sf)  }
0x3e: {  	[tilespmem:s24], [sflag:$0x1] =	stream.strided.gather [hbm4b:s5+s10], $0x800, s13, s10, $0x38;
	[tilespmem:$0x14600] =	vst v63  }
0x3f: {  	s12 =	spop (v2sf)  }
0x40: {  	[tilespmem:s25], [sflag:$0x1] =	stream.strided.gather [hbm4b:s12+s10], $0x800, s13, s10, $0x38;
	[tilespmem:$0x14600] =	vst v63  }
0x41: {  	s14 =	spop (v2sf)  }
0x42: {  	[tilespmem:s26], [sflag:$0x1] =	stream.strided.gather [hbm4b:s14+s10], $0x800, s13, s10, $0x38;
	[tilespmem:$0x14600] =	vst v63  }
.Ltmp0:
0x43: {  	s31 =	simm.s32 $0x0;
	(pc) =	sbr.rel .LBB2_2-.Ltmp0, $4  }
0x44: {  	s3 =	simm.s32 $0x8000;
	s15 =	spop (v2sf);
	s4 =	simm.s32 $0x0  }
0x45: {  	[tilespmem:s28], [sflag:$0x1] =	stream.strided.gather [hbm4b:s15+s10], $0x800, s13, s10, $0x38;
	[tilespmem:$0x14600] =	vst v63  }
0x46: {  	s16 =	spop (v2sf);
	s12 =	simm.s32 $0x10;
	s14 =	simm.s32 $0x0  }
0x47: {  	[tilespmem:s29], [sflag:$0x1] =	stream.strided.gather [hbm4b:s16+s10], $0x800, s13, s10, $0x38;
	[tilespmem:$0x14600] =	vst v63  }
.LBB2_4:
0x48: {  	_ =	swait.ge [sflag:s30], $0x800  }
0x49: {  	[sflag:s30] =	ssyncset.done $0x0  }
0x4a: {  	[sflag:s30] =	ssyncadd.s32 $0xFFFFF800  }
0x4b: {  	_ =	swait.ge [sflag:s30], $0x800  }
0x4c: {  	[sflag:s30] =	ssyncset.done $0x0  }
0x4d: {  	[sflag:s30] =	ssyncadd.s32 $0xFFFFF800  }
0x4e: {  	_ =	swait.ge [sflag:s30], $0x800  }
0x4f: {  	[sflag:s30] =	ssyncset.done $0x0  }
0x50: {  	[sflag:s30] =	ssyncadd.s32 $0xFFFFF800  }
0x51: {  	_ =	swait.ge [sflag:s30], $0x800  }
0x52: {  	[sflag:s30] =	ssyncset.done $0x0  }
0x53: {  	[sflag:s30] =	ssyncadd.s32 $0xFFFFF800  }
0x54: {  	_ =	swait.ge [sflag:s30], $0x800  }
0x55: {  	[sflag:s30] =	ssyncset.done $0x0  }
0x56: {  	[sflag:s30] =	ssyncadd.s32 $0xFFFFF800  }
0x57: {  	_ =	swait.ge [sflag:s30], $0x800  }
0x58: {  	[sflag:s30] =	ssyncset.done $0x0  }
0x59: {  	[sflag:s30] =	ssyncadd.s32 $0xFFFFF800  }
0x5a: {  	_ =	swait.ge [sflag:s30], $0x800  }
0x5b: {  	[sflag:s30] =	ssyncset.done $0x0  }
0x5c: {  	[sflag:s30] =	ssyncadd.s32 $0xFFFFF800  }
0x5d: {  	_ =	swait.ge [sflag:s30], $0x800  }
0x5e: {  	[sflag:s30] =	ssyncset.done $0x0  }
0x5f: {  	[sflag:s30] =	ssyncadd.s32 $0xFFFFF800  }
0x60: {  	_ =	swait.ge [sflag:s30], $0x800  }
0x61: {  	[sflag:s30] =	ssyncset.done $0x0  }
0x62: {  	[sflag:s30] =	ssyncadd.s32 $0xFFFFF800  }
0x63: {  	_ =	swait.ge [sflag:s30], $0x800  }
0x64: {  	[sflag:s30] =	ssyncset.done $0x0  }
0x65: {  	[sflag:s30] =	ssyncadd.s32 $0xFFFFF800  }
0x66: {  	_ =	swait.ge [sflag:s30], $0x800  }
0x67: {  	[sflag:s30] =	ssyncset.done $0x0  }
0x68: {  	[sflag:s30] =	ssyncadd.s32 $0xFFFFF800  }
0x69: {  	_ =	swait.ge [sflag:s30], $0x800  }
0x6a: {  	[sflag:s30] =	ssyncset.done $0x0  }
0x6b: {  	[sflag:s30] =	ssyncadd.s32 $0xFFFFF800  }
0x6c: {  	_ =	swait.ge [sflag:s30], $0x800  }
0x6d: {  	[sflag:s30] =	ssyncset.done $0x0  }
0x6e: {  	[sflag:s30] =	ssyncadd.s32 $0xFFFFF800  }
0x6f: {  	_ =	swait.ge [sflag:s30], $0x800  }
0x70: {  	[sflag:s30] =	ssyncset.done $0x0  }
0x71: {  	[sflag:s30] =	ssyncadd.s32 $0xFFFFF800  }
0x72: {  	_ =	swait.ge [sflag:s30], $0x800  }
0x73: {  	[sflag:s30] =	ssyncset.done $0x0  }
0x74: {  	[sflag:s30] =	ssyncadd.s32 $0xFFFFF800  }
0x75: {  	_ =	swait.ge [sflag:s30], $0x800  }
0x76: {  	[sflag:s30] =	ssyncset.done $0x0  }
0x77: {  	[sflag:s30] =	ssyncadd.s32 $0xFFFFF800  }
0x78: {  	v16 =	vld [tilespmem:s12+$0xFFFFFFF0];
	_ =	sdelay $0x3  }
0x79: {  	s5 =	sand.u32 $0x1, s14  }
0x7a: {  	s5 =	sshll.u32 s5, $0xF;
	v16 =	vand.u32 $0x7F, v16  }
0x7b: {  	v16 =	vor.u32 s5, v16  }
0x7c: {  	v17 =	vor.u32 v0, v16;
	_ =	sdelay $0x4  }
0x7d: {  	v17 =	vld.idx.msk [tilespmem:v17+s10+$0x0], $0xffff  }
0x7e: {  	v18 =	vor.u32 v1, v16;
	_ =	sdelay $0x1  }
0x7f: {  	s16 =	sand.u32 $0x70, s4;
	s15 =	sand.u32 $0xC00, s31  }
0x80: {  	s5 =	sor.u32 s16, s15  }
0x81: {  	[tilespmem:s5+$0x10400] =	vst v17  }
0x82: {  	v17 =	vld.idx.msk [tilespmem:v18+s10+$0x0], $0xffff  }
0x83: {  	v51 =	vor.u32 v2, v16;
	_ =	sdelay $0x2  }
0x84: {  	s15 =	sadd.s32 $0x10400, s5  }
0x85: {  	[tilespmem:s15+$0x80] =	vst v17  }
0x86: {  	v17 =	vld.idx.msk [tilespmem:v51+s10+$0x0], $0xffff  }
0x87: {  	v52 =	vor.u32 v3, v16;
	_ =	sdelay $0x3  }
0x88: {  	[tilespmem:s15+$0x100] =	vst v17  }
0x89: {  	v17 =	vld.idx.msk [tilespmem:v52+s10+$0x0], $0xffff  }
0x8a: {  	v53 =	vor.u32 v4, v16;
	_ =	sdelay $0x3  }
0x8b: {  	[tilespmem:s15+$0x180] =	vst v17  }
0x8c: {  	v17 =	vld.idx.msk [tilespmem:v53+s10+$0x0], $0xffff  }
0x8d: {  	v54 =	vor.u32 v5, v16;
	_ =	sdelay $0x3  }
0x8e: {  	[tilespmem:s15+$0x200] =	vst v17  }
0x8f: {  	v17 =	vld.idx.msk [tilespmem:v54+s10+$0x0], $0xffff  }
0x90: {  	v55 =	vor.u32 v6, v16;
	_ =	sdelay $0x3  }
0x91: {  	[tilespmem:s15+$0x280] =	vst v17  }
0x92: {  	v17 =	vld.idx.msk [tilespmem:v55+s10+$0x0], $0xffff  }
0x93: {  	v56 =	vor.u32 v7, v16;
	_ =	sdelay $0x3  }
0x94: {  	[tilespmem:s15+$0x300] =	vst v17  }
0x95: {  	v17 =	vld.idx.msk [tilespmem:v56+s10+$0x0], $0xffff  }
0x96: {  	v57 =	vor.u32 v8, v16;
	_ =	sdelay $0x1  }
0x97: {  	s16 =	sor.u32 s31, s4  }
0x98: {  	s15 =	sor.u32 $0x380, s16  }
0x99: {  	[tilespmem:s15+$0x10400] =	vst v17  }
0x9a: {  	v17 =	vld.idx.msk [tilespmem:v57+s10+$0x0], $0xffff  }
0x9b: {  	v58 =	vor.u32 v9, v16;
	_ =	sdelay $0x3  }
0x9c: {  	[tilespmem:s5+$0x11400] =	vst v17  }
0x9d: {  	v17 =	vld.idx.msk [tilespmem:v58+s10+$0x0], $0xffff  }
0x9e: {  	v59 =	vor.u32 v10, v16;
	_ =	sdelay $0x3  }
0x9f: {  	[tilespmem:s5+$0x11480] =	vst v17  }
0xa0: {  	v17 =	vld.idx.msk [tilespmem:v59+s10+$0x0], $0xffff  }
0xa1: {  	v60 =	vor.u32 v11, v16;
	_ =	sdelay $0x3  }
0xa2: {  	[tilespmem:s5+$0x11500] =	vst v17  }
0xa3: {  	v17 =	vld.idx.msk [tilespmem:v60+s10+$0x0], $0xffff  }
0xa4: {  	v61 =	vor.u32 v12, v16;
	_ =	sdelay $0x3  }
0xa5: {  	[tilespmem:s5+$0x11580] =	vst v17  }
0xa6: {  	v17 =	vld.idx.msk [tilespmem:v61+s10+$0x0], $0xffff  }
0xa7: {  	v62 =	vor.u32 v13, v16;
	_ =	sdelay $0x3  }
0xa8: {  	[tilespmem:s5+$0x11600] =	vst v17  }
0xa9: {  	v17 =	vld.idx.msk [tilespmem:v62+s10+$0x0], $0xffff  }
0xaa: {  	v63 =	vor.u32 v14, v16;
	_ =	sdelay $0x3  }
0xab: {  	[tilespmem:s5+$0x11680] =	vst v17  }
0xac: {  	v17 =	vld.idx.msk [tilespmem:v63+s10+$0x0], $0xffff  }
0xad: {  	v16 =	vor.u32 v15, v16;
	_ =	sdelay $0x3  }
0xae: {  	s31 =	sadd.s32 $0x80, s31;
	[tilespmem:s5+$0x11700] =	vst v17  }
0xaf: {  	p0 =	sne.s32 s31, $0x1000;
	v16 =	vld.idx.msk [tilespmem:v16+s10+$0x0], $0xffff  }
.Ltmp1:
0xb0: {  	_ = 	snop;
	(pc) =	sbr.rel @!p0 .LBB2_5-.Ltmp1, $3  }
0xb1: {  	_ =	sdelay $0x1  }
0xb2: {  	s3 =	sadd.s32 $0x8000, s3  }
0xb3: {  	s14 =	sadd.s32 $0x1, s14;
	s12 =	sadd.s32 $0x10, s12;
	s4 =	sadd.s32 $0x10, s4;
	[tilespmem:s5+$0x11780] =	vst v16  }
.LBB2_2:
0xb4: {  	p0 =	seq.s32 s31, $0xF80  }
.Ltmp2:
0xb5: {  	_ = 	snop;
	(pc) =	sbr.rel @p0 .LBB2_4-.Ltmp2, $1  }
0xb6: {  	_ =	sdelay $0x3  }
0xb7: {  	v16 =	vld [tilespmem:s12+$0x0];
	_ =	sdelay $0x4  }
0xb8: {  	v16 =	vand.u32 $0xFFFFFF80, v16  }
0xb9: {  	v16 =	vadd.s32 s1, v16  }
0xba: {  	(v2sf) =	vpush v16, $0x0;
	_ =	sdelay $0x1  }
0xbb: {  	(v2sf) =	vpush v16, $0x1;
	_ =	sdelay $0x1  }
0xbc: {  	(v2sf) =	vpush v16, $0x2;
	_ =	sdelay $0x1  }
0xbd: {  	(v2sf) =	vpush v16, $0x3;
	_ =	sdelay $0x1  }
0xbe: {  	(v2sf) =	vpush v16, $0x4;
	_ =	sdelay $0x1  }
0xbf: {  	(v2sf) =	vpush v16, $0x5;
	_ =	sdelay $0x1  }
0xc0: {  	(v2sf) =	vpush v16, $0x6;
	_ =	sdelay $0x1  }
0xc1: {  	s15 =	sand.u32 $0x8000, s3;
	(v2sf) =	vpush v16, $0x7  }
0xc2: {  	s5 =	sor.u32 $0x400, s15;
	s16 =	spop (v2sf)  }
0xc3: {  	(v2sf) =	vpush v16, $0x8;
	[tilespmem:s5], [sflag:$0x1] =	stream.strided.gather [hbm4b:s16+s10], $0x800, s13, s10, $0x38;
	[tilespmem:$0x14600] =	vst v63  }
0xc4: {  	s5 =	sor.u32 $0xC00, s15;
	s16 =	spop (v2sf)  }
0xc5: {  	(v2sf) =	vpush v16, $0x9;
	[tilespmem:s5], [sflag:$0x1] =	stream.strided.gather [hbm4b:s16+s10], $0x800, s13, s10, $0x38;
	[tilespmem:$0x14600] =	vst v63  }
0xc6: {  	s5 =	sor.u32 $0x1400, s15;
	s16 =	spop (v2sf)  }
0xc7: {  	(v2sf) =	vpush v16, $0xA;
	[tilespmem:s5], [sflag:$0x1] =	stream.strided.gather [hbm4b:s16+s10], $0x800, s13, s10, $0x38;
	[tilespmem:$0x14600] =	vst v63  }
0xc8: {  	s5 =	sor.u32 $0x1C00, s15;
	s16 =	spop (v2sf)  }
0xc9: {  	(v2sf) =	vpush v16, $0xB;
	[tilespmem:s5], [sflag:$0x1] =	stream.strided.gather [hbm4b:s16+s10], $0x800, s13, s10, $0x38;
	[tilespmem:$0x14600] =	vst v63  }
0xca: {  	s5 =	sor.u32 $0x2400, s15;
	s16 =	spop (v2sf)  }
0xcb: {  	(v2sf) =	vpush v16, $0xC;
	[tilespmem:s5], [sflag:$0x1] =	stream.strided.gather [hbm4b:s16+s10], $0x800, s13, s10, $0x38;
	[tilespmem:$0x14600] =	vst v63  }
0xcc: {  	s5 =	sor.u32 $0x2C00, s15;
	s16 =	spop (v2sf)  }
0xcd: {  	(v2sf) =	vpush v16, $0xD;
	[tilespmem:s5], [sflag:$0x1] =	stream.strided.gather [hbm4b:s16+s10], $0x800, s13, s10, $0x38;
	[tilespmem:$0x14600] =	vst v63  }
0xce: {  	s5 =	sor.u32 $0x3400, s15;
	s16 =	spop (v2sf)  }
0xcf: {  	[tilespmem:s5], [sflag:$0x1] =	stream.strided.gather [hbm4b:s16+s10], $0x800, s13, s10, $0x38;
	[tilespmem:$0x14600] =	vst v63  }
0xd0: {  	(v2sf) =	vpush v16, $0xE;
	s5 =	sor.u32 $0x3C00, s15;
	s16 =	spop (v2sf)  }
0xd1: {  	[tilespmem:s5], [sflag:$0x1] =	stream.strided.gather [hbm4b:s16+s10], $0x800, s13, s10, $0x38;
	[tilespmem:$0x14600] =	vst v63  }
0xd2: {  	(v2sf) =	vpush v16, $0xF;
	s5 =	spop (v2sf);
	s16 =	sor.u32 $0x4400, s15  }
0xd3: {  	[tilespmem:s16], [sflag:$0x1] =	stream.strided.gather [hbm4b:s5+s10], $0x800, s13, s10, $0x38;
	[tilespmem:$0x14600] =	vst v63  }
0xd4: {  	s5 =	spop (v2sf);
	s16 =	sor.u32 $0x4C00, s15  }
0xd5: {  	[tilespmem:s16], [sflag:$0x1] =	stream.strided.gather [hbm4b:s5+s10], $0x800, s13, s10, $0x38;
	[tilespmem:$0x14600] =	vst v63  }
0xd6: {  	s5 =	spop (v2sf);
	s16 =	sor.u32 $0x5400, s15  }
0xd7: {  	[tilespmem:s16], [sflag:$0x1] =	stream.strided.gather [hbm4b:s5+s10], $0x800, s13, s10, $0x38;
	[tilespmem:$0x14600] =	vst v63  }
0xd8: {  	s5 =	spop (v2sf);
	s16 =	sor.u32 $0x5C00, s15  }
0xd9: {  	[tilespmem:s16], [sflag:$0x1] =	stream.strided.gather [hbm4b:s5+s10], $0x800, s13, s10, $0x38;
	[tilespmem:$0x14600] =	vst v63  }
0xda: {  	s5 =	spop (v2sf);
	s16 =	sor.u32 $0x6400, s15  }
0xdb: {  	[tilespmem:s16], [sflag:$0x1] =	stream.strided.gather [hbm4b:s5+s10], $0x800, s13, s10, $0x38;
	[tilespmem:$0x14600] =	vst v63  }
0xdc: {  	s5 =	spop (v2sf);
	s16 =	sor.u32 $0x6C00, s15  }
0xdd: {  	[tilespmem:s16], [sflag:$0x1] =	stream.strided.gather [hbm4b:s5+s10], $0x800, s13, s10, $0x38;
	[tilespmem:$0x14600] =	vst v63  }
.Ltmp3:
0xde: {  	_ = 	snop;
	(pc) =	sbr.rel .LBB2_4-.Ltmp3, $4  }
0xdf: {  	s5 =	spop (v2sf);
	s16 =	sor.u32 $0x7400, s15  }
0xe0: {  	[tilespmem:s16], [sflag:$0x1] =	stream.strided.gather [hbm4b:s5+s10], $0x800, s13, s10, $0x38;
	[tilespmem:$0x14600] =	vst v63  }
0xe1: {  	s15 =	sor.u32 $0x7C00, s15;
	s16 =	spop (v2sf)  }
0xe2: {  	[tilespmem:s15], [sflag:$0x1] =	stream.strided.gather [hbm4b:s16+s10], $0x800, s13, s10, $0x38;
	[tilespmem:$0x14600] =	vst v63  }
.LBB2_5:
0xe3: {  	v16 =	vld [tilespmem:$0x200];
	_ =	sdelay $0x4  }
0xe4: {  	v16 =	vand.u32 $0xFFFFFF80, v16  }
0xe5: {  	v16 =	vadd.s32 s2, v16  }
0xe6: {  	(v2sf) =	vpush v16, $0x0;
	_ =	sdelay $0x1  }
0xe7: {  	(v2sf) =	vpush v16, $0x1;
	_ =	sdelay $0x1  }
0xe8: {  	(v2sf) =	vpush v16, $0x2;
	_ =	sdelay $0x1  }
0xe9: {  	(v2sf) =	vpush v16, $0x3;
	_ =	sdelay $0x1  }
0xea: {  	(v2sf) =	vpush v16, $0x4;
	_ =	sdelay $0x1  }
0xeb: {  	(v2sf) =	vpush v16, $0x5;
	_ =	sdelay $0x1  }
0xec: {  	(v2sf) =	vpush v16, $0x6;
	_ =	sdelay $0x1  }
0xed: {  	(v2sf) =	vpush v16, $0x7  }
0xee: {  	s3 =	spop (v2sf)  }
0xef: {  	(v2sf) =	vpush v16, $0x8;
	[tilespmem:s10], [sflag:$0x1] =	stream.strided.gather [hbm4b:s3+s10], $0x800, s13, s10, $0x38;
	[tilespmem:$0x14600] =	vst v63  }
0xf0: {  	s4 =	simm.s32 $0xC00;
	s5 =	spop (v2sf)  }
0xf1: {  	(v2sf) =	vpush v16, $0x9;
	[tilespmem:s4], [sflag:$0x1] =	stream.strided.gather [hbm4b:s5+s10], $0x800, s13, s10, $0x38;
	[tilespmem:$0x14600] =	vst v63  }
0xf2: {  	s14 =	simm.s32 $0x1400;
	s12 =	spop (v2sf)  }
0xf3: {  	(v2sf) =	vpush v16, $0xA;
	[tilespmem:s14], [sflag:$0x1] =	stream.strided.gather [hbm4b:s12+s10], $0x800, s13, s10, $0x38;
	[tilespmem:$0x14600] =	vst v63  }
0xf4: {  	s16 =	simm.s32 $0x1C00;
	s15 =	spop (v2sf)  }
0xf5: {  	(v2sf) =	vpush v16, $0xB;
	[tilespmem:s16], [sflag:$0x1] =	stream.strided.gather [hbm4b:s15+s10], $0x800, s13, s10, $0x38;
	[tilespmem:$0x14600] =	vst v63  }
0xf6: {  	s4 =	spop (v2sf)  }
0xf7: {  	(v2sf) =	vpush v16, $0xC;
	[tilespmem:s17], [sflag:$0x1] =	stream.strided.gather [hbm4b:s4+s10], $0x800, s13, s10, $0x38;
	[tilespmem:$0x14600] =	vst v63  }
0xf8: {  	s5 =	spop (v2sf)  }
0xf9: {  	(v2sf) =	vpush v16, $0xD;
	[tilespmem:s18], [sflag:$0x1] =	stream.strided.gather [hbm4b:s5+s10], $0x800, s13, s10, $0x38;
	[tilespmem:$0x14600] =	vst v63  }
0xfa: {  	s12 =	spop (v2sf)  }
0xfb: {  	[tilespmem:s19], [sflag:$0x1] =	stream.strided.gather [hbm4b:s12+s10], $0x800, s13, s10, $0x38;
	[tilespmem:$0x14600] =	vst v63  }
0xfc: {  	(v2sf) =	vpush v16, $0xE;
	s14 =	spop (v2sf)  }
0xfd: {  	[tilespmem:s20], [sflag:$0x1] =	stream.strided.gather [hbm4b:s14+s10], $0x800, s13, s10, $0x38;
	[tilespmem:$0x14600] =	vst v63  }
0xfe: {  	(v2sf) =	vpush v16, $0xF;
	s15 =	spop (v2sf)  }
0xff: {  	[tilespmem:s21], [sflag:$0x1] =	stream.strided.gather [hbm4b:s15+s10], $0x800, s13, s10, $0x38;
	[tilespmem:$0x14600] =	vst v63  }
0x100: {  	s16 =	spop (v2sf)  }
0x101: {  	[tilespmem:s22], [sflag:$0x1] =	stream.strided.gather [hbm4b:s16+s10], $0x800, s13, s10, $0x38;
	[tilespmem:$0x14600] =	vst v63  }
0x102: {  	s4 =	spop (v2sf)  }
0x103: {  	[tilespmem:s23], [sflag:$0x1] =	stream.strided.gather [hbm4b:s4+s10], $0x800, s13, s10, $0x38;
	[tilespmem:$0x14600] =	vst v63  }
0x104: {  	s5 =	spop (v2sf)  }
0x105: {  	[tilespmem:s24], [sflag:$0x1] =	stream.strided.gather [hbm4b:s5+s10], $0x800, s13, s10, $0x38;
	[tilespmem:$0x14600] =	vst v63  }
0x106: {  	s12 =	spop (v2sf)  }
0x107: {  	[tilespmem:s25], [sflag:$0x1] =	stream.strided.gather [hbm4b:s12+s10], $0x800, s13, s10, $0x38;
	[tilespmem:$0x14600] =	vst v63  }
0x108: {  	s14 =	spop (v2sf)  }
0x109: {  	[tilespmem:s26], [sflag:$0x1] =	stream.strided.gather [hbm4b:s14+s10], $0x800, s13, s10, $0x38;
	[tilespmem:$0x14600] =	vst v63  }
.Ltmp4:
0x10a: {  	s31 =	simm.s32 $0x0;
	(pc) =	sbr.rel .LBB2_6-.Ltmp4, $4  }
0x10b: {  	s3 =	simm.s32 $0x0;
	s15 =	spop (v2sf);
	s4 =	simm.s32 $0x8000  }
0x10c: {  	[tilespmem:s28], [sflag:$0x1] =	stream.strided.gather [hbm4b:s15+s10], $0x800, s13, s10, $0x38;
	[tilespmem:$0x14600] =	vst v63  }
0x10d: {  	s16 =	spop (v2sf);
	s12 =	simm.s32 $0x210;
	s14 =	simm.s32 $0x0  }
0x10e: {  	[tilespmem:s29], [sflag:$0x1] =	stream.strided.gather [hbm4b:s16+s10], $0x800, s13, s10, $0x38;
	[tilespmem:$0x14600] =	vst v63  }
.LBB2_8:
0x10f: {  	_ =	swait.ge [sflag:s30], $0x800  }
0x110: {  	[sflag:s30] =	ssyncset.done $0x0  }
0x111: {  	[sflag:s30] =	ssyncadd.s32 $0xFFFFF800  }
0x112: {  	_ =	swait.ge [sflag:s30], $0x800  }
0x113: {  	[sflag:s30] =	ssyncset.done $0x0  }
0x114: {  	[sflag:s30] =	ssyncadd.s32 $0xFFFFF800  }
0x115: {  	_ =	swait.ge [sflag:s30], $0x800  }
0x116: {  	[sflag:s30] =	ssyncset.done $0x0  }
0x117: {  	[sflag:s30] =	ssyncadd.s32 $0xFFFFF800  }
0x118: {  	_ =	swait.ge [sflag:s30], $0x800  }
0x119: {  	[sflag:s30] =	ssyncset.done $0x0  }
0x11a: {  	[sflag:s30] =	ssyncadd.s32 $0xFFFFF800  }
0x11b: {  	_ =	swait.ge [sflag:s30], $0x800  }
0x11c: {  	[sflag:s30] =	ssyncset.done $0x0  }
0x11d: {  	[sflag:s30] =	ssyncadd.s32 $0xFFFFF800  }
0x11e: {  	_ =	swait.ge [sflag:s30], $0x800  }
0x11f: {  	[sflag:s30] =	ssyncset.done $0x0  }
0x120: {  	[sflag:s30] =	ssyncadd.s32 $0xFFFFF800  }
0x121: {  	_ =	swait.ge [sflag:s30], $0x800  }
0x122: {  	[sflag:s30] =	ssyncset.done $0x0  }
0x123: {  	[sflag:s30] =	ssyncadd.s32 $0xFFFFF800  }
0x124: {  	_ =	swait.ge [sflag:s30], $0x800  }
0x125: {  	[sflag:s30] =	ssyncset.done $0x0  }
0x126: {  	[sflag:s30] =	ssyncadd.s32 $0xFFFFF800  }
0x127: {  	_ =	swait.ge [sflag:s30], $0x800  }
0x128: {  	[sflag:s30] =	ssyncset.done $0x0  }
0x129: {  	[sflag:s30] =	ssyncadd.s32 $0xFFFFF800  }
0x12a: {  	_ =	swait.ge [sflag:s30], $0x800  }
0x12b: {  	[sflag:s30] =	ssyncset.done $0x0  }
0x12c: {  	[sflag:s30] =	ssyncadd.s32 $0xFFFFF800  }
0x12d: {  	_ =	swait.ge [sflag:s30], $0x800  }
0x12e: {  	[sflag:s30] =	ssyncset.done $0x0  }
0x12f: {  	[sflag:s30] =	ssyncadd.s32 $0xFFFFF800  }
0x130: {  	_ =	swait.ge [sflag:s30], $0x800  }
0x131: {  	[sflag:s30] =	ssyncset.done $0x0  }
0x132: {  	[sflag:s30] =	ssyncadd.s32 $0xFFFFF800  }
0x133: {  	_ =	swait.ge [sflag:s30], $0x800  }
0x134: {  	[sflag:s30] =	ssyncset.done $0x0  }
0x135: {  	[sflag:s30] =	ssyncadd.s32 $0xFFFFF800  }
0x136: {  	_ =	swait.ge [sflag:s30], $0x800  }
0x137: {  	[sflag:s30] =	ssyncset.done $0x0  }
0x138: {  	[sflag:s30] =	ssyncadd.s32 $0xFFFFF800  }
0x139: {  	_ =	swait.ge [sflag:s30], $0x800  }
0x13a: {  	[sflag:s30] =	ssyncset.done $0x0  }
0x13b: {  	[sflag:s30] =	ssyncadd.s32 $0xFFFFF800  }
0x13c: {  	_ =	swait.ge [sflag:s30], $0x800  }
0x13d: {  	[sflag:s30] =	ssyncset.done $0x0  }
0x13e: {  	[sflag:s30] =	ssyncadd.s32 $0xFFFFF800  }
0x13f: {  	v16 =	vld [tilespmem:s12+$0xFFFFFFF0];
	_ =	sdelay $0x3  }
0x140: {  	s5 =	sand.u32 $0x1, s31  }
0x141: {  	s5 =	sshll.u32 s5, $0xF;
	v16 =	vand.u32 $0x7F, v16  }
0x142: {  	v16 =	vor.u32 s5, v16  }
0x143: {  	v17 =	vor.u32 v0, v16;
	_ =	sdelay $0x4  }
0x144: {  	v17 =	vld.idx.msk [tilespmem:v17+s10+$0x0], $0xffff  }
0x145: {  	v18 =	vor.u32 v1, v16;
	_ =	sdelay $0x1  }
0x146: {  	s16 =	sand.u32 $0x70, s3;
	s15 =	sand.u32 $0xC00, s14  }
0x147: {  	s5 =	sor.u32 s16, s15  }
0x148: {  	[tilespmem:s5+$0x12400] =	vst v17  }
0x149: {  	v17 =	vld.idx.msk [tilespmem:v18+s10+$0x0], $0xffff  }
0x14a: {  	v51 =	vor.u32 v2, v16;
	_ =	sdelay $0x2  }
0x14b: {  	s15 =	sadd.s32 $0x12400, s5  }
0x14c: {  	[tilespmem:s15+$0x80] =	vst v17  }
0x14d: {  	v17 =	vld.idx.msk [tilespmem:v51+s10+$0x0], $0xffff  }
0x14e: {  	v52 =	vor.u32 v3, v16;
	_ =	sdelay $0x3  }
0x14f: {  	[tilespmem:s15+$0x100] =	vst v17  }
0x150: {  	v17 =	vld.idx.msk [tilespmem:v52+s10+$0x0], $0xffff  }
0x151: {  	v53 =	vor.u32 v4, v16;
	_ =	sdelay $0x3  }
0x152: {  	[tilespmem:s15+$0x180] =	vst v17  }
0x153: {  	v17 =	vld.idx.msk [tilespmem:v53+s10+$0x0], $0xffff  }
0x154: {  	v54 =	vor.u32 v5, v16;
	_ =	sdelay $0x3  }
0x155: {  	[tilespmem:s15+$0x200] =	vst v17  }
0x156: {  	v17 =	vld.idx.msk [tilespmem:v54+s10+$0x0], $0xffff  }
0x157: {  	v55 =	vor.u32 v6, v16;
	_ =	sdelay $0x3  }
0x158: {  	[tilespmem:s15+$0x280] =	vst v17  }
0x159: {  	v17 =	vld.idx.msk [tilespmem:v55+s10+$0x0], $0xffff  }
0x15a: {  	v56 =	vor.u32 v7, v16;
	_ =	sdelay $0x3  }
0x15b: {  	[tilespmem:s15+$0x300] =	vst v17  }
0x15c: {  	v17 =	vld.idx.msk [tilespmem:v56+s10+$0x0], $0xffff  }
0x15d: {  	v57 =	vor.u32 v8, v16;
	_ =	sdelay $0x1  }
0x15e: {  	s16 =	sor.u32 s14, s3  }
0x15f: {  	s15 =	sor.u32 $0x380, s16  }
0x160: {  	[tilespmem:s15+$0x12400] =	vst v17  }
0x161: {  	v17 =	vld.idx.msk [tilespmem:v57+s10+$0x0], $0xffff  }
0x162: {  	v58 =	vor.u32 v9, v16;
	_ =	sdelay $0x3  }
0x163: {  	[tilespmem:s5+$0x13400] =	vst v17  }
0x164: {  	v17 =	vld.idx.msk [tilespmem:v58+s10+$0x0], $0xffff  }
0x165: {  	v59 =	vor.u32 v10, v16;
	_ =	sdelay $0x3  }
0x166: {  	[tilespmem:s5+$0x13480] =	vst v17  }
0x167: {  	v17 =	vld.idx.msk [tilespmem:v59+s10+$0x0], $0xffff  }
0x168: {  	v60 =	vor.u32 v11, v16;
	_ =	sdelay $0x3  }
0x169: {  	[tilespmem:s5+$0x13500] =	vst v17  }
0x16a: {  	v17 =	vld.idx.msk [tilespmem:v60+s10+$0x0], $0xffff  }
0x16b: {  	v61 =	vor.u32 v12, v16;
	_ =	sdelay $0x3  }
0x16c: {  	[tilespmem:s5+$0x13580] =	vst v17  }
0x16d: {  	v17 =	vld.idx.msk [tilespmem:v61+s10+$0x0], $0xffff  }
0x16e: {  	v62 =	vor.u32 v13, v16;
	_ =	sdelay $0x3  }
0x16f: {  	[tilespmem:s5+$0x13600] =	vst v17  }
0x170: {  	v17 =	vld.idx.msk [tilespmem:v62+s10+$0x0], $0xffff  }
0x171: {  	v63 =	vor.u32 v14, v16;
	_ =	sdelay $0x3  }
0x172: {  	[tilespmem:s5+$0x13680] =	vst v17  }
0x173: {  	v17 =	vld.idx.msk [tilespmem:v63+s10+$0x0], $0xffff  }
0x174: {  	v16 =	vor.u32 v15, v16;
	_ =	sdelay $0x3  }
0x175: {  	s14 =	sadd.s32 $0x80, s14;
	[tilespmem:s5+$0x13700] =	vst v17  }
0x176: {  	p0 =	sne.s32 s14, $0x1000;
	v16 =	vld.idx.msk [tilespmem:v16+s10+$0x0], $0xffff  }
.Ltmp5:
0x177: {  	_ = 	snop;
	(pc) =	sbr.rel @!p0 .LBB2_9-.Ltmp5, $3  }
0x178: {  	_ =	sdelay $0x1  }
0x179: {  	s4 =	sadd.s32 $0x8000, s4  }
0x17a: {  	s31 =	sadd.s32 $0x1, s31;
	s12 =	sadd.s32 $0x10, s12;
	s3 =	sadd.s32 $0x10, s3;
	[tilespmem:s5+$0x13780] =	vst v16  }
.LBB2_6:
0x17b: {  	p0 =	seq.s32 s14, $0xF80  }
.Ltmp6:
0x17c: {  	_ = 	snop;
	(pc) =	sbr.rel @p0 .LBB2_8-.Ltmp6, $1  }
0x17d: {  	_ =	sdelay $0x3  }
0x17e: {  	v16 =	vld [tilespmem:s12+$0x0];
	_ =	sdelay $0x4  }
0x17f: {  	v16 =	vand.u32 $0xFFFFFF80, v16  }
0x180: {  	v16 =	vadd.s32 s2, v16  }
0x181: {  	(v2sf) =	vpush v16, $0x0;
	_ =	sdelay $0x1  }
0x182: {  	(v2sf) =	vpush v16, $0x1;
	_ =	sdelay $0x1  }
0x183: {  	(v2sf) =	vpush v16, $0x2;
	_ =	sdelay $0x1  }
0x184: {  	(v2sf) =	vpush v16, $0x3;
	_ =	sdelay $0x1  }
0x185: {  	(v2sf) =	vpush v16, $0x4;
	_ =	sdelay $0x1  }
0x186: {  	(v2sf) =	vpush v16, $0x5;
	_ =	sdelay $0x1  }
0x187: {  	(v2sf) =	vpush v16, $0x6;
	_ =	sdelay $0x1  }
0x188: {  	s5 =	sand.u32 $0x8000, s4;
	(v2sf) =	vpush v16, $0x7  }
0x189: {  	s15 =	sor.u32 $0x400, s5;
	s16 =	spop (v2sf)  }
0x18a: {  	(v2sf) =	vpush v16, $0x8;
	[tilespmem:s15], [sflag:$0x1] =	stream.strided.gather [hbm4b:s16+s10], $0x800, s13, s10, $0x38;
	[tilespmem:$0x14600] =	vst v63  }
0x18b: {  	s15 =	sor.u32 $0xC00, s5;
	s16 =	spop (v2sf)  }
0x18c: {  	(v2sf) =	vpush v16, $0x9;
	[tilespmem:s15], [sflag:$0x1] =	stream.strided.gather [hbm4b:s16+s10], $0x800, s13, s10, $0x38;
	[tilespmem:$0x14600] =	vst v63  }
0x18d: {  	s15 =	sor.u32 $0x1400, s5;
	s16 =	spop (v2sf)  }
0x18e: {  	(v2sf) =	vpush v16, $0xA;
	[tilespmem:s15], [sflag:$0x1] =	stream.strided.gather [hbm4b:s16+s10], $0x800, s13, s10, $0x38;
	[tilespmem:$0x14600] =	vst v63  }
0x18f: {  	s15 =	sor.u32 $0x1C00, s5;
	s16 =	spop (v2sf)  }
0x190: {  	(v2sf) =	vpush v16, $0xB;
	[tilespmem:s15], [sflag:$0x1] =	stream.strided.gather [hbm4b:s16+s10], $0x800, s13, s10, $0x38;
	[tilespmem:$0x14600] =	vst v63  }
0x191: {  	s15 =	sor.u32 $0x2400, s5;
	s16 =	spop (v2sf)  }
0x192: {  	(v2sf) =	vpush v16, $0xC;
	[tilespmem:s15], [sflag:$0x1] =	stream.strided.gather [hbm4b:s16+s10], $0x800, s13, s10, $0x38;
	[tilespmem:$0x14600] =	vst v63  }
0x193: {  	s15 =	sor.u32 $0x2C00, s5;
	s16 =	spop (v2sf)  }
0x194: {  	(v2sf) =	vpush v16, $0xD;
	[tilespmem:s15], [sflag:$0x1] =	stream.strided.gather [hbm4b:s16+s10], $0x800, s13, s10, $0x38;
	[tilespmem:$0x14600] =	vst v63  }
0x195: {  	s15 =	sor.u32 $0x3400, s5;
	s16 =	spop (v2sf)  }
0x196: {  	[tilespmem:s15], [sflag:$0x1] =	stream.strided.gather [hbm4b:s16+s10], $0x800, s13, s10, $0x38;
	[tilespmem:$0x14600] =	vst v63  }
0x197: {  	(v2sf) =	vpush v16, $0xE;
	s15 =	sor.u32 $0x3C00, s5;
	s16 =	spop (v2sf)  }
0x198: {  	[tilespmem:s15], [sflag:$0x1] =	stream.strided.gather [hbm4b:s16+s10], $0x800, s13, s10, $0x38;
	[tilespmem:$0x14600] =	vst v63  }
0x199: {  	(v2sf) =	vpush v16, $0xF;
	s15 =	spop (v2sf);
	s16 =	sor.u32 $0x4400, s5  }
0x19a: {  	[tilespmem:s16], [sflag:$0x1] =	stream.strided.gather [hbm4b:s15+s10], $0x800, s13, s10, $0x38;
	[tilespmem:$0x14600] =	vst v63  }
0x19b: {  	s15 =	spop (v2sf);
	s16 =	sor.u32 $0x4C00, s5  }
0x19c: {  	[tilespmem:s16], [sflag:$0x1] =	stream.strided.gather [hbm4b:s15+s10], $0x800, s13, s10, $0x38;
	[tilespmem:$0x14600] =	vst v63  }
0x19d: {  	s15 =	spop (v2sf);
	s16 =	sor.u32 $0x5400, s5  }
0x19e: {  	[tilespmem:s16], [sflag:$0x1] =	stream.strided.gather [hbm4b:s15+s10], $0x800, s13, s10, $0x38;
	[tilespmem:$0x14600] =	vst v63  }
0x19f: {  	s15 =	spop (v2sf);
	s16 =	sor.u32 $0x5C00, s5  }
0x1a0: {  	[tilespmem:s16], [sflag:$0x1] =	stream.strided.gather [hbm4b:s15+s10], $0x800, s13, s10, $0x38;
	[tilespmem:$0x14600] =	vst v63  }
0x1a1: {  	s15 =	spop (v2sf);
	s16 =	sor.u32 $0x6400, s5  }
0x1a2: {  	[tilespmem:s16], [sflag:$0x1] =	stream.strided.gather [hbm4b:s15+s10], $0x800, s13, s10, $0x38;
	[tilespmem:$0x14600] =	vst v63  }
0x1a3: {  	s15 =	spop (v2sf);
	s16 =	sor.u32 $0x6C00, s5  }
0x1a4: {  	[tilespmem:s16], [sflag:$0x1] =	stream.strided.gather [hbm4b:s15+s10], $0x800, s13, s10, $0x38;
	[tilespmem:$0x14600] =	vst v63  }
.Ltmp7:
0x1a5: {  	_ = 	snop;
	(pc) =	sbr.rel .LBB2_8-.Ltmp7, $4  }
0x1a6: {  	s15 =	spop (v2sf);
	s16 =	sor.u32 $0x7400, s5  }
0x1a7: {  	[tilespmem:s16], [sflag:$0x1] =	stream.strided.gather [hbm4b:s15+s10], $0x800, s13, s10, $0x38;
	[tilespmem:$0x14600] =	vst v63  }
0x1a8: {  	s5 =	sor.u32 $0x7C00, s5;
	s16 =	spop (v2sf)  }
0x1a9: {  	[tilespmem:s5], [sflag:$0x1] =	stream.strided.gather [hbm4b:s16+s10], $0x800, s13, s10, $0x38;
	[tilespmem:$0x14600] =	vst v63  }
.LBB2_9:
0x1aa: {  	s3 =	simm.s32 $0x0  }
0x1ab: {  	s4 =	sand.u32 $0x70, s3;
	s5 =	sand.u32 $0xC00, s3  }
0x1ac: {  	s4 =	sor.u32 s4, s5  }
0x1ad: {  	v16 =	vld [tilespmem:s4+$0x12400]  }
0x1ae: {  	v17 =	vld [tilespmem:s4+$0x10400]  }
0x1af: {  	v18 =	vld [tilespmem:s4+$0x10480]  }
0x1b0: {  	s12 =	sand.u32 $0xFFFFFC00, s3;
	v19 =	vld [tilespmem:s4+$0x12480]  }
0x1b1: {  	s5 =	sadd.s32 $0x0, s12;
	v20 =	vld [tilespmem:s4+$0x10500]  }
0x1b2: {  	v21 =	vld [tilespmem:s4+$0x12500];
	s12 =	sor.u32 $0x180, s5  }
0x1b3: {  	v22 =	vld [tilespmem:s12+$0x12400];
	v16 =	vmul.f32 v16, v17  }
0x1b4: {  	v17 =	vld [tilespmem:s12+$0x10400]  }
0x1b5: {  	v40 =	vld [tilespmem:s4+$0x10600];
	v18 =	vmul.f32 v19, v18;
	v16 =	vadd.f32 $0.0e+00, v16  }
0x1b6: {  	v23 =	vld [tilespmem:s4+$0x12600]  }
0x1b7: {  	v42 =	vld [tilespmem:s4+$0x10680];
	v41 =	vmul.f32 v21, v20;
	v16 =	vadd.f32 v18, v16  }
0x1b8: {  	v43 =	vld [tilespmem:s4+$0x12680]  }
0x1b9: {  	s3 =	sor.u32 s3, s3;
	v44 =	vld [tilespmem:s4+$0x10700];
	v17 =	vmul.f32 v22, v17;
	v16 =	vadd.f32 v41, v16  }
0x1ba: {  	s14 =	sor.u32 $0x380, s3;
	v45 =	vld [tilespmem:s4+$0x12700]  }
0x1bb: {  	v46 =	vld [tilespmem:s14+$0x10400];
	v16 =	vadd.f32 v17, v16;
	v17 =	vmul.f32 v23, v40  }
0x1bc: {  	v47 =	vld [tilespmem:s14+$0x12400]  }
0x1bd: {  	v48 =	vld [tilespmem:s4+$0x11400];
	v16 =	vadd.f32 v17, v16;
	v17 =	vmul.f32 v43, v42  }
0x1be: {  	v49 =	vld [tilespmem:s4+$0x13400]  }
0x1bf: {  	v50 =	vld [tilespmem:s4+$0x11480];
	v16 =	vadd.f32 v17, v16;
	v17 =	vmul.f32 v45, v44  }
0x1c0: {  	v51 =	vld [tilespmem:s4+$0x13480]  }
0x1c1: {  	v52 =	vld [tilespmem:s4+$0x11500];
	v16 =	vadd.f32 v17, v16;
	v17 =	vmul.f32 v47, v46  }
0x1c2: {  	v53 =	vld [tilespmem:s4+$0x13500];
	s5 =	sor.u32 $0x1180, s5  }
0x1c3: {  	v54 =	vld [tilespmem:s5+$0x10400];
	v16 =	vadd.f32 v17, v16;
	v17 =	vmul.f32 v49, v48  }
0x1c4: {  	v55 =	vld [tilespmem:s5+$0x12400]  }
0x1c5: {  	v56 =	vld [tilespmem:s4+$0x11600];
	v16 =	vadd.f32 v17, v16;
	v17 =	vmul.f32 v51, v50  }
0x1c6: {  	v57 =	vld [tilespmem:s4+$0x13600]  }
0x1c7: {  	v58 =	vld [tilespmem:s4+$0x11680];
	v16 =	vadd.f32 v17, v16;
	v17 =	vmul.f32 v53, v52  }
0x1c8: {  	v59 =	vld [tilespmem:s4+$0x13680]  }
0x1c9: {  	v60 =	vld [tilespmem:s4+$0x11700];
	v16 =	vadd.f32 v17, v16;
	v17 =	vmul.f32 v55, v54  }
0x1ca: {  	s3 =	sor.u32 $0x1380, s3;
	v61 =	vld [tilespmem:s4+$0x13700]  }
0x1cb: {  	v62 =	vld [tilespmem:s3+$0x10400];
	v16 =	vadd.f32 v17, v16;
	v17 =	vmul.f32 v57, v56  }
0x1cc: {  	v63 =	vld [tilespmem:s3+$0x12400]  }
0x1cd: {  	v16 =	vadd.f32 v17, v16;
	v17 =	vmul.f32 v59, v58;
	_ =	sdelay $0x1  }
0x1ce: {  	v16 =	vadd.f32 v17, v16;
	v17 =	vmul.f32 v61, v60;
	_ =	sdelay $0x1  }
0x1cf: {  	v16 =	vadd.f32 v17, v16;
	v17 =	vmul.f32 v63, v62;
	_ =	sdelay $0x1  }
0x1d0: {  	s14 =	simm.s32 $0x80;
	s12 =	simm.s32 $0x10;
	v16 =	vadd.f32 v17, v16  }
0x1d1: {  	s3 =	simm.s32 $0x14400;
	s16 =	sand.u32 $0xC00, s14;
	s15 =	sand.u32 $0x70, s12  }
0x1d2: {  	s31 =	simm.s32 $0x20;
	s4 =	sor.u32 s15, s16;
	[tilespmem:s3+$0x0] =	vst v16  }
.LBB2_10:
0x1d3: {  	p0 =	sne.s32 s31, $0x1F0;
	v16 =	vld [tilespmem:s4+$0x12400]  }
0x1d4: {  	v17 =	vld [tilespmem:s4+$0x10400]  }
0x1d5: {  	v18 =	vld [tilespmem:s4+$0x10480]  }
0x1d6: {  	s5 =	sand.u32 $0xFFFFFC00, s14;
	v19 =	vld [tilespmem:s4+$0x12480]  }
0x1d7: {  	s5 =	sadd.s32 s5, s12;
	v20 =	vld [tilespmem:s4+$0x10500]  }
0x1d8: {  	s15 =	sor.u32 $0x180, s5;
	v21 =	vld [tilespmem:s4+$0x12500]  }
0x1d9: {  	v16 =	vmul.f32 v16, v17;
	v17 =	vld [tilespmem:s15+$0x10400]  }
0x1da: {  	v22 =	vld [tilespmem:s15+$0x12400]  }
0x1db: {  	v16 =	vadd.f32 $0.0e+00, v16;
	v18 =	vmul.f32 v19, v18;
	v19 =	vld [tilespmem:s4+$0x10600]  }
0x1dc: {  	v23 =	vld [tilespmem:s4+$0x12600]  }
0x1dd: {  	v16 =	vadd.f32 v18, v16;
	v18 =	vmul.f32 v21, v20;
	v20 =	vld [tilespmem:s4+$0x10680]  }
0x1de: {  	v21 =	vld [tilespmem:s4+$0x12680]  }
0x1df: {  	s15 =	sor.u32 s12, s14;
	s12 =	smov.u32 s31;
	v16 =	vadd.f32 v18, v16;
	v17 =	vmul.f32 v22, v17;
	v18 =	vld [tilespmem:s4+$0x10700]  }
0x1e0: {  	s16 =	sor.u32 $0x380, s15;
	v22 =	vld [tilespmem:s4+$0x12700]  }
0x1e1: {  	v16 =	vadd.f32 v17, v16;
	v17 =	vmul.f32 v23, v19;
	v19 =	vld [tilespmem:s16+$0x10400]  }
0x1e2: {  	v23 =	vld [tilespmem:s16+$0x12400]  }
0x1e3: {  	v16 =	vadd.f32 v17, v16;
	v17 =	vmul.f32 v21, v20;
	v20 =	vld [tilespmem:s4+$0x11400]  }
0x1e4: {  	v21 =	vld [tilespmem:s4+$0x13400]  }
0x1e5: {  	v16 =	vadd.f32 v17, v16;
	v17 =	vmul.f32 v22, v18;
	v18 =	vld [tilespmem:s4+$0x11480]  }
0x1e6: {  	v22 =	vld [tilespmem:s4+$0x13480]  }
0x1e7: {  	v16 =	vadd.f32 v17, v16;
	v17 =	vmul.f32 v23, v19;
	v19 =	vld [tilespmem:s4+$0x11500]  }
0x1e8: {  	s5 =	sor.u32 $0x1180, s5;
	v23 =	vld [tilespmem:s4+$0x13500]  }
0x1e9: {  	v16 =	vadd.f32 v17, v16;
	v17 =	vmul.f32 v21, v20;
	v20 =	vld [tilespmem:s5+$0x10400]  }
0x1ea: {  	v21 =	vld [tilespmem:s5+$0x12400]  }
0x1eb: {  	v16 =	vadd.f32 v17, v16;
	v17 =	vmul.f32 v22, v18;
	v18 =	vld [tilespmem:s4+$0x11600]  }
0x1ec: {  	v22 =	vld [tilespmem:s4+$0x13600]  }
0x1ed: {  	v16 =	vadd.f32 v17, v16;
	v17 =	vmul.f32 v23, v19;
	v19 =	vld [tilespmem:s4+$0x11680]  }
0x1ee: {  	v23 =	vld [tilespmem:s4+$0x13680]  }
0x1ef: {  	v16 =	vadd.f32 v17, v16;
	v17 =	vmul.f32 v21, v20;
	v20 =	vld [tilespmem:s4+$0x11700]  }
0x1f0: {  	v21 =	vld [tilespmem:s4+$0x13700];
	s4 =	sor.u32 $0x1380, s15  }
0x1f1: {  	v16 =	vadd.f32 v17, v16;
	v17 =	vmul.f32 v22, v18;
	v18 =	vld [tilespmem:s4+$0x10400]  }
0x1f2: {  	v22 =	vld [tilespmem:s4+$0x12400]  }
0x1f3: {  	v16 =	vadd.f32 v17, v16;
	v17 =	vmul.f32 v23, v19;
	_ =	sdelay $0x1  }
0x1f4: {  	v16 =	vadd.f32 v17, v16;
	v17 =	vmul.f32 v21, v20;
	_ =	sdelay $0x1  }
.Ltmp8:
0x1f5: {  	v16 =	vadd.f32 v17, v16;
	v17 =	vmul.f32 v22, v18;
	(pc) =	sbr.rel @p0 .LBB2_10-.Ltmp8, $4  }
0x1f6: {  	_ = 	snop  }
0x1f7: {  	s14 =	sadd.s32 $0x80, s14;
	v16 =	vadd.f32 v17, v16  }
0x1f8: {  	s3 =	sadd.s32 $0x10, s3;
	s5 =	sand.u32 $0xC00, s14;
	s4 =	sand.u32 $0x70, s31  }
0x1f9: {  	s31 =	sadd.s32 $0x10, s31;
	s4 =	sor.u32 s4, s5;
	[tilespmem:s3+$0x0] =	vst v16  }
0x1fa: {  	v16 =	vld [tilespmem:s4+$0x12400]  }
0x1fb: {  	v17 =	vld [tilespmem:s4+$0x10400]  }
0x1fc: {  	v18 =	vld [tilespmem:s4+$0x10480]  }
0x1fd: {  	s5 =	sand.u32 $0xFFFFFC00, s14;
	v19 =	vld [tilespmem:s4+$0x12480]  }
0x1fe: {  	v20 =	vld [tilespmem:s4+$0x10500];
	s5 =	sadd.s32 s5, s12  }
0x1ff: {  	v21 =	vld [tilespmem:s4+$0x12500];
	s15 =	sor.u32 $0x180, s5  }
0x200: {  	v22 =	vld [tilespmem:s15+$0x12400];
	v16 =	vmul.f32 v16, v17  }
0x201: {  	v17 =	vld [tilespmem:s15+$0x10400]  }
0x202: {  	v40 =	vld [tilespmem:s4+$0x10600];
	v18 =	vmul.f32 v19, v18;
	v16 =	vadd.f32 $0.0e+00, v16  }
0x203: {  	v23 =	vld [tilespmem:s4+$0x12600]  }
0x204: {  	v42 =	vld [tilespmem:s4+$0x10680];
	v41 =	vmul.f32 v21, v20;
	v16 =	vadd.f32 v18, v16  }
0x205: {  	v43 =	vld [tilespmem:s4+$0x12680]  }
0x206: {  	v44 =	vld [tilespmem:s4+$0x10700];
	s15 =	sor.u32 s12, s14;
	v17 =	vmul.f32 v22, v17;
	v16 =	vadd.f32 v41, v16  }
0x207: {  	v45 =	vld [tilespmem:s4+$0x12700];
	s14 =	sor.u32 $0x380, s15  }
0x208: {  	v46 =	vld [tilespmem:s14+$0x10400];
	v16 =	vadd.f32 v17, v16;
	v17 =	vmul.f32 v23, v40  }
0x209: {  	v47 =	vld [tilespmem:s14+$0x12400]  }
0x20a: {  	v48 =	vld [tilespmem:s4+$0x11400];
	v16 =	vadd.f32 v17, v16;
	v17 =	vmul.f32 v43, v42  }
0x20b: {  	v49 =	vld [tilespmem:s4+$0x13400]  }
0x20c: {  	v50 =	vld [tilespmem:s4+$0x11480];
	v16 =	vadd.f32 v17, v16;
	v17 =	vmul.f32 v45, v44  }
0x20d: {  	v51 =	vld [tilespmem:s4+$0x13480]  }
0x20e: {  	v52 =	vld [tilespmem:s4+$0x11500];
	v16 =	vadd.f32 v17, v16;
	v17 =	vmul.f32 v47, v46  }
0x20f: {  	v53 =	vld [tilespmem:s4+$0x13500];
	s5 =	sor.u32 $0x1180, s5  }
0x210: {  	v54 =	vld [tilespmem:s5+$0x10400];
	v16 =	vadd.f32 v17, v16;
	v17 =	vmul.f32 v49, v48  }
0x211: {  	v55 =	vld [tilespmem:s5+$0x12400]  }
0x212: {  	v56 =	vld [tilespmem:s4+$0x11600];
	v16 =	vadd.f32 v17, v16;
	v17 =	vmul.f32 v51, v50  }
0x213: {  	v57 =	vld [tilespmem:s4+$0x13600]  }
0x214: {  	v58 =	vld [tilespmem:s4+$0x11680];
	v16 =	vadd.f32 v17, v16;
	v17 =	vmul.f32 v53, v52  }
0x215: {  	v59 =	vld [tilespmem:s4+$0x13680]  }
0x216: {  	v60 =	vld [tilespmem:s4+$0x11700];
	v16 =	vadd.f32 v17, v16;
	v17 =	vmul.f32 v55, v54  }
0x217: {  	v61 =	vld [tilespmem:s4+$0x13700];
	s16 =	sor.u32 $0x1380, s15  }
0x218: {  	v62 =	vld [tilespmem:s16+$0x10400];
	v16 =	vadd.f32 v17, v16;
	v17 =	vmul.f32 v57, v56  }
0x219: {  	v63 =	vld [tilespmem:s16+$0x12400]  }
0x21a: {  	v16 =	vadd.f32 v17, v16;
	v17 =	vmul.f32 v59, v58;
	_ =	sdelay $0x1  }
0x21b: {  	v16 =	vadd.f32 v17, v16;
	v17 =	vmul.f32 v61, v60;
	_ =	sdelay $0x1  }
0x21c: {  	v16 =	vadd.f32 v17, v16;
	v17 =	vmul.f32 v63, v62;
	_ =	sdelay $0x1  }
0x21d: {  	s0 =	sadd.s32 $0x1, s0;
	v16 =	vadd.f32 v17, v16  }
0x21e: {  	s3 =	sadd.s32 $0x10, s3;
	p0 =	sne.s32 s0, s8  }
.Ltmp9:
0x21f: {  	s31 =	simm.s32 $0x14400;
	[tilespmem:s3+$0x0] =	vst v16;
	(pc) =	sbr.rel @p0 .LBB2_1-.Ltmp9, $4  }
0x220: {  	[hbm4b:s7+s9] =	stream.strided.scatter [tilespmem:s31], [sflag:$0x2], $0x200, s10, s9, $0x38;
	[tilespmem:$0x14600] =	vst v63  }
0x221: {  	_ =	swait.ge [sflag:s11], $0x200  }
0x222: {  	[sflag:s11] =	ssyncset.done $0x0  }
0x223: {  	[sflag:s11] =	ssyncadd.s32 $0xFFFFFE00  }
0x224: {  	_ =	sfence.sel $0x180000  }
0x225: {  	[bflag:$0x0] =	sbarrier.arrive $0xFFFF  }
0x226: {  	_ =	strace $0x90000047  }
0x227: {  	s0 =	stileid.u32;
	[bflag:$0x2] =	sbarrier.arrive $0xFFFF  }
0x228: {  	p0 =	sne.s32 s0, $0x0;
	s0 =	rddreg [dreg:$0x5]  }
0x229: {  	s0 =	sadd.s32 @!p0 $0x100000, s0  }
0x22a: {  	[sflag:s0] =	ssyncadd.tile.s32 @!p0 $0x1;
	_ =	shalt  }
.Lfunc_end2:
_tile_overlayer_lowered:
.L_overlay_start_2:
0x22b: {  	(tag) =	ssettag $0x2  }
0x22c: {  	s0 =	rddreg [dreg:$0x0];
	s2 =	stileid.u32  }
0x22d: {  	s1 =	rddreg [dreg:$0x1];
	p0 =	sne.s32 s2, $0x0  }
0x22e: {  	s3 =	rddreg [dreg:$0x2];
	[bflag:$0x3] =	sbarrier.arrive $0xFFFF;
	s2 =	simm.s32 @!p0 $0x1C02  }
0x22f: {  	[timem:s3], [sflag:s2] =	dma.local @!p0 [hbm:s0], s1  }
0x230: {  	s0 =	simm.s32 @!p0 $0x2  }
0x231: {  	_ =	swait.ge @!p0 [sflag:s0], s1  }
0x232: {  	s1 =	ssub.s32 @!p0 $0x0, s1;
	[sflag:s0] =	ssyncset.done @!p0 $0x0  }
0x233: {  	[sflag:s0] =	ssyncadd.s32 @!p0 s1  }
0x234: {  	[bflag:$0x3] =	sbarrier.arrive $0xFFFF  }
0x235: {  	_ =	shalt  }

</sc_bundles>
